<compile_context>
chip_gen: v7x
topology: tpu7x:2x2x1
jax: 0.10.2.dev20260603
libtpu: 0.0.44.dev20260713+nightly
codegen_flags: <defaults>
</compile_context>

<pallas_src>
import jax
import jax.numpy as jnp
from jax import lax
from jax.experimental import pallas as pl
from jax.experimental.pallas import tpu as pltpu
from jax.experimental.pallas import tpu_sc as plsc

N_NODES = 10000
N_EDGES = 320000
D_IN, D_HID, D_LAT = 128, 64, 32
N_GRAPHS = 64

NB = 10240
NC, NS = 2, 16
NW = NC * NS
CHUNK = 128
KCH = 80
RPT = NB // NS
DUMMY = N_NODES
ROW_BLK = 2048


def _mesh():
    return plsc.VectorSubcoreMesh(
        core_axis_name="c", subcore_axis_name="s", num_cores=NC, num_subcores=NS
    )



def _deg_body(dst_hbm, counts_hbm, dst_v, ones_v, zero_v, acc_sh):
    c = lax.axis_index("c")
    s = lax.axis_index("s")

    def fill_ones(i, _):
        ones_v[pl.ds(i * 16, 16)] = jnp.full((16,), 1.0, jnp.float32)
        return 0

    lax.fori_loop(0, CHUNK // 16, fill_ones, 0)

    def fill_zero(i, _):
        zero_v[pl.ds(i * 16, 16)] = jnp.zeros((16,), jnp.float32)
        return 0

    lax.fori_loop(0, RPT // 16, fill_zero, 0)

    pltpu.sync_copy(zero_v, acc_sh.at[pl.ds(s * RPT, RPT)])
    pltpu.sync_copy(dst_hbm.at[c, s], dst_v)
    plsc.subcore_barrier()

    def body(j, _):
        pltpu.sync_copy(ones_v, acc_sh.at[dst_v.at[j]], add=True)
        return 0

    lax.fori_loop(0, KCH, body, 0)
    plsc.subcore_barrier()
    pltpu.sync_copy(
        acc_sh.at[pl.ds(s * RPT, RPT)], counts_hbm.at[c, pl.ds(s * RPT, RPT)]
    )


def _deg(dst_p):
    f = pl.kernel(
        _deg_body,
        out_type=jax.ShapeDtypeStruct((NC, NB), jnp.float32),
        mesh=_mesh(),
        scratch_types=[
            pltpu.VMEM((KCH, CHUNK), jnp.int32),
            pltpu.VMEM((CHUNK,), jnp.float32),
            pltpu.VMEM((RPT,), jnp.float32),
            pltpu.VMEM_SHARED((NB,), jnp.float32),
        ],
    )
    return f(dst_p)





def _agg_body(hs_hbm, src_hbm, dst_hbm, part_hbm,
              src_v, dst_v, msg, zero_v, acc_sh, gsem, ssem):
    d = zero_v.shape[1]
    nbuf = msg.shape[0]
    ngrp = KCH // nbuf
    c = lax.axis_index("c")
    s = lax.axis_index("s")

    def fz(i, _):
        def fz2(k, _):
            zero_v[i, pl.ds(k * 16, 16)] = jnp.zeros((16,), jnp.float32)
            return 0
        lax.fori_loop(0, d // 16, fz2, 0)
        return 0

    lax.fori_loop(0, CHUNK, fz, 0)
    for r in range(RPT // CHUNK):
        pltpu.sync_copy(zero_v, acc_sh.at[pl.ds(s * RPT + r * CHUNK, CHUNK)])

    pltpu.sync_copy(src_hbm.at[c, s], src_v)
    pltpu.sync_copy(dst_hbm.at[c, s], dst_v)
    plsc.subcore_barrier()

    for b in range(nbuf):
        pltpu.async_copy(hs_hbm.at[src_v.at[b]], msg.at[b], gsem.at[b])

    def body(g, _):
        for b in range(nbuf):
            j = g * nbuf + b
            pltpu.make_async_copy(
                hs_hbm.at[src_v.at[j]], msg.at[b], gsem.at[b]
            ).wait()
            pltpu.async_copy(
                msg.at[b], acc_sh.at[dst_v.at[j]], ssem.at[b], add=True
            )
        for b in range(nbuf):
            j = g * nbuf + b
            pltpu.make_async_copy(
                msg.at[b], acc_sh.at[dst_v.at[j]], ssem.at[b]
            ).wait()

            @pl.when(g < ngrp - 1)
            def _():
                pltpu.async_copy(
                    hs_hbm.at[src_v.at[j + nbuf]], msg.at[b], gsem.at[b]
                )
        return 0

    lax.fori_loop(0, ngrp, body, 0)
    plsc.subcore_barrier()
    pltpu.sync_copy(
        acc_sh.at[pl.ds(s * RPT, RPT)], part_hbm.at[c, pl.ds(s * RPT, RPT)]
    )


def _agg(hs, src_p, dst_p, d, nbuf):
    f = pl.kernel(
        _agg_body,
        out_type=jax.ShapeDtypeStruct((NC, NB, d), jnp.float32),
        mesh=_mesh(),
        compiler_params=pltpu.CompilerParams(use_tc_tiling_on_sc=False),
        scratch_types=[
            pltpu.VMEM((KCH, CHUNK), jnp.int32),
            pltpu.VMEM((KCH, CHUNK), jnp.int32),
            pltpu.VMEM((nbuf, CHUNK, d), jnp.float32),
            pltpu.VMEM((CHUNK, d), jnp.float32),
            pltpu.VMEM_SHARED((NB, d), jnp.float32),
            pltpu.SemaphoreType.DMA((nbuf,)),
            pltpu.SemaphoreType.DMA((nbuf,)),
        ],
    )
    return f(hs, src_p, dst_p)



def _mm1_body(x_ref, w_ref, cnt_ref, hs_ref, dis_ref):
    i = pl.program_id(0)
    dis = lax.rsqrt(cnt_ref[0] + cnt_ref[1] + 1.0)
    h = jnp.dot(x_ref[...], w_ref[...], preferred_element_type=jnp.float32)
    row = i * ROW_BLK + lax.broadcasted_iota(jnp.int32, (ROW_BLK, 1), 0)
    hs_ref[...] = jnp.where(row < N_NODES, h * dis, 0.0)
    dis_ref[...] = dis


def _mm1(x, W1, counts3):
    return pl.pallas_call(
        _mm1_body,
        grid=(NB // ROW_BLK,),
        in_specs=[
            pl.BlockSpec((ROW_BLK, D_IN), lambda i: (i, 0)),
            pl.BlockSpec((D_IN, D_HID), lambda i: (0, 0)),
            pl.BlockSpec((NC, ROW_BLK, 1), lambda i: (0, i, 0)),
        ],
        out_specs=[
            pl.BlockSpec((ROW_BLK, D_HID), lambda i: (i, 0)),
            pl.BlockSpec((ROW_BLK, 1), lambda i: (i, 0)),
        ],
        out_shape=[
            jax.ShapeDtypeStruct((NB, D_HID), jnp.float32),
            jax.ShapeDtypeStruct((NB, 1), jnp.float32),
        ],
    )(x, W1, counts3)


def _mid_body(p_ref, hs1_ref, dis_ref, b1_ref, w2_ref, hs2_ref):
    dis = dis_ref[...]
    t = (p_ref[0] + p_ref[1] + hs1_ref[...]) * dis + b1_ref[...]
    h = jnp.maximum(t, 0.0)
    hs2_ref[...] = (
        jnp.dot(h, w2_ref[...], preferred_element_type=jnp.float32) * dis
    )


def _mid(p1, hs1, dis, b1r, W2):
    return pl.pallas_call(
        _mid_body,
        grid=(NB // ROW_BLK,),
        in_specs=[
            pl.BlockSpec((NC, ROW_BLK, D_HID), lambda i: (0, i, 0)),
            pl.BlockSpec((ROW_BLK, D_HID), lambda i: (i, 0)),
            pl.BlockSpec((ROW_BLK, 1), lambda i: (i, 0)),
            pl.BlockSpec((1, D_HID), lambda i: (0, 0)),
            pl.BlockSpec((D_HID, D_LAT), lambda i: (0, 0)),
        ],
        out_specs=pl.BlockSpec((ROW_BLK, D_LAT), lambda i: (i, 0)),
        out_shape=jax.ShapeDtypeStruct((NB, D_LAT), jnp.float32),
    )(p1, hs1, dis, b1r, W2)


def _pool_body(q_ref, hs2_ref, dis_ref, b2_ref, bat_ref, out_ref, acc_ref):
    i = pl.program_id(0)

    @pl.when(i == 0)
    def _():
        acc_ref[...] = jnp.zeros_like(acc_ref)

    z = (q_ref[0] + q_ref[1] + hs2_ref[...]) * dis_ref[...] + b2_ref[...]
    z1 = jnp.concatenate(
        [z, jnp.ones((ROW_BLK, 1), jnp.float32)], axis=1
    )
    m = (bat_ref[...] == lax.broadcasted_iota(jnp.int32, (1, N_GRAPHS), 1))
    m = m.astype(jnp.float32)
    acc_ref[...] += lax.dot_general(
        m, z1, (((0,), (0,)), ((), ())), preferred_element_type=jnp.float32
    )

    @pl.when(i == pl.num_programs(0) - 1)
    def _():
        a = acc_ref[...]
        out_ref[...] = a[:, :D_LAT] / jnp.maximum(a[:, D_LAT:D_LAT + 1], 1.0)


def _pool(p2, hs2, dis, b2r, bat):
    return pl.pallas_call(
        _pool_body,
        grid=(NB // ROW_BLK,),
        in_specs=[
            pl.BlockSpec((NC, ROW_BLK, D_LAT), lambda i: (0, i, 0)),
            pl.BlockSpec((ROW_BLK, D_LAT), lambda i: (i, 0)),
            pl.BlockSpec((ROW_BLK, 1), lambda i: (i, 0)),
            pl.BlockSpec((1, D_LAT), lambda i: (0, 0)),
            pl.BlockSpec((ROW_BLK, 1), lambda i: (i, 0)),
        ],
        out_specs=pl.BlockSpec((N_GRAPHS, D_LAT), lambda i: (0, 0)),
        out_shape=jax.ShapeDtypeStruct((N_GRAPHS, D_LAT), jnp.float32),
        scratch_shapes=[pltpu.VMEM((N_GRAPHS, D_LAT + 1), jnp.float32)],
    )(p2, hs2, dis, b2r, bat)



@jax.jit
def kernel(x, edge_index, batch, W1, b1, W2, b2):
    src = edge_index[0].astype(jnp.int32)
    dst = edge_index[1].astype(jnp.int32)
    epad = NW * KCH * CHUNK - N_EDGES
    fill = DUMMY + jnp.arange(epad, dtype=jnp.int32) % (NB - N_NODES)
    src_p = jnp.concatenate([src, fill]).reshape(NC, NS, KCH, CHUNK)
    dst_p = jnp.concatenate([dst, fill]).reshape(NC, NS, KCH, CHUNK)
    bat = jnp.pad(
        batch.astype(jnp.int32), (0, NB - N_NODES), constant_values=N_GRAPHS
    ).reshape(NB, 1)

    counts = _deg(dst_p)
    hs1, dis = _mm1(x, W1, counts.reshape(NC, NB, 1))
    p1 = _agg(hs1, src_p, dst_p, D_HID, 5)
    hs2 = _mid(p1, hs1, dis, b1.reshape(1, D_HID), W2)
    p2 = _agg(hs2, src_p, dst_p, D_LAT, 8)
    return _pool(p2, hs2, dis, b2.reshape(1, D_LAT), bat)

# --- scband reference (transcript-rebuilt; emitter-appended) ---
"""Pipeline reference for scband-gcnencoder-38981123178585 (READ-ONLY COPY).

The authoritative reference and input builder live on the scoring server;
editing this copy changes nothing except your own understanding.
"""

import jax, jax.numpy as jnp
import numpy as np

N_NODES = 10000
N_EDGES = 320000
D_IN = 128
D_HID = 64
D_LAT = 32
N_GRAPHS = 64


def setup_inputs(seed: int = 0) -> dict:
    key = jax.random.key(seed)
    k1, k2, k3, k4, k5, k6, k7 = jax.random.split(key, 7)
    x = jax.random.normal(k1, (N_NODES, D_IN), dtype=jnp.float32)
    edge_index = jax.random.randint(k2, (2, N_EDGES), 0, N_NODES, dtype=jnp.int64)
    batch = jnp.sort(jax.random.randint(k3, (N_NODES,), 0, N_GRAPHS, dtype=jnp.int64))
    # GCNConv learned params (glorot-style init)
    W1 = jax.random.normal(k4, (D_IN, D_HID), dtype=jnp.float32) * (1.0 / np.sqrt(D_IN))
    b1 = jnp.zeros((D_HID,), dtype=jnp.float32)
    W2 = jax.random.normal(k5, (D_HID, D_LAT), dtype=jnp.float32) * (1.0 / np.sqrt(D_HID))
    b2 = jnp.zeros((D_LAT,), dtype=jnp.float32)
    return {"x": x, "edge_index": edge_index, "batch": batch, "W1": W1, "b1": b1, "W2": W2, "b2": b2}


def _gcn_conv(x, edge_index, W, b, num_nodes):
    # PyG GCNConv: x' = W x, add self-loops, symmetric normalization, scatter-add, + bias
    h = x @ W
    loop = jnp.arange(num_nodes, dtype=edge_index.dtype)
    src = jnp.concatenate([edge_index[0], loop])
    dst = jnp.concatenate([edge_index[1], loop])
    ones = jnp.ones(src.shape[0], dtype=h.dtype)
    deg = jax.ops.segment_sum(ones, dst, num_segments=num_nodes)
    deg_inv_sqrt = jnp.where(deg > 0, jax.lax.rsqrt(deg), 0.0)
    norm = deg_inv_sqrt[src] * deg_inv_sqrt[dst]
    msg = h[src] * norm[:, None]
    out = jax.ops.segment_sum(msg, dst, num_segments=num_nodes)
    return out + b


def _global_mean_pool(z, batch, num_graphs):
    sums = jax.ops.segment_sum(z, batch, num_segments=num_graphs)
    counts = jax.ops.segment_sum(jnp.ones(z.shape[0], dtype=z.dtype), batch, num_segments=num_graphs)
    counts = jnp.clip(counts, 1.0, None)
    return sums / counts[:, None]


def reference(x, edge_index, batch, W1, b1, W2, b2):
    n = x.shape[0]
    h = jax.nn.relu(_gcn_conv(x, edge_index, W1, b1, n))
    z = _gcn_conv(h, edge_index, W2, b2, n)
    return _global_mean_pool(z, batch, N_GRAPHS)

if __name__ == "__main__":
    import jax
    _d = setup_inputs()
    print(jax.jit(kernel)(*tuple(_d.values())))

</pallas_src>

<mosaic_0001>
#map = affine_map<(d0, d1) -> (0, 0)>
#map1 = affine_map<(d0, d1) -> (0, 0, 0, 0)>
#map2 = affine_map<(d0, d1) -> (0, 0, 0)>
module attributes {stable_mosaic.version = 14 : i64} {
  func.func @_agg_body(%arg0: i32, %arg1: i32, %arg2: memref<10240x64xf32, #tpu.memory_space<hbm>>, %arg3: memref<2x16x80x128xi32, #tpu.memory_space<hbm>>, %arg4: memref<2x16x80x128xi32, #tpu.memory_space<hbm>>, %arg5: memref<2x10240x64xf32, #tpu.memory_space<hbm>>, %arg6: memref<80x128xi32, #tpu.memory_space<vmem>>, %arg7: memref<80x128xi32, #tpu.memory_space<vmem>>, %arg8: memref<5x128x64xf32, #tpu.memory_space<vmem>>, %arg9: memref<128x64xf32, #tpu.memory_space<vmem>>, %arg10: memref<10240x64xf32, #tpu.memory_space<vmem_shared>>, %arg11: memref<5x!tpu.dma_semaphore, #tpu.memory_space<semaphore_mem>>, %arg12: memref<5x!tpu.dma_semaphore, #tpu.memory_space<semaphore_mem>>) attributes {dimension_semantics = [#tpu.dimension_semantics<core_parallel>, #tpu.dimension_semantics<subcore_parallel>], iteration_bounds = array<i64: 2, 16>, scalar_prefetch = 0 : i64, scratch_operands = 7 : i64, tpu.core_type = #tpu.core_type<sc_vector_subcore>, window_params = [{transform_indices = #map}, {transform_indices = #map1}, {transform_indices = #map1}, {transform_indices = #map2}]} {
    %scan3A = arith.constant 0 : i32
    %scan3A_0 = arith.constant 0 : i32
    %scan3A_1 = arith.constant 128 : i32
    %scan3A_2 = arith.addi %scan3A_0, %scan3A_1 : i32
    %scan3A_3 = arith.constant 1 : i32
    %scan3A_4 = scf.for %scan3A_110 = %scan3A_0 to %scan3A_2 step %scan3A_3 iter_args(%scan3A_111 = %scan3A) -> (i32)  : i32 {
      %scan3A_112 = arith.constant 0 : i32
      %scan3A_113 = arith.constant 0 : i32
      %scan3A_114 = arith.constant 4 : i32
      %scan3A_115 = arith.addi %scan3A_113, %scan3A_114 : i32
      %scan3A_116 = arith.constant 1 : i32
      %scan3A_117 = scf.for %scan3A_120 = %scan3A_113 to %scan3A_115 step %scan3A_116 iter_args(%scan3A_121 = %scan3A_112) -> (i32)  : i32 {
        %broadcast_in_dim3A = arith.constant 0.000000e+00 : f32
        %broadcast_in_dim3A_122 = vector.broadcast %broadcast_in_dim3A : f32 to vector<16xf32>
        %mul3A_123 = arith.constant 16 : i32
        %mul3A_124 = arith.muli %scan3A_120, %mul3A_123 : i32
        %swap3A = arith.index_cast %scan3A_110 : i32 to index
        %swap3A_125 = arith.index_cast %mul3A_124 : i32 to index
        %swap3A_126 = tpu.vector_load %arg9[%swap3A, %swap3A_125] {strides = array<i32>} : memref<128x64xf32, #tpu.memory_space<vmem>>, vector<1x16xf32>,
        %swap3A_127 = vector.shape_cast %swap3A_126 : vector<1x16xf32> to vector<16xf32>
        %swap3A_128 = vector.shape_cast %broadcast_in_dim3A_122 : vector<16xf32> to vector<1x16xf32>
        tpu.vector_store %arg9[%swap3A, %swap3A_125], %swap3A_128 {strides = array<i32>} : memref<128x64xf32, #tpu.memory_space<vmem>>, vector<1x16xf32>,
        %scan3A_129 = arith.constant 0 : i32
        scf.yield %scan3A_129 : i32
      }
      %scan3A_118 = arith.constant 4 : i32
      %scan3A_119 = arith.constant 0 : i32
      scf.yield %scan3A_119 : i32
    }
    %scan3A_5 = arith.constant 128 : i32
    %mul3A = arith.constant 640 : i32
    %mul3A_6 = arith.muli %arg1, %mul3A : i32
    %add3A = arith.constant 0 : i32
    %add3A_7 = arith.addi %mul3A_6, %add3A : i32
    "tpu.region"() ({
      %run_scoped3A = tpu.sem_alloc : memref<!tpu.dma_semaphore, #tpu.memory_space<semaphore_mem>>
      %dma_start3A_110 = arith.constant 0 : i32
      %dma_start3A_111 = tpu.memref_slice %arg10[%add3A_7, %dma_start3A_110] : memref<10240x64xf32, #tpu.memory_space<vmem_shared>> -> memref<128x64xf32, #tpu.memory_space<vmem_shared>>
      %dma_start3A_112 = arith.constant 0 : i32
      %dma_start3A_113 = tpu.memref_slice %arg10[%add3A_7, %dma_start3A_112] : memref<10240x64xf32, #tpu.memory_space<vmem_shared>> -> memref<128x64xf32, #tpu.memory_space<vmem_shared>>
      tpu.enqueue_dma source(%arg9 : memref<128x64xf32, #tpu.memory_space<vmem>>) target(%dma_start3A_113 : memref<128x64xf32, #tpu.memory_space<vmem_shared>>) target_semaphore(%run_scoped3A : memref<!tpu.dma_semaphore, #tpu.memory_space<semaphore_mem>>)
      %dma_wait3A = arith.constant 0 : i32
      %dma_wait3A_114 = tpu.memref_slice %arg10[%add3A_7, %dma_wait3A] : memref<10240x64xf32, #tpu.memory_space<vmem_shared>> -> memref<128x64xf32, #tpu.memory_space<vmem_shared>>
      %dma_wait3A_115 = arith.constant 0 : i32
      %dma_wait3A_116 = tpu.memref_slice %arg10[%add3A_7, %dma_wait3A_115] : memref<10240x64xf32, #tpu.memory_space<vmem_shared>> -> memref<128x64xf32, #tpu.memory_space<vmem_shared>>
      tpu.wait_dma2 semaphore(%run_scoped3A : memref<!tpu.dma_semaphore, #tpu.memory_space<semaphore_mem>>) src(%arg9 : memref<128x64xf32, #tpu.memory_space<vmem>>) dst(%dma_wait3A_116 : memref<128x64xf32, #tpu.memory_space<vmem_shared>>)
      tpu.yield
    }) : () -> ()
    %mul3A_8 = arith.constant 640 : i32
    %mul3A_9 = arith.muli %arg1, %mul3A_8 : i32
    %add3A_10 = arith.constant 128 : i32
    %add3A_11 = arith.addi %mul3A_9, %add3A_10 : i32
    "tpu.region"() ({
      %run_scoped3A = tpu.sem_alloc : memref<!tpu.dma_semaphore, #tpu.memory_space<semaphore_mem>>
      %dma_start3A_110 = arith.constant 0 : i32
      %dma_start3A_111 = tpu.memref_slice %arg10[%add3A_11, %dma_start3A_110] : memref<10240x64xf32, #tpu.memory_space<vmem_shared>> -> memref<128x64xf32, #tpu.memory_space<vmem_shared>>
      %dma_start3A_112 = arith.constant 0 : i32
      %dma_start3A_113 = tpu.memref_slice %arg10[%add3A_11, %dma_start3A_112] : memref<10240x64xf32, #tpu.memory_space<vmem_shared>> -> memref<128x64xf32, #tpu.memory_space<vmem_shared>>
      tpu.enqueue_dma source(%arg9 : memref<128x64xf32, #tpu.memory_space<vmem>>) target(%dma_start3A_113 : memref<128x64xf32, #tpu.memory_space<vmem_shared>>) target_semaphore(%run_scoped3A : memref<!tpu.dma_semaphore, #tpu.memory_space<semaphore_mem>>)
      %dma_wait3A = arith.constant 0 : i32
      %dma_wait3A_114 = tpu.memref_slice %arg10[%add3A_11, %dma_wait3A] : memref<10240x64xf32, #tpu.memory_space<vmem_shared>> -> memref<128x64xf32, #tpu.memory_space<vmem_shared>>
      %dma_wait3A_115 = arith.constant 0 : i32
      %dma_wait3A_116 = tpu.memref_slice %arg10[%add3A_11, %dma_wait3A_115] : memref<10240x64xf32, #tpu.memory_space<vmem_shared>> -> memref<128x64xf32, #tpu.memory_space<vmem_shared>>
      tpu.wait_dma2 semaphore(%run_scoped3A : memref<!tpu.dma_semaphore, #tpu.memory_space<semaphore_mem>>) src(%arg9 : memref<128x64xf32, #tpu.memory_space<vmem>>) dst(%dma_wait3A_116 : memref<128x64xf32, #tpu.memory_space<vmem_shared>>)
      tpu.yield
    }) : () -> ()
    %mul3A_12 = arith.constant 640 : i32
    %mul3A_13 = arith.muli %arg1, %mul3A_12 : i32
    %add3A_14 = arith.constant 256 : i32
    %add3A_15 = arith.addi %mul3A_13, %add3A_14 : i32
    "tpu.region"() ({
      %run_scoped3A = tpu.sem_alloc : memref<!tpu.dma_semaphore, #tpu.memory_space<semaphore_mem>>
      %dma_start3A_110 = arith.constant 0 : i32
      %dma_start3A_111 = tpu.memref_slice %arg10[%add3A_15, %dma_start3A_110] : memref<10240x64xf32, #tpu.memory_space<vmem_shared>> -> memref<128x64xf32, #tpu.memory_space<vmem_shared>>
      %dma_start3A_112 = arith.constant 0 : i32
      %dma_start3A_113 = tpu.memref_slice %arg10[%add3A_15, %dma_start3A_112] : memref<10240x64xf32, #tpu.memory_space<vmem_shared>> -> memref<128x64xf32, #tpu.memory_space<vmem_shared>>
      tpu.enqueue_dma source(%arg9 : memref<128x64xf32, #tpu.memory_space<vmem>>) target(%dma_start3A_113 : memref<128x64xf32, #tpu.memory_space<vmem_shared>>) target_semaphore(%run_scoped3A : memref<!tpu.dma_semaphore, #tpu.memory_space<semaphore_mem>>)
      %dma_wait3A = arith.constant 0 : i32
      %dma_wait3A_114 = tpu.memref_slice %arg10[%add3A_15, %dma_wait3A] : memref<10240x64xf32, #tpu.memory_space<vmem_shared>> -> memref<128x64xf32, #tpu.memory_space<vmem_shared>>
      %dma_wait3A_115 = arith.constant 0 : i32
      %dma_wait3A_116 = tpu.memref_slice %arg10[%add3A_15, %dma_wait3A_115] : memref<10240x64xf32, #tpu.memory_space<vmem_shared>> -> memref<128x64xf32, #tpu.memory_space<vmem_shared>>
      tpu.wait_dma2 semaphore(%run_scoped3A : memref<!tpu.dma_semaphore, #tpu.memory_space<semaphore_mem>>) src(%arg9 : memref<128x64xf32, #tpu.memory_space<vmem>>) dst(%dma_wait3A_116 : memref<128x64xf32, #tpu.memory_space<vmem_shared>>)
      tpu.yield
    }) : () -> ()
    %mul3A_16 = arith.constant 640 : i32
    %mul3A_17 = arith.muli %arg1, %mul3A_16 : i32
    %add3A_18 = arith.constant 384 : i32
    %add3A_19 = arith.addi %mul3A_17, %add3A_18 : i32
    "tpu.region"() ({
      %run_scoped3A = tpu.sem_alloc : memref<!tpu.dma_semaphore, #tpu.memory_space<semaphore_mem>>
      %dma_start3A_110 = arith.constant 0 : i32
      %dma_start3A_111 = tpu.memref_slice %arg10[%add3A_19, %dma_start3A_110] : memref<10240x64xf32, #tpu.memory_space<vmem_shared>> -> memref<128x64xf32, #tpu.memory_space<vmem_shared>>
      %dma_start3A_112 = arith.constant 0 : i32
      %dma_start3A_113 = tpu.memref_slice %arg10[%add3A_19, %dma_start3A_112] : memref<10240x64xf32, #tpu.memory_space<vmem_shared>> -> memref<128x64xf32, #tpu.memory_space<vmem_shared>>
      tpu.enqueue_dma source(%arg9 : memref<128x64xf32, #tpu.memory_space<vmem>>) target(%dma_start3A_113 : memref<128x64xf32, #tpu.memory_space<vmem_shared>>) target_semaphore(%run_scoped3A : memref<!tpu.dma_semaphore, #tpu.memory_space<semaphore_mem>>)
      %dma_wait3A = arith.constant 0 : i32
      %dma_wait3A_114 = tpu.memref_slice %arg10[%add3A_19, %dma_wait3A] : memref<10240x64xf32, #tpu.memory_space<vmem_shared>> -> memref<128x64xf32, #tpu.memory_space<vmem_shared>>
      %dma_wait3A_115 = arith.constant 0 : i32
      %dma_wait3A_116 = tpu.memref_slice %arg10[%add3A_19, %dma_wait3A_115] : memref<10240x64xf32, #tpu.memory_space<vmem_shared>> -> memref<128x64xf32, #tpu.memory_space<vmem_shared>>
      tpu.wait_dma2 semaphore(%run_scoped3A : memref<!tpu.dma_semaphore, #tpu.memory_space<semaphore_mem>>) src(%arg9 : memref<128x64xf32, #tpu.memory_space<vmem>>) dst(%dma_wait3A_116 : memref<128x64xf32, #tpu.memory_space<vmem_shared>>)
      tpu.yield
    }) : () -> ()
    %mul3A_20 = arith.constant 640 : i32
    %mul3A_21 = arith.muli %arg1, %mul3A_20 : i32
    %add3A_22 = arith.constant 512 : i32
    %add3A_23 = arith.addi %mul3A_21, %add3A_22 : i32
    "tpu.region"() ({
      %run_scoped3A = tpu.sem_alloc : memref<!tpu.dma_semaphore, #tpu.memory_space<semaphore_mem>>
      %dma_start3A_110 = arith.constant 0 : i32
      %dma_start3A_111 = tpu.memref_slice %arg10[%add3A_23, %dma_start3A_110] : memref<10240x64xf32, #tpu.memory_space<vmem_shared>> -> memref<128x64xf32, #tpu.memory_space<vmem_shared>>
      %dma_start3A_112 = arith.constant 0 : i32
      %dma_start3A_113 = tpu.memref_slice %arg10[%add3A_23, %dma_start3A_112] : memref<10240x64xf32, #tpu.memory_space<vmem_shared>> -> memref<128x64xf32, #tpu.memory_space<vmem_shared>>
      tpu.enqueue_dma source(%arg9 : memref<128x64xf32, #tpu.memory_space<vmem>>) target(%dma_start3A_113 : memref<128x64xf32, #tpu.memory_space<vmem_shared>>) target_semaphore(%run_scoped3A : memref<!tpu.dma_semaphore, #tpu.memory_space<semaphore_mem>>)
      %dma_wait3A = arith.constant 0 : i32
      %dma_wait3A_114 = tpu.memref_slice %arg10[%add3A_23, %dma_wait3A] : memref<10240x64xf32, #tpu.memory_space<vmem_shared>> -> memref<128x64xf32, #tpu.memory_space<vmem_shared>>
      %dma_wait3A_115 = arith.constant 0 : i32
      %dma_wait3A_116 = tpu.memref_slice %arg10[%add3A_23, %dma_wait3A_115] : memref<10240x64xf32, #tpu.memory_space<vmem_shared>> -> memref<128x64xf32, #tpu.memory_space<vmem_shared>>
      tpu.wait_dma2 semaphore(%run_scoped3A : memref<!tpu.dma_semaphore, #tpu.memory_space<semaphore_mem>>) src(%arg9 : memref<128x64xf32, #tpu.memory_space<vmem>>) dst(%dma_wait3A_116 : memref<128x64xf32, #tpu.memory_space<vmem_shared>>)
      tpu.yield
    }) : () -> ()
    "tpu.region"() ({
      %run_scoped3A = tpu.sem_alloc : memref<!tpu.dma_semaphore, #tpu.memory_space<semaphore_mem>>
      %dma_start3A_110 = arith.constant 0 : i32
      %dma_start3A_111 = arith.constant 0 : i32
      %dma_start3A_112 = tpu.memref_slice %arg3[%arg0, %arg1, %dma_start3A_110, %dma_start3A_111] : memref<2x16x80x128xi32, #tpu.memory_space<hbm>> -> memref<1x1x80x128xi32, #tpu.memory_space<hbm>>
      %dma_start3A_113 = tpu.memref_squeeze %dma_start3A_112 : memref<1x1x80x128xi32, #tpu.memory_space<hbm>> -> memref<80x128xi32, #tpu.memory_space<hbm>>
      %dma_start3A_114 = arith.constant 0 : i32
      %dma_start3A_115 = arith.constant 0 : i32
      %dma_start3A_116 = tpu.memref_slice %arg3[%arg0, %arg1, %dma_start3A_114, %dma_start3A_115] : memref<2x16x80x128xi32, #tpu.memory_space<hbm>> -> memref<1x1x80x128xi32, #tpu.memory_space<hbm>>
      %dma_start3A_117 = tpu.memref_squeeze %dma_start3A_116 : memref<1x1x80x128xi32, #tpu.memory_space<hbm>> -> memref<80x128xi32, #tpu.memory_space<hbm>>
      tpu.enqueue_dma source(%dma_start3A_117 : memref<80x128xi32, #tpu.memory_space<hbm>>) target(%arg6 : memref<80x128xi32, #tpu.memory_space<vmem>>) target_semaphore(%run_scoped3A : memref<!tpu.dma_semaphore, #tpu.memory_space<semaphore_mem>>)
      %dma_wait3A = arith.constant 0 : i32
      %dma_wait3A_118 = arith.constant 0 : i32
      %dma_wait3A_119 = tpu.memref_slice %arg3[%arg0, %arg1, %dma_wait3A, %dma_wait3A_118] : memref<2x16x80x128xi32, #tpu.memory_space<hbm>> -> memref<1x1x80x128xi32, #tpu.memory_space<hbm>>
      %dma_wait3A_120 = tpu.memref_squeeze %dma_wait3A_119 : memref<1x1x80x128xi32, #tpu.memory_space<hbm>> -> memref<80x128xi32, #tpu.memory_space<hbm>>
      %dma_wait3A_121 = arith.constant 0 : i32
      %dma_wait3A_122 = arith.constant 0 : i32
      %dma_wait3A_123 = tpu.memref_slice %arg3[%arg0, %arg1, %dma_wait3A_121, %dma_wait3A_122] : memref<2x16x80x128xi32, #tpu.memory_space<hbm>> -> memref<1x1x80x128xi32, #tpu.memory_space<hbm>>
      %dma_wait3A_124 = tpu.memref_squeeze %dma_wait3A_123 : memref<1x1x80x128xi32, #tpu.memory_space<hbm>> -> memref<80x128xi32, #tpu.memory_space<hbm>>
      tpu.wait_dma2 semaphore(%run_scoped3A : memref<!tpu.dma_semaphore, #tpu.memory_space<semaphore_mem>>) src(%dma_wait3A_124 : memref<80x128xi32, #tpu.memory_space<hbm>>) dst(%arg6 : memref<80x128xi32, #tpu.memory_space<vmem>>)
      tpu.yield
    }) : () -> ()
    "tpu.region"() ({
      %run_scoped3A = tpu.sem_alloc : memref<!tpu.dma_semaphore, #tpu.memory_space<semaphore_mem>>
      %dma_start3A_110 = arith.constant 0 : i32
      %dma_start3A_111 = arith.constant 0 : i32
      %dma_start3A_112 = tpu.memref_slice %arg4[%arg0, %arg1, %dma_start3A_110, %dma_start3A_111] : memref<2x16x80x128xi32, #tpu.memory_space<hbm>> -> memref<1x1x80x128xi32, #tpu.memory_space<hbm>>
      %dma_start3A_113 = tpu.memref_squeeze %dma_start3A_112 : memref<1x1x80x128xi32, #tpu.memory_space<hbm>> -> memref<80x128xi32, #tpu.memory_space<hbm>>
      %dma_start3A_114 = arith.constant 0 : i32
      %dma_start3A_115 = arith.constant 0 : i32
      %dma_start3A_116 = tpu.memref_slice %arg4[%arg0, %arg1, %dma_start3A_114, %dma_start3A_115] : memref<2x16x80x128xi32, #tpu.memory_space<hbm>> -> memref<1x1x80x128xi32, #tpu.memory_space<hbm>>
      %dma_start3A_117 = tpu.memref_squeeze %dma_start3A_116 : memref<1x1x80x128xi32, #tpu.memory_space<hbm>> -> memref<80x128xi32, #tpu.memory_space<hbm>>
      tpu.enqueue_dma source(%dma_start3A_117 : memref<80x128xi32, #tpu.memory_space<hbm>>) target(%arg7 : memref<80x128xi32, #tpu.memory_space<vmem>>) target_semaphore(%run_scoped3A : memref<!tpu.dma_semaphore, #tpu.memory_space<semaphore_mem>>)
      %dma_wait3A = arith.constant 0 : i32
      %dma_wait3A_118 = arith.constant 0 : i32
      %dma_wait3A_119 = tpu.memref_slice %arg4[%arg0, %arg1, %dma_wait3A, %dma_wait3A_118] : memref<2x16x80x128xi32, #tpu.memory_space<hbm>> -> memref<1x1x80x128xi32, #tpu.memory_space<hbm>>
      %dma_wait3A_120 = tpu.memref_squeeze %dma_wait3A_119 : memref<1x1x80x128xi32, #tpu.memory_space<hbm>> -> memref<80x128xi32, #tpu.memory_space<hbm>>
      %dma_wait3A_121 = arith.constant 0 : i32
      %dma_wait3A_122 = arith.constant 0 : i32
      %dma_wait3A_123 = tpu.memref_slice %arg4[%arg0, %arg1, %dma_wait3A_121, %dma_wait3A_122] : memref<2x16x80x128xi32, #tpu.memory_space<hbm>> -> memref<1x1x80x128xi32, #tpu.memory_space<hbm>>
      %dma_wait3A_124 = tpu.memref_squeeze %dma_wait3A_123 : memref<1x1x80x128xi32, #tpu.memory_space<hbm>> -> memref<80x128xi32, #tpu.memory_space<hbm>>
      tpu.wait_dma2 semaphore(%run_scoped3A : memref<!tpu.dma_semaphore, #tpu.memory_space<semaphore_mem>>) src(%dma_wait3A_124 : memref<80x128xi32, #tpu.memory_space<hbm>>) dst(%arg7 : memref<80x128xi32, #tpu.memory_space<vmem>>)
      tpu.yield
    }) : () -> ()
    %barrier3A = arith.constant 0 : index
    tpu.barrier barrier_id(%barrier3A)
    %dma_start3A = arith.constant 0 : i32
    %dma_start3A_24 = arith.constant 0 : i32
    %dma_start3A_25 = arith.constant 0 : i32
    %dma_start3A_26 = arith.constant 0 : i32
    %dma_start3A_27 = arith.constant 0 : i32
    %dma_start3A_28 = tpu.memref_slice %arg8[%dma_start3A_24, %dma_start3A_26, %dma_start3A_27] : memref<5x128x64xf32, #tpu.memory_space<vmem>> -> memref<1x128x64xf32, #tpu.memory_space<vmem>>
    %dma_start3A_29 = tpu.memref_squeeze %dma_start3A_28 : memref<1x128x64xf32, #tpu.memory_space<vmem>> -> memref<128x64xf32, #tpu.memory_space<vmem>>
    %dma_start3A_30 = arith.constant 0 : i32
    %dma_start3A_31 = tpu.memref_slice %arg6[%dma_start3A, %dma_start3A_30] : memref<80x128xi32, #tpu.memory_space<vmem>> -> memref<1x128xi32, #tpu.memory_space<vmem>>
    %dma_start3A_32 = tpu.memref_squeeze %dma_start3A_31 : memref<1x128xi32, #tpu.memory_space<vmem>> -> memref<128xi32, #tpu.memory_space<vmem>>
    %dma_start3A_33 = arith.constant 0 : i32
    %dma_start3A_34 = arith.constant 0 : i32
    %dma_start3A_35 = tpu.memref_slice %arg2[%dma_start3A_33, %dma_start3A_34] : memref<10240x64xf32, #tpu.memory_space<hbm>> -> memref<10240x64xf32, #tpu.memory_space<hbm>>
    %dma_start3A_36 = tpu.memref_slice %arg11[%dma_start3A_25] : memref<5x!tpu.dma_semaphore, #tpu.memory_space<semaphore_mem>> -> memref<1x!tpu.dma_semaphore, #tpu.memory_space<semaphore_mem>>
    %dma_start3A_37 = tpu.memref_squeeze %dma_start3A_36 : memref<1x!tpu.dma_semaphore, #tpu.memory_space<semaphore_mem>> -> memref<!tpu.dma_semaphore, #tpu.memory_space<semaphore_mem>>
    tpu.enqueue_indirect_dma source(%dma_start3A_35 : memref<10240x64xf32, #tpu.memory_space<hbm>>) target(%dma_start3A_29 : memref<128x64xf32, #tpu.memory_space<vmem>>) offsets(%dma_start3A_32 : memref<128xi32, #tpu.memory_space<vmem>>) semaphore(%dma_start3A_37 : memref<!tpu.dma_semaphore, #tpu.memory_space<semaphore_mem>>)
    %dma_start3A_38 = arith.constant 1 : i32
    %dma_start3A_39 = arith.constant 1 : i32
    %dma_start3A_40 = arith.constant 1 : i32
    %dma_start3A_41 = arith.constant 0 : i32
    %dma_start3A_42 = arith.constant 0 : i32
    %dma_start3A_43 = tpu.memref_slice %arg8[%dma_start3A_39, %dma_start3A_41, %dma_start3A_42] : memref<5x128x64xf32, #tpu.memory_space<vmem>> -> memref<1x128x64xf32, #tpu.memory_space<vmem>>
    %dma_start3A_44 = tpu.memref_squeeze %dma_start3A_43 : memref<1x128x64xf32, #tpu.memory_space<vmem>> -> memref<128x64xf32, #tpu.memory_space<vmem>>
    %dma_start3A_45 = arith.constant 0 : i32
    %dma_start3A_46 = tpu.memref_slice %arg6[%dma_start3A_38, %dma_start3A_45] : memref<80x128xi32, #tpu.memory_space<vmem>> -> memref<1x128xi32, #tpu.memory_space<vmem>>
    %dma_start3A_47 = tpu.memref_squeeze %dma_start3A_46 : memref<1x128xi32, #tpu.memory_space<vmem>> -> memref<128xi32, #tpu.memory_space<vmem>>
    %dma_start3A_48 = arith.constant 0 : i32
    %dma_start3A_49 = arith.constant 0 : i32
    %dma_start3A_50 = tpu.memref_slice %arg2[%dma_start3A_48, %dma_start3A_49] : memref<10240x64xf32, #tpu.memory_space<hbm>> -> memref<10240x64xf32, #tpu.memory_space<hbm>>
    %dma_start3A_51 = tpu.memref_slice %arg11[%dma_start3A_40] : memref<5x!tpu.dma_semaphore, #tpu.memory_space<semaphore_mem>> -> memref<1x!tpu.dma_semaphore, #tpu.memory_space<semaphore_mem>>
    %dma_start3A_52 = tpu.memref_squeeze %dma_start3A_51 : memref<1x!tpu.dma_semaphore, #tpu.memory_space<semaphore_mem>> -> memref<!tpu.dma_semaphore, #tpu.memory_space<semaphore_mem>>
    tpu.enqueue_indirect_dma source(%dma_start3A_50 : memref<10240x64xf32, #tpu.memory_space<hbm>>) target(%dma_start3A_44 : memref<128x64xf32, #tpu.memory_space<vmem>>) offsets(%dma_start3A_47 : memref<128xi32, #tpu.memory_space<vmem>>) semaphore(%dma_start3A_52 : memref<!tpu.dma_semaphore, #tpu.memory_space<semaphore_mem>>)
    %dma_start3A_53 = arith.constant 2 : i32
    %dma_start3A_54 = arith.constant 2 : i32
    %dma_start3A_55 = arith.constant 2 : i32
    %dma_start3A_56 = arith.constant 0 : i32
    %dma_start3A_57 = arith.constant 0 : i32
    %dma_start3A_58 = tpu.memref_slice %arg8[%dma_start3A_54, %dma_start3A_56, %dma_start3A_57] : memref<5x128x64xf32, #tpu.memory_space<vmem>> -> memref<1x128x64xf32, #tpu.memory_space<vmem>>
    %dma_start3A_59 = tpu.memref_squeeze %dma_start3A_58 : memref<1x128x64xf32, #tpu.memory_space<vmem>> -> memref<128x64xf32, #tpu.memory_space<vmem>>
    %dma_start3A_60 = arith.constant 0 : i32
    %dma_start3A_61 = tpu.memref_slice %arg6[%dma_start3A_53, %dma_start3A_60] : memref<80x128xi32, #tpu.memory_space<vmem>> -> memref<1x128xi32, #tpu.memory_space<vmem>>
    %dma_start3A_62 = tpu.memref_squeeze %dma_start3A_61 : memref<1x128xi32, #tpu.memory_space<vmem>> -> memref<128xi32, #tpu.memory_space<vmem>>
    %dma_start3A_63 = arith.constant 0 : i32
    %dma_start3A_64 = arith.constant 0 : i32
    %dma_start3A_65 = tpu.memref_slice %arg2[%dma_start3A_63, %dma_start3A_64] : memref<10240x64xf32, #tpu.memory_space<hbm>> -> memref<10240x64xf32, #tpu.memory_space<hbm>>
    %dma_start3A_66 = tpu.memref_slice %arg11[%dma_start3A_55] : memref<5x!tpu.dma_semaphore, #tpu.memory_space<semaphore_mem>> -> memref<1x!tpu.dma_semaphore, #tpu.memory_space<semaphore_mem>>
    %dma_start3A_67 = tpu.memref_squeeze %dma_start3A_66 : memref<1x!tpu.dma_semaphore, #tpu.memory_space<semaphore_mem>> -> memref<!tpu.dma_semaphore, #tpu.memory_space<semaphore_mem>>
    tpu.enqueue_indirect_dma source(%dma_start3A_65 : memref<10240x64xf32, #tpu.memory_space<hbm>>) target(%dma_start3A_59 : memref<128x64xf32, #tpu.memory_space<vmem>>) offsets(%dma_start3A_62 : memref<128xi32, #tpu.memory_space<vmem>>) semaphore(%dma_start3A_67 : memref<!tpu.dma_semaphore, #tpu.memory_space<semaphore_mem>>)
    %dma_start3A_68 = arith.constant 3 : i32
    %dma_start3A_69 = arith.constant 3 : i32
    %dma_start3A_70 = arith.constant 3 : i32
    %dma_start3A_71 = arith.constant 0 : i32
    %dma_start3A_72 = arith.constant 0 : i32
    %dma_start3A_73 = tpu.memref_slice %arg8[%dma_start3A_69, %dma_start3A_71, %dma_start3A_72] : memref<5x128x64xf32, #tpu.memory_space<vmem>> -> memref<1x128x64xf32, #tpu.memory_space<vmem>>
    %dma_start3A_74 = tpu.memref_squeeze %dma_start3A_73 : memref<1x128x64xf32, #tpu.memory_space<vmem>> -> memref<128x64xf32, #tpu.memory_space<vmem>>
    %dma_start3A_75 = arith.constant 0 : i32
    %dma_start3A_76 = tpu.memref_slice %arg6[%dma_start3A_68, %dma_start3A_75] : memref<80x128xi32, #tpu.memory_space<vmem>> -> memref<1x128xi32, #tpu.memory_space<vmem>>
    %dma_start3A_77 = tpu.memref_squeeze %dma_start3A_76 : memref<1x128xi32, #tpu.memory_space<vmem>> -> memref<128xi32, #tpu.memory_space<vmem>>
    %dma_start3A_78 = arith.constant 0 : i32
    %dma_start3A_79 = arith.constant 0 : i32
    %dma_start3A_80 = tpu.memref_slice %arg2[%dma_start3A_78, %dma_start3A_79] : memref<10240x64xf32, #tpu.memory_space<hbm>> -> memref<10240x64xf32, #tpu.memory_space<hbm>>
    %dma_start3A_81 = tpu.memref_slice %arg11[%dma_start3A_70] : memref<5x!tpu.dma_semaphore, #tpu.memory_space<semaphore_mem>> -> memref<1x!tpu.dma_semaphore, #tpu.memory_space<semaphore_mem>>
    %dma_start3A_82 = tpu.memref_squeeze %dma_start3A_81 : memref<1x!tpu.dma_semaphore, #tpu.memory_space<semaphore_mem>> -> memref<!tpu.dma_semaphore, #tpu.memory_space<semaphore_mem>>
    tpu.enqueue_indirect_dma source(%dma_start3A_80 : memref<10240x64xf32, #tpu.memory_space<hbm>>) target(%dma_start3A_74 : memref<128x64xf32, #tpu.memory_space<vmem>>) offsets(%dma_start3A_77 : memref<128xi32, #tpu.memory_space<vmem>>) semaphore(%dma_start3A_82 : memref<!tpu.dma_semaphore, #tpu.memory_space<semaphore_mem>>)
    %dma_start3A_83 = arith.constant 4 : i32
    %dma_start3A_84 = arith.constant 4 : i32
    %dma_start3A_85 = arith.constant 4 : i32
    %dma_start3A_86 = arith.constant 0 : i32
    %dma_start3A_87 = arith.constant 0 : i32
    %dma_start3A_88 = tpu.memref_slice %arg8[%dma_start3A_84, %dma_start3A_86, %dma_start3A_87] : memref<5x128x64xf32, #tpu.memory_space<vmem>> -> memref<1x128x64xf32, #tpu.memory_space<vmem>>
    %dma_start3A_89 = tpu.memref_squeeze %dma_start3A_88 : memref<1x128x64xf32, #tpu.memory_space<vmem>> -> memref<128x64xf32, #tpu.memory_space<vmem>>
    %dma_start3A_90 = arith.constant 0 : i32
    %dma_start3A_91 = tpu.memref_slice %arg6[%dma_start3A_83, %dma_start3A_90] : memref<80x128xi32, #tpu.memory_space<vmem>> -> memref<1x128xi32, #tpu.memory_space<vmem>>
    %dma_start3A_92 = tpu.memref_squeeze %dma_start3A_91 : memref<1x128xi32, #tpu.memory_space<vmem>> -> memref<128xi32, #tpu.memory_space<vmem>>
    %dma_start3A_93 = arith.constant 0 : i32
    %dma_start3A_94 = arith.constant 0 : i32
    %dma_start3A_95 = tpu.memref_slice %arg2[%dma_start3A_93, %dma_start3A_94] : memref<10240x64xf32, #tpu.memory_space<hbm>> -> memref<10240x64xf32, #tpu.memory_space<hbm>>
    %dma_start3A_96 = tpu.memref_slice %arg11[%dma_start3A_85] : memref<5x!tpu.dma_semaphore, #tpu.memory_space<semaphore_mem>> -> memref<1x!tpu.dma_semaphore, #tpu.memory_space<semaphore_mem>>
    %dma_start3A_97 = tpu.memref_squeeze %dma_start3A_96 : memref<1x!tpu.dma_semaphore, #tpu.memory_space<semaphore_mem>> -> memref<!tpu.dma_semaphore, #tpu.memory_space<semaphore_mem>>
    tpu.enqueue_indirect_dma source(%dma_start3A_95 : memref<10240x64xf32, #tpu.memory_space<hbm>>) target(%dma_start3A_89 : memref<128x64xf32, #tpu.memory_space<vmem>>) offsets(%dma_start3A_92 : memref<128xi32, #tpu.memory_space<vmem>>) semaphore(%dma_start3A_97 : memref<!tpu.dma_semaphore, #tpu.memory_space<semaphore_mem>>)
    %scan3A_98 = arith.constant 0 : i32
    %scan3A_99 = arith.constant 0 : i32
    %scan3A_100 = arith.constant 16 : i32
    %scan3A_101 = arith.addi %scan3A_99, %scan3A_100 : i32
    %scan3A_102 = arith.constant 1 : i32
    %scan3A_103 = scf.for %scan3A_110 = %scan3A_99 to %scan3A_101 step %scan3A_102 iter_args(%scan3A_111 = %scan3A_98) -> (i32)  : i32 {
      %mul3A_112 = arith.constant 5 : i32
      %mul3A_113 = arith.muli %scan3A_110, %mul3A_112 : i32
      %add3A_114 = arith.constant 0 : i32
      %add3A_115 = arith.addi %mul3A_113, %add3A_114 : i32
      %dma_wait3A = arith.constant 0 : i32
      %dma_wait3A_116 = arith.constant 0 : i32
      %dma_wait3A_117 = arith.constant 0 : i32
      %dma_wait3A_118 = arith.constant 0 : i32
      %dma_wait3A_119 = tpu.memref_slice %arg8[%dma_wait3A, %dma_wait3A_117, %dma_wait3A_118] : memref<5x128x64xf32, #tpu.memory_space<vmem>> -> memref<1x128x64xf32, #tpu.memory_space<vmem>>
      %dma_wait3A_120 = tpu.memref_squeeze %dma_wait3A_119 : memref<1x128x64xf32, #tpu.memory_space<vmem>> -> memref<128x64xf32, #tpu.memory_space<vmem>>
      %dma_wait3A_121 = arith.constant 0 : i32
      %dma_wait3A_122 = tpu.memref_slice %arg6[%add3A_115, %dma_wait3A_121] : memref<80x128xi32, #tpu.memory_space<vmem>> -> memref<1x128xi32, #tpu.memory_space<vmem>>
      %dma_wait3A_123 = tpu.memref_squeeze %dma_wait3A_122 : memref<1x128xi32, #tpu.memory_space<vmem>> -> memref<128xi32, #tpu.memory_space<vmem>>
      %dma_wait3A_124 = arith.constant 0 : i32
      %dma_wait3A_125 = arith.constant 0 : i32
      %dma_wait3A_126 = tpu.memref_slice %arg2[%dma_wait3A_124, %dma_wait3A_125] : memref<10240x64xf32, #tpu.memory_space<hbm>> -> memref<10240x64xf32, #tpu.memory_space<hbm>>
      %dma_wait3A_127 = tpu.memref_slice %arg11[%dma_wait3A_116] : memref<5x!tpu.dma_semaphore, #tpu.memory_space<semaphore_mem>> -> memref<1x!tpu.dma_semaphore, #tpu.memory_space<semaphore_mem>>
      %dma_wait3A_128 = tpu.memref_squeeze %dma_wait3A_127 : memref<1x!tpu.dma_semaphore, #tpu.memory_space<semaphore_mem>> -> memref<!tpu.dma_semaphore, #tpu.memory_space<semaphore_mem>>
      tpu.wait_indirect_dma semaphore(%dma_wait3A_128 : memref<!tpu.dma_semaphore, #tpu.memory_space<semaphore_mem>>) src(%dma_wait3A_126 : memref<10240x64xf32, #tpu.memory_space<hbm>>) dst(%dma_wait3A_120 : memref<128x64xf32, #tpu.memory_space<vmem>>)
      %dma_start3A_129 = arith.constant 0 : i32
      %dma_start3A_130 = arith.constant 0 : i32
      %dma_start3A_131 = arith.constant 0 : i32
      %dma_start3A_132 = arith.constant 0 : i32
      %dma_start3A_133 = tpu.memref_slice %arg8[%dma_start3A_129, %dma_start3A_131, %dma_start3A_132] : memref<5x128x64xf32, #tpu.memory_space<vmem>> -> memref<1x128x64xf32, #tpu.memory_space<vmem>>
      %dma_start3A_134 = tpu.memref_squeeze %dma_start3A_133 : memref<1x128x64xf32, #tpu.memory_space<vmem>> -> memref<128x64xf32, #tpu.memory_space<vmem>>
      %dma_start3A_135 = arith.constant 0 : i32
      %dma_start3A_136 = tpu.memref_slice %arg7[%add3A_115, %dma_start3A_135] : memref<80x128xi32, #tpu.memory_space<vmem>> -> memref<1x128xi32, #tpu.memory_space<vmem>>
      %dma_start3A_137 = tpu.memref_squeeze %dma_start3A_136 : memref<1x128xi32, #tpu.memory_space<vmem>> -> memref<128xi32, #tpu.memory_space<vmem>>
      %dma_start3A_138 = arith.constant 0 : i32
      %dma_start3A_139 = arith.constant 0 : i32
      %dma_start3A_140 = tpu.memref_slice %arg10[%dma_start3A_138, %dma_start3A_139] : memref<10240x64xf32, #tpu.memory_space<vmem_shared>> -> memref<10240x64xf32, #tpu.memory_space<vmem_shared>>
      %dma_start3A_141 = tpu.memref_slice %arg12[%dma_start3A_130] : memref<5x!tpu.dma_semaphore, #tpu.memory_space<semaphore_mem>> -> memref<1x!tpu.dma_semaphore, #tpu.memory_space<semaphore_mem>>
      %dma_start3A_142 = tpu.memref_squeeze %dma_start3A_141 : memref<1x!tpu.dma_semaphore, #tpu.memory_space<semaphore_mem>> -> memref<!tpu.dma_semaphore, #tpu.memory_space<semaphore_mem>>
      tpu.enqueue_indirect_dma source(%dma_start3A_134 : memref<128x64xf32, #tpu.memory_space<vmem>>) target(%dma_start3A_140 : memref<10240x64xf32, #tpu.memory_space<vmem_shared>>) offsets(%dma_start3A_137 : memref<128xi32, #tpu.memory_space<vmem>>) semaphore(%dma_start3A_142 : memref<!tpu.dma_semaphore, #tpu.memory_space<semaphore_mem>>) {add = true}
      %mul3A_143 = arith.constant 5 : i32
      %mul3A_144 = arith.muli %scan3A_110, %mul3A_143 : i32
      %add3A_145 = arith.constant 1 : i32
      %add3A_146 = arith.addi %mul3A_144, %add3A_145 : i32
      %dma_wait3A_147 = arith.constant 1 : i32
      %dma_wait3A_148 = arith.constant 1 : i32
      %dma_wait3A_149 = arith.constant 0 : i32
      %dma_wait3A_150 = arith.constant 0 : i32
      %dma_wait3A_151 = tpu.memref_slice %arg8[%dma_wait3A_147, %dma_wait3A_149, %dma_wait3A_150] : memref<5x128x64xf32, #tpu.memory_space<vmem>> -> memref<1x128x64xf32, #tpu.memory_space<vmem>>
      %dma_wait3A_152 = tpu.memref_squeeze %dma_wait3A_151 : memref<1x128x64xf32, #tpu.memory_space<vmem>> -> memref<128x64xf32, #tpu.memory_space<vmem>>
      %dma_wait3A_153 = arith.constant 0 : i32
      %dma_wait3A_154 = tpu.memref_slice %arg6[%add3A_146, %dma_wait3A_153] : memref<80x128xi32, #tpu.memory_space<vmem>> -> memref<1x128xi32, #tpu.memory_space<vmem>>
      %dma_wait3A_155 = tpu.memref_squeeze %dma_wait3A_154 : memref<1x128xi32, #tpu.memory_space<vmem>> -> memref<128xi32, #tpu.memory_space<vmem>>
      %dma_wait3A_156 = arith.constant 0 : i32
      %dma_wait3A_157 = arith.constant 0 : i32
      %dma_wait3A_158 = tpu.memref_slice %arg2[%dma_wait3A_156, %dma_wait3A_157] : memref<10240x64xf32, #tpu.memory_space<hbm>> -> memref<10240x64xf32, #tpu.memory_space<hbm>>
      %dma_wait3A_159 = tpu.memref_slice %arg11[%dma_wait3A_148] : memref<5x!tpu.dma_semaphore, #tpu.memory_space<semaphore_mem>> -> memref<1x!tpu.dma_semaphore, #tpu.memory_space<semaphore_mem>>
      %dma_wait3A_160 = tpu.memref_squeeze %dma_wait3A_159 : memref<1x!tpu.dma_semaphore, #tpu.memory_space<semaphore_mem>> -> memref<!tpu.dma_semaphore, #tpu.memory_space<semaphore_mem>>
      tpu.wait_indirect_dma semaphore(%dma_wait3A_160 : memref<!tpu.dma_semaphore, #tpu.memory_space<semaphore_mem>>) src(%dma_wait3A_158 : memref<10240x64xf32, #tpu.memory_space<hbm>>) dst(%dma_wait3A_152 : memref<128x64xf32, #tpu.memory_space<vmem>>)
      %dma_start3A_161 = arith.constant 1 : i32
      %dma_start3A_162 = arith.constant 1 : i32
      %dma_start3A_163 = arith.constant 0 : i32
      %dma_start3A_164 = arith.constant 0 : i32
      %dma_start3A_165 = tpu.memref_slice %arg8[%dma_start3A_161, %dma_start3A_163, %dma_start3A_164] : memref<5x128x64xf32, #tpu.memory_space<vmem>> -> memref<1x128x64xf32, #tpu.memory_space<vmem>>
      %dma_start3A_166 = tpu.memref_squeeze %dma_start3A_165 : memref<1x128x64xf32, #tpu.memory_space<vmem>> -> memref<128x64xf32, #tpu.memory_space<vmem>>
      %dma_start3A_167 = arith.constant 0 : i32
      %dma_start3A_168 = tpu.memref_slice %arg7[%add3A_146, %dma_start3A_167] : memref<80x128xi32, #tpu.memory_space<vmem>> -> memref<1x128xi32, #tpu.memory_space<vmem>>
      %dma_start3A_169 = tpu.memref_squeeze %dma_start3A_168 : memref<1x128xi32, #tpu.memory_space<vmem>> -> memref<128xi32, #tpu.memory_space<vmem>>
      %dma_start3A_170 = arith.constant 0 : i32
      %dma_start3A_171 = arith.constant 0 : i32
      %dma_start3A_172 = tpu.memref_slice %arg10[%dma_start3A_170, %dma_start3A_171] : memref<10240x64xf32, #tpu.memory_space<vmem_shared>> -> memref<10240x64xf32, #tpu.memory_space<vmem_shared>>
      %dma_start3A_173 = tpu.memref_slice %arg12[%dma_start3A_162] : memref<5x!tpu.dma_semaphore, #tpu.memory_space<semaphore_mem>> -> memref<1x!tpu.dma_semaphore, #tpu.memory_space<semaphore_mem>>
      %dma_start3A_174 = tpu.memref_squeeze %dma_start3A_173 : memref<1x!tpu.dma_semaphore, #tpu.memory_space<semaphore_mem>> -> memref<!tpu.dma_semaphore, #tpu.memory_space<semaphore_mem>>
      tpu.enqueue_indirect_dma source(%dma_start3A_166 : memref<128x64xf32, #tpu.memory_space<vmem>>) target(%dma_start3A_172 : memref<10240x64xf32, #tpu.memory_space<vmem_shared>>) offsets(%dma_start3A_169 : memref<128xi32, #tpu.memory_space<vmem>>) semaphore(%dma_start3A_174 : memref<!tpu.dma_semaphore, #tpu.memory_space<semaphore_mem>>) {add = true}
      %mul3A_175 = arith.constant 5 : i32
      %mul3A_176 = arith.muli %scan3A_110, %mul3A_175 : i32
      %add3A_177 = arith.constant 2 : i32
      %add3A_178 = arith.addi %mul3A_176, %add3A_177 : i32
      %dma_wait3A_179 = arith.constant 2 : i32
      %dma_wait3A_180 = arith.constant 2 : i32
      %dma_wait3A_181 = arith.constant 0 : i32
      %dma_wait3A_182 = arith.constant 0 : i32
      %dma_wait3A_183 = tpu.memref_slice %arg8[%dma_wait3A_179, %dma_wait3A_181, %dma_wait3A_182] : memref<5x128x64xf32, #tpu.memory_space<vmem>> -> memref<1x128x64xf32, #tpu.memory_space<vmem>>
      %dma_wait3A_184 = tpu.memref_squeeze %dma_wait3A_183 : memref<1x128x64xf32, #tpu.memory_space<vmem>> -> memref<128x64xf32, #tpu.memory_space<vmem>>
      %dma_wait3A_185 = arith.constant 0 : i32
      %dma_wait3A_186 = tpu.memref_slice %arg6[%add3A_178, %dma_wait3A_185] : memref<80x128xi32, #tpu.memory_space<vmem>> -> memref<1x128xi32, #tpu.memory_space<vmem>>
      %dma_wait3A_187 = tpu.memref_squeeze %dma_wait3A_186 : memref<1x128xi32, #tpu.memory_space<vmem>> -> memref<128xi32, #tpu.memory_space<vmem>>
      %dma_wait3A_188 = arith.constant 0 : i32
      %dma_wait3A_189 = arith.constant 0 : i32
      %dma_wait3A_190 = tpu.memref_slice %arg2[%dma_wait3A_188, %dma_wait3A_189] : memref<10240x64xf32, #tpu.memory_space<hbm>> -> memref<10240x64xf32, #tpu.memory_space<hbm>>
      %dma_wait3A_191 = tpu.memref_slice %arg11[%dma_wait3A_180] : memref<5x!tpu.dma_semaphore, #tpu.memory_space<semaphore_mem>> -> memref<1x!tpu.dma_semaphore, #tpu.memory_space<semaphore_mem>>
      %dma_wait3A_192 = tpu.memref_squeeze %dma_wait3A_191 : memref<1x!tpu.dma_semaphore, #tpu.memory_space<semaphore_mem>> -> memref<!tpu.dma_semaphore, #tpu.memory_space<semaphore_mem>>
      tpu.wait_indirect_dma semaphore(%dma_wait3A_192 : memref<!tpu.dma_semaphore, #tpu.memory_space<semaphore_mem>>) src(%dma_wait3A_190 : memref<10240x64xf32, #tpu.memory_space<hbm>>) dst(%dma_wait3A_184 : memref<128x64xf32, #tpu.memory_space<vmem>>)
      %dma_start3A_193 = arith.constant 2 : i32
      %dma_start3A_194 = arith.constant 2 : i32
      %dma_start3A_195 = arith.constant 0 : i32
      %dma_start3A_196 = arith.constant 0 : i32
      %dma_start3A_197 = tpu.memref_slice %arg8[%dma_start3A_193, %dma_start3A_195, %dma_start3A_196] : memref<5x128x64xf32, #tpu.memory_space<vmem>> -> memref<1x128x64xf32, #tpu.memory_space<vmem>>
      %dma_start3A_198 = tpu.memref_squeeze %dma_start3A_197 : memref<1x128x64xf32, #tpu.memory_space<vmem>> -> memref<128x64xf32, #tpu.memory_space<vmem>>
      %dma_start3A_199 = arith.constant 0 : i32
      %dma_start3A_200 = tpu.memref_slice %arg7[%add3A_178, %dma_start3A_199] : memref<80x128xi32, #tpu.memory_space<vmem>> -> memref<1x128xi32, #tpu.memory_space<vmem>>
      %dma_start3A_201 = tpu.memref_squeeze %dma_start3A_200 : memref<1x128xi32, #tpu.memory_space<vmem>> -> memref<128xi32, #tpu.memory_space<vmem>>
      %dma_start3A_202 = arith.constant 0 : i32
      %dma_start3A_203 = arith.constant 0 : i32
      %dma_start3A_204 = tpu.memref_slice %arg10[%dma_start3A_202, %dma_start3A_203] : memref<10240x64xf32, #tpu.memory_space<vmem_shared>> -> memref<10240x64xf32, #tpu.memory_space<vmem_shared>>
      %dma_start3A_205 = tpu.memref_slice %arg12[%dma_start3A_194] : memref<5x!tpu.dma_semaphore, #tpu.memory_space<semaphore_mem>> -> memref<1x!tpu.dma_semaphore, #tpu.memory_space<semaphore_mem>>
      %dma_start3A_206 = tpu.memref_squeeze %dma_start3A_205 : memref<1x!tpu.dma_semaphore, #tpu.memory_space<semaphore_mem>> -> memref<!tpu.dma_semaphore, #tpu.memory_space<semaphore_mem>>
      tpu.enqueue_indirect_dma source(%dma_start3A_198 : memref<128x64xf32, #tpu.memory_space<vmem>>) target(%dma_start3A_204 : memref<10240x64xf32, #tpu.memory_space<vmem_shared>>) offsets(%dma_start3A_201 : memref<128xi32, #tpu.memory_space<vmem>>) semaphore(%dma_start3A_206 : memref<!tpu.dma_semaphore, #tpu.memory_space<semaphore_mem>>) {add = true}
      %mul3A_207 = arith.constant 5 : i32
      %mul3A_208 = arith.muli %scan3A_110, %mul3A_207 : i32
      %add3A_209 = arith.constant 3 : i32
      %add3A_210 = arith.addi %mul3A_208, %add3A_209 : i32
      %dma_wait3A_211 = arith.constant 3 : i32
      %dma_wait3A_212 = arith.constant 3 : i32
      %dma_wait3A_213 = arith.constant 0 : i32
      %dma_wait3A_214 = arith.constant 0 : i32
      %dma_wait3A_215 = tpu.memref_slice %arg8[%dma_wait3A_211, %dma_wait3A_213, %dma_wait3A_214] : memref<5x128x64xf32, #tpu.memory_space<vmem>> -> memref<1x128x64xf32, #tpu.memory_space<vmem>>
      %dma_wait3A_216 = tpu.memref_squeeze %dma_wait3A_215 : memref<1x128x64xf32, #tpu.memory_space<vmem>> -> memref<128x64xf32, #tpu.memory_space<vmem>>
      %dma_wait3A_217 = arith.constant 0 : i32
      %dma_wait3A_218 = tpu.memref_slice %arg6[%add3A_210, %dma_wait3A_217] : memref<80x128xi32, #tpu.memory_space<vmem>> -> memref<1x128xi32, #tpu.memory_space<vmem>>
      %dma_wait3A_219 = tpu.memref_squeeze %dma_wait3A_218 : memref<1x128xi32, #tpu.memory_space<vmem>> -> memref<128xi32, #tpu.memory_space<vmem>>
      %dma_wait3A_220 = arith.constant 0 : i32
      %dma_wait3A_221 = arith.constant 0 : i32
      %dma_wait3A_222 = tpu.memref_slice %arg2[%dma_wait3A_220, %dma_wait3A_221] : memref<10240x64xf32, #tpu.memory_space<hbm>> -> memref<10240x64xf32, #tpu.memory_space<hbm>>
      %dma_wait3A_223 = tpu.memref_slice %arg11[%dma_wait3A_212] : memref<5x!tpu.dma_semaphore, #tpu.memory_space<semaphore_mem>> -> memref<1x!tpu.dma_semaphore, #tpu.memory_space<semaphore_mem>>
      %dma_wait3A_224 = tpu.memref_squeeze %dma_wait3A_223 : memref<1x!tpu.dma_semaphore, #tpu.memory_space<semaphore_mem>> -> memref<!tpu.dma_semaphore, #tpu.memory_space<semaphore_mem>>
      tpu.wait_indirect_dma semaphore(%dma_wait3A_224 : memref<!tpu.dma_semaphore, #tpu.memory_space<semaphore_mem>>) src(%dma_wait3A_222 : memref<10240x64xf32, #tpu.memory_space<hbm>>) dst(%dma_wait3A_216 : memref<128x64xf32, #tpu.memory_space<vmem>>)
      %dma_start3A_225 = arith.constant 3 : i32
      %dma_start3A_226 = arith.constant 3 : i32
      %dma_start3A_227 = arith.constant 0 : i32
      %dma_start3A_228 = arith.constant 0 : i32
      %dma_start3A_229 = tpu.memref_slice %arg8[%dma_start3A_225, %dma_start3A_227, %dma_start3A_228] : memref<5x128x64xf32, #tpu.memory_space<vmem>> -> memref<1x128x64xf32, #tpu.memory_space<vmem>>
      %dma_start3A_230 = tpu.memref_squeeze %dma_start3A_229 : memref<1x128x64xf32, #tpu.memory_space<vmem>> -> memref<128x64xf32, #tpu.memory_space<vmem>>
      %dma_start3A_231 = arith.constant 0 : i32
      %dma_start3A_232 = tpu.memref_slice %arg7[%add3A_210, %dma_start3A_231] : memref<80x128xi32, #tpu.memory_space<vmem>> -> memref<1x128xi32, #tpu.memory_space<vmem>>
      %dma_start3A_233 = tpu.memref_squeeze %dma_start3A_232 : memref<1x128xi32, #tpu.memory_space<vmem>> -> memref<128xi32, #tpu.memory_space<vmem>>
      %dma_start3A_234 = arith.constant 0 : i32
      %dma_start3A_235 = arith.constant 0 : i32
      %dma_start3A_236 = tpu.memref_slice %arg10[%dma_start3A_234, %dma_start3A_235] : memref<10240x64xf32, #tpu.memory_space<vmem_shared>> -> memref<10240x64xf32, #tpu.memory_space<vmem_shared>>
      %dma_start3A_237 = tpu.memref_slice %arg12[%dma_start3A_226] : memref<5x!tpu.dma_semaphore, #tpu.memory_space<semaphore_mem>> -> memref<1x!tpu.dma_semaphore, #tpu.memory_space<semaphore_mem>>
      %dma_start3A_238 = tpu.memref_squeeze %dma_start3A_237 : memref<1x!tpu.dma_semaphore, #tpu.memory_space<semaphore_mem>> -> memref<!tpu.dma_semaphore, #tpu.memory_space<semaphore_mem>>
      tpu.enqueue_indirect_dma source(%dma_start3A_230 : memref<128x64xf32, #tpu.memory_space<vmem>>) target(%dma_start3A_236 : memref<10240x64xf32, #tpu.memory_space<vmem_shared>>) offsets(%dma_start3A_233 : memref<128xi32, #tpu.memory_space<vmem>>) semaphore(%dma_start3A_238 : memref<!tpu.dma_semaphore, #tpu.memory_space<semaphore_mem>>) {add = true}
      %mul3A_239 = arith.constant 5 : i32
      %mul3A_240 = arith.muli %scan3A_110, %mul3A_239 : i32
      %add3A_241 = arith.constant 4 : i32
      %add3A_242 = arith.addi %mul3A_240, %add3A_241 : i32
      %dma_wait3A_243 = arith.constant 4 : i32
      %dma_wait3A_244 = arith.constant 4 : i32
      %dma_wait3A_245 = arith.constant 0 : i32
      %dma_wait3A_246 = arith.constant 0 : i32
      %dma_wait3A_247 = tpu.memref_slice %arg8[%dma_wait3A_243, %dma_wait3A_245, %dma_wait3A_246] : memref<5x128x64xf32, #tpu.memory_space<vmem>> -> memref<1x128x64xf32, #tpu.memory_space<vmem>>
      %dma_wait3A_248 = tpu.memref_squeeze %dma_wait3A_247 : memref<1x128x64xf32, #tpu.memory_space<vmem>> -> memref<128x64xf32, #tpu.memory_space<vmem>>
      %dma_wait3A_249 = arith.constant 0 : i32
      %dma_wait3A_250 = tpu.memref_slice %arg6[%add3A_242, %dma_wait3A_249] : memref<80x128xi32, #tpu.memory_space<vmem>> -> memref<1x128xi32, #tpu.memory_space<vmem>>
      %dma_wait3A_251 = tpu.memref_squeeze %dma_wait3A_250 : memref<1x128xi32, #tpu.memory_space<vmem>> -> memref<128xi32, #tpu.memory_space<vmem>>
      %dma_wait3A_252 = arith.constant 0 : i32
      %dma_wait3A_253 = arith.constant 0 : i32
      %dma_wait3A_254 = tpu.memref_slice %arg2[%dma_wait3A_252, %dma_wait3A_253] : memref<10240x64xf32, #tpu.memory_space<hbm>> -> memref<10240x64xf32, #tpu.memory_space<hbm>>
      %dma_wait3A_255 = tpu.memref_slice %arg11[%dma_wait3A_244] : memref<5x!tpu.dma_semaphore, #tpu.memory_space<semaphore_mem>> -> memref<1x!tpu.dma_semaphore, #tpu.memory_space<semaphore_mem>>
      %dma_wait3A_256 = tpu.memref_squeeze %dma_wait3A_255 : memref<1x!tpu.dma_semaphore, #tpu.memory_space<semaphore_mem>> -> memref<!tpu.dma_semaphore, #tpu.memory_space<semaphore_mem>>
      tpu.wait_indirect_dma semaphore(%dma_wait3A_256 : memref<!tpu.dma_semaphore, #tpu.memory_space<semaphore_mem>>) src(%dma_wait3A_254 : memref<10240x64xf32, #tpu.memory_space<hbm>>) dst(%dma_wait3A_248 : memref<128x64xf32, #tpu.memory_space<vmem>>)
      %dma_start3A_257 = arith.constant 4 : i32
      %dma_start3A_258 = arith.constant 4 : i32
      %dma_start3A_259 = arith.constant 0 : i32
      %dma_start3A_260 = arith.constant 0 : i32
      %dma_start3A_261 = tpu.memref_slice %arg8[%dma_start3A_257, %dma_start3A_259, %dma_start3A_260] : memref<5x128x64xf32, #tpu.memory_space<vmem>> -> memref<1x128x64xf32, #tpu.memory_space<vmem>>
      %dma_start3A_262 = tpu.memref_squeeze %dma_start3A_261 : memref<1x128x64xf32, #tpu.memory_space<vmem>> -> memref<128x64xf32, #tpu.memory_space<vmem>>
      %dma_start3A_263 = arith.constant 0 : i32
      %dma_start3A_264 = tpu.memref_slice %arg7[%add3A_242, %dma_start3A_263] : memref<80x128xi32, #tpu.memory_space<vmem>> -> memref<1x128xi32, #tpu.memory_space<vmem>>
      %dma_start3A_265 = tpu.memref_squeeze %dma_start3A_264 : memref<1x128xi32, #tpu.memory_space<vmem>> -> memref<128xi32, #tpu.memory_space<vmem>>
      %dma_start3A_266 = arith.constant 0 : i32
      %dma_start3A_267 = arith.constant 0 : i32
      %dma_start3A_268 = tpu.memref_slice %arg10[%dma_start3A_266, %dma_start3A_267] : memref<10240x64xf32, #tpu.memory_space<vmem_shared>> -> memref<10240x64xf32, #tpu.memory_space<vmem_shared>>
      %dma_start3A_269 = tpu.memref_slice %arg12[%dma_start3A_258] : memref<5x!tpu.dma_semaphore, #tpu.memory_space<semaphore_mem>> -> memref<1x!tpu.dma_semaphore, #tpu.memory_space<semaphore_mem>>
      %dma_start3A_270 = tpu.memref_squeeze %dma_start3A_269 : memref<1x!tpu.dma_semaphore, #tpu.memory_space<semaphore_mem>> -> memref<!tpu.dma_semaphore, #tpu.memory_space<semaphore_mem>>
      tpu.enqueue_indirect_dma source(%dma_start3A_262 : memref<128x64xf32, #tpu.memory_space<vmem>>) target(%dma_start3A_268 : memref<10240x64xf32, #tpu.memory_space<vmem_shared>>) offsets(%dma_start3A_265 : memref<128xi32, #tpu.memory_space<vmem>>) semaphore(%dma_start3A_270 : memref<!tpu.dma_semaphore, #tpu.memory_space<semaphore_mem>>) {add = true}
      %mul3A_271 = arith.constant 5 : i32
      %mul3A_272 = arith.muli %scan3A_110, %mul3A_271 : i32
      %add3A_273 = arith.constant 0 : i32
      %add3A_274 = arith.addi %mul3A_272, %add3A_273 : i32
      %dma_wait3A_275 = arith.constant 0 : i32
      %dma_wait3A_276 = arith.constant 0 : i32
      %dma_wait3A_277 = arith.constant 0 : i32
      %dma_wait3A_278 = arith.constant 0 : i32
      %dma_wait3A_279 = tpu.memref_slice %arg8[%dma_wait3A_275, %dma_wait3A_277, %dma_wait3A_278] : memref<5x128x64xf32, #tpu.memory_space<vmem>> -> memref<1x128x64xf32, #tpu.memory_space<vmem>>
      %dma_wait3A_280 = tpu.memref_squeeze %dma_wait3A_279 : memref<1x128x64xf32, #tpu.memory_space<vmem>> -> memref<128x64xf32, #tpu.memory_space<vmem>>
      %dma_wait3A_281 = arith.constant 0 : i32
      %dma_wait3A_282 = tpu.memref_slice %arg7[%add3A_274, %dma_wait3A_281] : memref<80x128xi32, #tpu.memory_space<vmem>> -> memref<1x128xi32, #tpu.memory_space<vmem>>
      %dma_wait3A_283 = tpu.memref_squeeze %dma_wait3A_282 : memref<1x128xi32, #tpu.memory_space<vmem>> -> memref<128xi32, #tpu.memory_space<vmem>>
      %dma_wait3A_284 = arith.constant 0 : i32
      %dma_wait3A_285 = arith.constant 0 : i32
      %dma_wait3A_286 = tpu.memref_slice %arg10[%dma_wait3A_284, %dma_wait3A_285] : memref<10240x64xf32, #tpu.memory_space<vmem_shared>> -> memref<10240x64xf32, #tpu.memory_space<vmem_shared>>
      %dma_wait3A_287 = tpu.memref_slice %arg12[%dma_wait3A_276] : memref<5x!tpu.dma_semaphore, #tpu.memory_space<semaphore_mem>> -> memref<1x!tpu.dma_semaphore, #tpu.memory_space<semaphore_mem>>
      %dma_wait3A_288 = tpu.memref_squeeze %dma_wait3A_287 : memref<1x!tpu.dma_semaphore, #tpu.memory_space<semaphore_mem>> -> memref<!tpu.dma_semaphore, #tpu.memory_space<semaphore_mem>>
      tpu.wait_indirect_dma semaphore(%dma_wait3A_288 : memref<!tpu.dma_semaphore, #tpu.memory_space<semaphore_mem>>) src(%dma_wait3A_280 : memref<128x64xf32, #tpu.memory_space<vmem>>) dst(%dma_wait3A_286 : memref<10240x64xf32, #tpu.memory_space<vmem_shared>>)
      %lt3A = arith.constant 15 : i32
      %lt3A_289 = arith.cmpi slt, %scan3A_110, %lt3A : i32
      %convert_element_type3A = arith.extui %lt3A_289 : i1 to i32
      %cond3A = arith.constant 0 : i32
      %cond3A_290 = arith.cmpi ne, %convert_element_type3A, %cond3A : i32
      scf.if %cond3A_290 {
        %add3A_384 = arith.constant 5 : i32
        %add3A_385 = arith.addi %add3A_274, %add3A_384 : i32
        %dma_start3A_386 = arith.constant 0 : i32
        %dma_start3A_387 = arith.constant 0 : i32
        %dma_start3A_388 = arith.constant 0 : i32
        %dma_start3A_389 = arith.constant 0 : i32
        %dma_start3A_390 = tpu.memref_slice %arg8[%dma_start3A_386, %dma_start3A_388, %dma_start3A_389] : memref<5x128x64xf32, #tpu.memory_space<vmem>> -> memref<1x128x64xf32, #tpu.memory_space<vmem>>
        %dma_start3A_391 = tpu.memref_squeeze %dma_start3A_390 : memref<1x128x64xf32, #tpu.memory_space<vmem>> -> memref<128x64xf32, #tpu.memory_space<vmem>>
        %dma_start3A_392 = arith.constant 0 : i32
        %dma_start3A_393 = tpu.memref_slice %arg6[%add3A_385, %dma_start3A_392] : memref<80x128xi32, #tpu.memory_space<vmem>> -> memref<1x128xi32, #tpu.memory_space<vmem>>
        %dma_start3A_394 = tpu.memref_squeeze %dma_start3A_393 : memref<1x128xi32, #tpu.memory_space<vmem>> -> memref<128xi32, #tpu.memory_space<vmem>>
        %dma_start3A_395 = arith.constant 0 : i32
        %dma_start3A_396 = arith.constant 0 : i32
        %dma_start3A_397 = tpu.memref_slice %arg2[%dma_start3A_395, %dma_start3A_396] : memref<10240x64xf32, #tpu.memory_space<hbm>> -> memref<10240x64xf32, #tpu.memory_space<hbm>>
        %dma_start3A_398 = tpu.memref_slice %arg11[%dma_start3A_387] : memref<5x!tpu.dma_semaphore, #tpu.memory_space<semaphore_mem>> -> memref<1x!tpu.dma_semaphore, #tpu.memory_space<semaphore_mem>>
        %dma_start3A_399 = tpu.memref_squeeze %dma_start3A_398 : memref<1x!tpu.dma_semaphore, #tpu.memory_space<semaphore_mem>> -> memref<!tpu.dma_semaphore, #tpu.memory_space<semaphore_mem>>
        tpu.enqueue_indirect_dma source(%dma_start3A_397 : memref<10240x64xf32, #tpu.memory_space<hbm>>) target(%dma_start3A_391 : memref<128x64xf32, #tpu.memory_space<vmem>>) offsets(%dma_start3A_394 : memref<128xi32, #tpu.memory_space<vmem>>) semaphore(%dma_start3A_399 : memref<!tpu.dma_semaphore, #tpu.memory_space<semaphore_mem>>)
      } else {
      }
      %mul3A_291 = arith.constant 5 : i32
      %mul3A_292 = arith.muli %scan3A_110, %mul3A_291 : i32
      %add3A_293 = arith.constant 1 : i32
      %add3A_294 = arith.addi %mul3A_292, %add3A_293 : i32
      %dma_wait3A_295 = arith.constant 1 : i32
      %dma_wait3A_296 = arith.constant 1 : i32
      %dma_wait3A_297 = arith.constant 0 : i32
      %dma_wait3A_298 = arith.constant 0 : i32
      %dma_wait3A_299 = tpu.memref_slice %arg8[%dma_wait3A_295, %dma_wait3A_297, %dma_wait3A_298] : memref<5x128x64xf32, #tpu.memory_space<vmem>> -> memref<1x128x64xf32, #tpu.memory_space<vmem>>
      %dma_wait3A_300 = tpu.memref_squeeze %dma_wait3A_299 : memref<1x128x64xf32, #tpu.memory_space<vmem>> -> memref<128x64xf32, #tpu.memory_space<vmem>>
      %dma_wait3A_301 = arith.constant 0 : i32
      %dma_wait3A_302 = tpu.memref_slice %arg7[%add3A_294, %dma_wait3A_301] : memref<80x128xi32, #tpu.memory_space<vmem>> -> memref<1x128xi32, #tpu.memory_space<vmem>>
      %dma_wait3A_303 = tpu.memref_squeeze %dma_wait3A_302 : memref<1x128xi32, #tpu.memory_space<vmem>> -> memref<128xi32, #tpu.memory_space<vmem>>
      %dma_wait3A_304 = arith.constant 0 : i32
      %dma_wait3A_305 = arith.constant 0 : i32
      %dma_wait3A_306 = tpu.memref_slice %arg10[%dma_wait3A_304, %dma_wait3A_305] : memref<10240x64xf32, #tpu.memory_space<vmem_shared>> -> memref<10240x64xf32, #tpu.memory_space<vmem_shared>>
      %dma_wait3A_307 = tpu.memref_slice %arg12[%dma_wait3A_296] : memref<5x!tpu.dma_semaphore, #tpu.memory_space<semaphore_mem>> -> memref<1x!tpu.dma_semaphore, #tpu.memory_space<semaphore_mem>>
      %dma_wait3A_308 = tpu.memref_squeeze %dma_wait3A_307 : memref<1x!tpu.dma_semaphore, #tpu.memory_space<semaphore_mem>> -> memref<!tpu.dma_semaphore, #tpu.memory_space<semaphore_mem>>
      tpu.wait_indirect_dma semaphore(%dma_wait3A_308 : memref<!tpu.dma_semaphore, #tpu.memory_space<semaphore_mem>>) src(%dma_wait3A_300 : memref<128x64xf32, #tpu.memory_space<vmem>>) dst(%dma_wait3A_306 : memref<10240x64xf32, #tpu.memory_space<vmem_shared>>)
      %lt3A_309 = arith.constant 15 : i32
      %lt3A_310 = arith.cmpi slt, %scan3A_110, %lt3A_309 : i32
      %convert_element_type3A_311 = arith.extui %lt3A_310 : i1 to i32
      %cond3A_312 = arith.constant 0 : i32
      %cond3A_313 = arith.cmpi ne, %convert_element_type3A_311, %cond3A_312 : i32
      scf.if %cond3A_313 {
        %add3A_384 = arith.constant 5 : i32
        %add3A_385 = arith.addi %add3A_294, %add3A_384 : i32
        %dma_start3A_386 = arith.constant 1 : i32
        %dma_start3A_387 = arith.constant 1 : i32
        %dma_start3A_388 = arith.constant 0 : i32
        %dma_start3A_389 = arith.constant 0 : i32
        %dma_start3A_390 = tpu.memref_slice %arg8[%dma_start3A_386, %dma_start3A_388, %dma_start3A_389] : memref<5x128x64xf32, #tpu.memory_space<vmem>> -> memref<1x128x64xf32, #tpu.memory_space<vmem>>
        %dma_start3A_391 = tpu.memref_squeeze %dma_start3A_390 : memref<1x128x64xf32, #tpu.memory_space<vmem>> -> memref<128x64xf32, #tpu.memory_space<vmem>>
        %dma_start3A_392 = arith.constant 0 : i32
        %dma_start3A_393 = tpu.memref_slice %arg6[%add3A_385, %dma_start3A_392] : memref<80x128xi32, #tpu.memory_space<vmem>> -> memref<1x128xi32, #tpu.memory_space<vmem>>
        %dma_start3A_394 = tpu.memref_squeeze %dma_start3A_393 : memref<1x128xi32, #tpu.memory_space<vmem>> -> memref<128xi32, #tpu.memory_space<vmem>>
        %dma_start3A_395 = arith.constant 0 : i32
        %dma_start3A_396 = arith.constant 0 : i32
        %dma_start3A_397 = tpu.memref_slice %arg2[%dma_start3A_395, %dma_start3A_396] : memref<10240x64xf32, #tpu.memory_space<hbm>> -> memref<10240x64xf32, #tpu.memory_space<hbm>>
        %dma_start3A_398 = tpu.memref_slice %arg11[%dma_start3A_387] : memref<5x!tpu.dma_semaphore, #tpu.memory_space<semaphore_mem>> -> memref<1x!tpu.dma_semaphore, #tpu.memory_space<semaphore_mem>>
        %dma_start3A_399 = tpu.memref_squeeze %dma_start3A_398 : memref<1x!tpu.dma_semaphore, #tpu.memory_space<semaphore_mem>> -> memref<!tpu.dma_semaphore, #tpu.memory_space<semaphore_mem>>
        tpu.enqueue_indirect_dma source(%dma_start3A_397 : memref<10240x64xf32, #tpu.memory_space<hbm>>) target(%dma_start3A_391 : memref<128x64xf32, #tpu.memory_space<vmem>>) offsets(%dma_start3A_394 : memref<128xi32, #tpu.memory_space<vmem>>) semaphore(%dma_start3A_399 : memref<!tpu.dma_semaphore, #tpu.memory_space<semaphore_mem>>)
      } else {
      }
      %mul3A_314 = arith.constant 5 : i32
      %mul3A_315 = arith.muli %scan3A_110, %mul3A_314 : i32
      %add3A_316 = arith.constant 2 : i32
      %add3A_317 = arith.addi %mul3A_315, %add3A_316 : i32
      %dma_wait3A_318 = arith.constant 2 : i32
      %dma_wait3A_319 = arith.constant 2 : i32
      %dma_wait3A_320 = arith.constant 0 : i32
      %dma_wait3A_321 = arith.constant 0 : i32
      %dma_wait3A_322 = tpu.memref_slice %arg8[%dma_wait3A_318, %dma_wait3A_320, %dma_wait3A_321] : memref<5x128x64xf32, #tpu.memory_space<vmem>> -> memref<1x128x64xf32, #tpu.memory_space<vmem>>
      %dma_wait3A_323 = tpu.memref_squeeze %dma_wait3A_322 : memref<1x128x64xf32, #tpu.memory_space<vmem>> -> memref<128x64xf32, #tpu.memory_space<vmem>>
      %dma_wait3A_324 = arith.constant 0 : i32
      %dma_wait3A_325 = tpu.memref_slice %arg7[%add3A_317, %dma_wait3A_324] : memref<80x128xi32, #tpu.memory_space<vmem>> -> memref<1x128xi32, #tpu.memory_space<vmem>>
      %dma_wait3A_326 = tpu.memref_squeeze %dma_wait3A_325 : memref<1x128xi32, #tpu.memory_space<vmem>> -> memref<128xi32, #tpu.memory_space<vmem>>
      %dma_wait3A_327 = arith.constant 0 : i32
      %dma_wait3A_328 = arith.constant 0 : i32
      %dma_wait3A_329 = tpu.memref_slice %arg10[%dma_wait3A_327, %dma_wait3A_328] : memref<10240x64xf32, #tpu.memory_space<vmem_shared>> -> memref<10240x64xf32, #tpu.memory_space<vmem_shared>>
      %dma_wait3A_330 = tpu.memref_slice %arg12[%dma_wait3A_319] : memref<5x!tpu.dma_semaphore, #tpu.memory_space<semaphore_mem>> -> memref<1x!tpu.dma_semaphore, #tpu.memory_space<semaphore_mem>>
      %dma_wait3A_331 = tpu.memref_squeeze %dma_wait3A_330 : memref<1x!tpu.dma_semaphore, #tpu.memory_space<semaphore_mem>> -> memref<!tpu.dma_semaphore, #tpu.memory_space<semaphore_mem>>
      tpu.wait_indirect_dma semaphore(%dma_wait3A_331 : memref<!tpu.dma_semaphore, #tpu.memory_space<semaphore_mem>>) src(%dma_wait3A_323 : memref<128x64xf32, #tpu.memory_space<vmem>>) dst(%dma_wait3A_329 : memref<10240x64xf32, #tpu.memory_space<vmem_shared>>)
      %lt3A_332 = arith.constant 15 : i32
      %lt3A_333 = arith.cmpi slt, %scan3A_110, %lt3A_332 : i32
      %convert_element_type3A_334 = arith.extui %lt3A_333 : i1 to i32
      %cond3A_335 = arith.constant 0 : i32
      %cond3A_336 = arith.cmpi ne, %convert_element_type3A_334, %cond3A_335 : i32
      scf.if %cond3A_336 {
        %add3A_384 = arith.constant 5 : i32
        %add3A_385 = arith.addi %add3A_317, %add3A_384 : i32
        %dma_start3A_386 = arith.constant 2 : i32
        %dma_start3A_387 = arith.constant 2 : i32
        %dma_start3A_388 = arith.constant 0 : i32
        %dma_start3A_389 = arith.constant 0 : i32
        %dma_start3A_390 = tpu.memref_slice %arg8[%dma_start3A_386, %dma_start3A_388, %dma_start3A_389] : memref<5x128x64xf32, #tpu.memory_space<vmem>> -> memref<1x128x64xf32, #tpu.memory_space<vmem>>
        %dma_start3A_391 = tpu.memref_squeeze %dma_start3A_390 : memref<1x128x64xf32, #tpu.memory_space<vmem>> -> memref<128x64xf32, #tpu.memory_space<vmem>>
        %dma_start3A_392 = arith.constant 0 : i32
        %dma_start3A_393 = tpu.memref_slice %arg6[%add3A_385, %dma_start3A_392] : memref<80x128xi32, #tpu.memory_space<vmem>> -> memref<1x128xi32, #tpu.memory_space<vmem>>
        %dma_start3A_394 = tpu.memref_squeeze %dma_start3A_393 : memref<1x128xi32, #tpu.memory_space<vmem>> -> memref<128xi32, #tpu.memory_space<vmem>>
        %dma_start3A_395 = arith.constant 0 : i32
        %dma_start3A_396 = arith.constant 0 : i32
        %dma_start3A_397 = tpu.memref_slice %arg2[%dma_start3A_395, %dma_start3A_396] : memref<10240x64xf32, #tpu.memory_space<hbm>> -> memref<10240x64xf32, #tpu.memory_space<hbm>>
        %dma_start3A_398 = tpu.memref_slice %arg11[%dma_start3A_387] : memref<5x!tpu.dma_semaphore, #tpu.memory_space<semaphore_mem>> -> memref<1x!tpu.dma_semaphore, #tpu.memory_space<semaphore_mem>>
        %dma_start3A_399 = tpu.memref_squeeze %dma_start3A_398 : memref<1x!tpu.dma_semaphore, #tpu.memory_space<semaphore_mem>> -> memref<!tpu.dma_semaphore, #tpu.memory_space<semaphore_mem>>
        tpu.enqueue_indirect_dma source(%dma_start3A_397 : memref<10240x64xf32, #tpu.memory_space<hbm>>) target(%dma_start3A_391 : memref<128x64xf32, #tpu.memory_space<vmem>>) offsets(%dma_start3A_394 : memref<128xi32, #tpu.memory_space<vmem>>) semaphore(%dma_start3A_399 : memref<!tpu.dma_semaphore, #tpu.memory_space<semaphore_mem>>)
      } else {
      }
      %mul3A_337 = arith.constant 5 : i32
      %mul3A_338 = arith.muli %scan3A_110, %mul3A_337 : i32
      %add3A_339 = arith.constant 3 : i32
      %add3A_340 = arith.addi %mul3A_338, %add3A_339 : i32
      %dma_wait3A_341 = arith.constant 3 : i32
      %dma_wait3A_342 = arith.constant 3 : i32
      %dma_wait3A_343 = arith.constant 0 : i32
      %dma_wait3A_344 = arith.constant 0 : i32
      %dma_wait3A_345 = tpu.memref_slice %arg8[%dma_wait3A_341, %dma_wait3A_343, %dma_wait3A_344] : memref<5x128x64xf32, #tpu.memory_space<vmem>> -> memref<1x128x64xf32, #tpu.memory_space<vmem>>
      %dma_wait3A_346 = tpu.memref_squeeze %dma_wait3A_345 : memref<1x128x64xf32, #tpu.memory_space<vmem>> -> memref<128x64xf32, #tpu.memory_space<vmem>>
      %dma_wait3A_347 = arith.constant 0 : i32
      %dma_wait3A_348 = tpu.memref_slice %arg7[%add3A_340, %dma_wait3A_347] : memref<80x128xi32, #tpu.memory_space<vmem>> -> memref<1x128xi32, #tpu.memory_space<vmem>>
      %dma_wait3A_349 = tpu.memref_squeeze %dma_wait3A_348 : memref<1x128xi32, #tpu.memory_space<vmem>> -> memref<128xi32, #tpu.memory_space<vmem>>
      %dma_wait3A_350 = arith.constant 0 : i32
      %dma_wait3A_351 = arith.constant 0 : i32
      %dma_wait3A_352 = tpu.memref_slice %arg10[%dma_wait3A_350, %dma_wait3A_351] : memref<10240x64xf32, #tpu.memory_space<vmem_shared>> -> memref<10240x64xf32, #tpu.memory_space<vmem_shared>>
      %dma_wait3A_353 = tpu.memref_slice %arg12[%dma_wait3A_342] : memref<5x!tpu.dma_semaphore, #tpu.memory_space<semaphore_mem>> -> memref<1x!tpu.dma_semaphore, #tpu.memory_space<semaphore_mem>>
      %dma_wait3A_354 = tpu.memref_squeeze %dma_wait3A_353 : memref<1x!tpu.dma_semaphore, #tpu.memory_space<semaphore_mem>> -> memref<!tpu.dma_semaphore, #tpu.memory_space<semaphore_mem>>
      tpu.wait_indirect_dma semaphore(%dma_wait3A_354 : memref<!tpu.dma_semaphore, #tpu.memory_space<semaphore_mem>>) src(%dma_wait3A_346 : memref<128x64xf32, #tpu.memory_space<vmem>>) dst(%dma_wait3A_352 : memref<10240x64xf32, #tpu.memory_space<vmem_shared>>)
      %lt3A_355 = arith.constant 15 : i32
      %lt3A_356 = arith.cmpi slt, %scan3A_110, %lt3A_355 : i32
      %convert_element_type3A_357 = arith.extui %lt3A_356 : i1 to i32
      %cond3A_358 = arith.constant 0 : i32
      %cond3A_359 = arith.cmpi ne, %convert_element_type3A_357, %cond3A_358 : i32
      scf.if %cond3A_359 {
        %add3A_384 = arith.constant 5 : i32
        %add3A_385 = arith.addi %add3A_340, %add3A_384 : i32
        %dma_start3A_386 = arith.constant 3 : i32
        %dma_start3A_387 = arith.constant 3 : i32
        %dma_start3A_388 = arith.constant 0 : i32
        %dma_start3A_389 = arith.constant 0 : i32
        %dma_start3A_390 = tpu.memref_slice %arg8[%dma_start3A_386, %dma_start3A_388, %dma_start3A_389] : memref<5x128x64xf32, #tpu.memory_space<vmem>> -> memref<1x128x64xf32, #tpu.memory_space<vmem>>
        %dma_start3A_391 = tpu.memref_squeeze %dma_start3A_390 : memref<1x128x64xf32, #tpu.memory_space<vmem>> -> memref<128x64xf32, #tpu.memory_space<vmem>>
        %dma_start3A_392 = arith.constant 0 : i32
        %dma_start3A_393 = tpu.memref_slice %arg6[%add3A_385, %dma_start3A_392] : memref<80x128xi32, #tpu.memory_space<vmem>> -> memref<1x128xi32, #tpu.memory_space<vmem>>
        %dma_start3A_394 = tpu.memref_squeeze %dma_start3A_393 : memref<1x128xi32, #tpu.memory_space<vmem>> -> memref<128xi32, #tpu.memory_space<vmem>>
        %dma_start3A_395 = arith.constant 0 : i32
        %dma_start3A_396 = arith.constant 0 : i32
        %dma_start3A_397 = tpu.memref_slice %arg2[%dma_start3A_395, %dma_start3A_396] : memref<10240x64xf32, #tpu.memory_space<hbm>> -> memref<10240x64xf32, #tpu.memory_space<hbm>>
        %dma_start3A_398 = tpu.memref_slice %arg11[%dma_start3A_387] : memref<5x!tpu.dma_semaphore, #tpu.memory_space<semaphore_mem>> -> memref<1x!tpu.dma_semaphore, #tpu.memory_space<semaphore_mem>>
        %dma_start3A_399 = tpu.memref_squeeze %dma_start3A_398 : memref<1x!tpu.dma_semaphore, #tpu.memory_space<semaphore_mem>> -> memref<!tpu.dma_semaphore, #tpu.memory_space<semaphore_mem>>
        tpu.enqueue_indirect_dma source(%dma_start3A_397 : memref<10240x64xf32, #tpu.memory_space<hbm>>) target(%dma_start3A_391 : memref<128x64xf32, #tpu.memory_space<vmem>>) offsets(%dma_start3A_394 : memref<128xi32, #tpu.memory_space<vmem>>) semaphore(%dma_start3A_399 : memref<!tpu.dma_semaphore, #tpu.memory_space<semaphore_mem>>)
      } else {
      }
      %mul3A_360 = arith.constant 5 : i32
      %mul3A_361 = arith.muli %scan3A_110, %mul3A_360 : i32
      %add3A_362 = arith.constant 4 : i32
      %add3A_363 = arith.addi %mul3A_361, %add3A_362 : i32
      %dma_wait3A_364 = arith.constant 4 : i32
      %dma_wait3A_365 = arith.constant 4 : i32
      %dma_wait3A_366 = arith.constant 0 : i32
      %dma_wait3A_367 = arith.constant 0 : i32
      %dma_wait3A_368 = tpu.memref_slice %arg8[%dma_wait3A_364, %dma_wait3A_366, %dma_wait3A_367] : memref<5x128x64xf32, #tpu.memory_space<vmem>> -> memref<1x128x64xf32, #tpu.memory_space<vmem>>
      %dma_wait3A_369 = tpu.memref_squeeze %dma_wait3A_368 : memref<1x128x64xf32, #tpu.memory_space<vmem>> -> memref<128x64xf32, #tpu.memory_space<vmem>>
      %dma_wait3A_370 = arith.constant 0 : i32
      %dma_wait3A_371 = tpu.memref_slice %arg7[%add3A_363, %dma_wait3A_370] : memref<80x128xi32, #tpu.memory_space<vmem>> -> memref<1x128xi32, #tpu.memory_space<vmem>>
      %dma_wait3A_372 = tpu.memref_squeeze %dma_wait3A_371 : memref<1x128xi32, #tpu.memory_space<vmem>> -> memref<128xi32, #tpu.memory_space<vmem>>
      %dma_wait3A_373 = arith.constant 0 : i32
      %dma_wait3A_374 = arith.constant 0 : i32
      %dma_wait3A_375 = tpu.memref_slice %arg10[%dma_wait3A_373, %dma_wait3A_374] : memref<10240x64xf32, #tpu.memory_space<vmem_shared>> -> memref<10240x64xf32, #tpu.memory_space<vmem_shared>>
      %dma_wait3A_376 = tpu.memref_slice %arg12[%dma_wait3A_365] : memref<5x!tpu.dma_semaphore, #tpu.memory_space<semaphore_mem>> -> memref<1x!tpu.dma_semaphore, #tpu.memory_space<semaphore_mem>>
      %dma_wait3A_377 = tpu.memref_squeeze %dma_wait3A_376 : memref<1x!tpu.dma_semaphore, #tpu.memory_space<semaphore_mem>> -> memref<!tpu.dma_semaphore, #tpu.memory_space<semaphore_mem>>
      tpu.wait_indirect_dma semaphore(%dma_wait3A_377 : memref<!tpu.dma_semaphore, #tpu.memory_space<semaphore_mem>>) src(%dma_wait3A_369 : memref<128x64xf32, #tpu.memory_space<vmem>>) dst(%dma_wait3A_375 : memref<10240x64xf32, #tpu.memory_space<vmem_shared>>)
      %lt3A_378 = arith.constant 15 : i32
      %lt3A_379 = arith.cmpi slt, %scan3A_110, %lt3A_378 : i32
      %convert_element_type3A_380 = arith.extui %lt3A_379 : i1 to i32
      %cond3A_381 = arith.constant 0 : i32
      %cond3A_382 = arith.cmpi ne, %convert_element_type3A_380, %cond3A_381 : i32
      scf.if %cond3A_382 {
        %add3A_384 = arith.constant 5 : i32
        %add3A_385 = arith.addi %add3A_363, %add3A_384 : i32
        %dma_start3A_386 = arith.constant 4 : i32
        %dma_start3A_387 = arith.constant 4 : i32
        %dma_start3A_388 = arith.constant 0 : i32
        %dma_start3A_389 = arith.constant 0 : i32
        %dma_start3A_390 = tpu.memref_slice %arg8[%dma_start3A_386, %dma_start3A_388, %dma_start3A_389] : memref<5x128x64xf32, #tpu.memory_space<vmem>> -> memref<1x128x64xf32, #tpu.memory_space<vmem>>
        %dma_start3A_391 = tpu.memref_squeeze %dma_start3A_390 : memref<1x128x64xf32, #tpu.memory_space<vmem>> -> memref<128x64xf32, #tpu.memory_space<vmem>>
        %dma_start3A_392 = arith.constant 0 : i32
        %dma_start3A_393 = tpu.memref_slice %arg6[%add3A_385, %dma_start3A_392] : memref<80x128xi32, #tpu.memory_space<vmem>> -> memref<1x128xi32, #tpu.memory_space<vmem>>
        %dma_start3A_394 = tpu.memref_squeeze %dma_start3A_393 : memref<1x128xi32, #tpu.memory_space<vmem>> -> memref<128xi32, #tpu.memory_space<vmem>>
        %dma_start3A_395 = arith.constant 0 : i32
        %dma_start3A_396 = arith.constant 0 : i32
        %dma_start3A_397 = tpu.memref_slice %arg2[%dma_start3A_395, %dma_start3A_396] : memref<10240x64xf32, #tpu.memory_space<hbm>> -> memref<10240x64xf32, #tpu.memory_space<hbm>>
        %dma_start3A_398 = tpu.memref_slice %arg11[%dma_start3A_387] : memref<5x!tpu.dma_semaphore, #tpu.memory_space<semaphore_mem>> -> memref<1x!tpu.dma_semaphore, #tpu.memory_space<semaphore_mem>>
        %dma_start3A_399 = tpu.memref_squeeze %dma_start3A_398 : memref<1x!tpu.dma_semaphore, #tpu.memory_space<semaphore_mem>> -> memref<!tpu.dma_semaphore, #tpu.memory_space<semaphore_mem>>
        tpu.enqueue_indirect_dma source(%dma_start3A_397 : memref<10240x64xf32, #tpu.memory_space<hbm>>) target(%dma_start3A_391 : memref<128x64xf32, #tpu.memory_space<vmem>>) offsets(%dma_start3A_394 : memref<128xi32, #tpu.memory_space<vmem>>) semaphore(%dma_start3A_399 : memref<!tpu.dma_semaphore, #tpu.memory_space<semaphore_mem>>)
      } else {
      }
      %scan3A_383 = arith.constant 0 : i32
      scf.yield %scan3A_383 : i32
    }
    %scan3A_104 = arith.constant 16 : i32
    %barrier3A_105 = arith.constant 0 : index
    tpu.barrier barrier_id(%barrier3A_105)
    %mul3A_106 = arith.constant 640 : i32
    %mul3A_107 = arith.muli %arg1, %mul3A_106 : i32
    %mul3A_108 = arith.constant 640 : i32
    %mul3A_109 = arith.muli %arg1, %mul3A_108 : i32
    "tpu.region"() ({
      %run_scoped3A = tpu.sem_alloc : memref<!tpu.dma_semaphore, #tpu.memory_space<semaphore_mem>>
      %dma_start3A_110 = arith.constant 0 : i32
      %dma_start3A_111 = tpu.memref_slice %arg5[%arg0, %mul3A_109, %dma_start3A_110] : memref<2x10240x64xf32, #tpu.memory_space<hbm>> -> memref<1x640x64xf32, #tpu.memory_space<hbm>>
      %dma_start3A_112 = tpu.memref_squeeze %dma_start3A_111 : memref<1x640x64xf32, #tpu.memory_space<hbm>> -> memref<640x64xf32, #tpu.memory_space<hbm>>
      %dma_start3A_113 = arith.constant 0 : i32
      %dma_start3A_114 = tpu.memref_slice %arg10[%mul3A_107, %dma_start3A_113] : memref<10240x64xf32, #tpu.memory_space<vmem_shared>> -> memref<640x64xf32, #tpu.memory_space<vmem_shared>>
      tpu.enqueue_dma source(%dma_start3A_114 : memref<640x64xf32, #tpu.memory_space<vmem_shared>>) target(%dma_start3A_112 : memref<640x64xf32, #tpu.memory_space<hbm>>) target_semaphore(%run_scoped3A : memref<!tpu.dma_semaphore, #tpu.memory_space<semaphore_mem>>)
      %dma_wait3A = arith.constant 0 : i32
      %dma_wait3A_115 = tpu.memref_slice %arg5[%arg0, %mul3A_109, %dma_wait3A] : memref<2x10240x64xf32, #tpu.memory_space<hbm>> -> memref<1x640x64xf32, #tpu.memory_space<hbm>>
      %dma_wait3A_116 = tpu.memref_squeeze %dma_wait3A_115 : memref<1x640x64xf32, #tpu.memory_space<hbm>> -> memref<640x64xf32, #tpu.memory_space<hbm>>
      %dma_wait3A_117 = arith.constant 0 : i32
      %dma_wait3A_118 = tpu.memref_slice %arg10[%mul3A_107, %dma_wait3A_117] : memref<10240x64xf32, #tpu.memory_space<vmem_shared>> -> memref<640x64xf32, #tpu.memory_space<vmem_shared>>
      tpu.wait_dma2 semaphore(%run_scoped3A : memref<!tpu.dma_semaphore, #tpu.memory_space<semaphore_mem>>) src(%dma_wait3A_118 : memref<640x64xf32, #tpu.memory_space<vmem_shared>>) dst(%dma_wait3A_116 : memref<640x64xf32, #tpu.memory_space<hbm>>)
      tpu.yield
    }) : () -> ()
    return
  }
}

#map = affine_map<(d0, d1) -> (0, 0)>
#map1 = affine_map<(d0, d1) -> (0, 0, 0, 0)>
#map2 = affine_map<(d0, d1) -> (0, 0, 0)>
module attributes {stable_mosaic.version = 14 : i64} {
  func.func @_agg_body(%arg0: i32, %arg1: i32, %arg2: memref<10240x32xf32, #tpu.memory_space<hbm>>, %arg3: memref<2x16x80x128xi32, #tpu.memory_space<hbm>>, %arg4: memref<2x16x80x128xi32, #tpu.memory_space<hbm>>, %arg5: memref<2x10240x32xf32, #tpu.memory_space<hbm>>, %arg6: memref<80x128xi32, #tpu.memory_space<vmem>>, %arg7: memref<80x128xi32, #tpu.memory_space<vmem>>, %arg8: memref<8x128x32xf32, #tpu.memory_space<vmem>>, %arg9: memref<128x32xf32, #tpu.memory_space<vmem>>, %arg10: memref<10240x32xf32, #tpu.memory_space<vmem_shared>>, %arg11: memref<8x!tpu.dma_semaphore, #tpu.memory_space<semaphore_mem>>, %arg12: memref<8x!tpu.dma_semaphore, #tpu.memory_space<semaphore_mem>>) attributes {dimension_semantics = [#tpu.dimension_semantics<core_parallel>, #tpu.dimension_semantics<subcore_parallel>], iteration_bounds = array<i64: 2, 16>, scalar_prefetch = 0 : i64, scratch_operands = 7 : i64, tpu.core_type = #tpu.core_type<sc_vector_subcore>, window_params = [{transform_indices = #map}, {transform_indices = #map1}, {transform_indices = #map1}, {transform_indices = #map2}]} {
    %scan3A = arith.constant 0 : i32
    %scan3A_0 = arith.constant 0 : i32
    %scan3A_1 = arith.constant 128 : i32
    %scan3A_2 = arith.addi %scan3A_0, %scan3A_1 : i32
    %scan3A_3 = arith.constant 1 : i32
    %scan3A_4 = scf.for %scan3A_155 = %scan3A_0 to %scan3A_2 step %scan3A_3 iter_args(%scan3A_156 = %scan3A) -> (i32)  : i32 {
      %scan3A_157 = arith.constant 0 : i32
      %scan3A_158 = arith.constant 0 : i32
      %scan3A_159 = arith.constant 2 : i32
      %scan3A_160 = arith.addi %scan3A_158, %scan3A_159 : i32
      %scan3A_161 = arith.constant 1 : i32
      %scan3A_162 = scf.for %scan3A_165 = %scan3A_158 to %scan3A_160 step %scan3A_161 iter_args(%scan3A_166 = %scan3A_157) -> (i32)  : i32 {
        %broadcast_in_dim3A = arith.constant 0.000000e+00 : f32
        %broadcast_in_dim3A_167 = vector.broadcast %broadcast_in_dim3A : f32 to vector<16xf32>
        %mul3A_168 = arith.constant 16 : i32
        %mul3A_169 = arith.muli %scan3A_165, %mul3A_168 : i32
        %swap3A = arith.index_cast %scan3A_155 : i32 to index
        %swap3A_170 = arith.index_cast %mul3A_169 : i32 to index
        %swap3A_171 = tpu.vector_load %arg9[%swap3A, %swap3A_170] {strides = array<i32>} : memref<128x32xf32, #tpu.memory_space<vmem>>, vector<1x16xf32>,
        %swap3A_172 = vector.shape_cast %swap3A_171 : vector<1x16xf32> to vector<16xf32>
        %swap3A_173 = vector.shape_cast %broadcast_in_dim3A_167 : vector<16xf32> to vector<1x16xf32>
        tpu.vector_store %arg9[%swap3A, %swap3A_170], %swap3A_173 {strides = array<i32>} : memref<128x32xf32, #tpu.memory_space<vmem>>, vector<1x16xf32>,
        %scan3A_174 = arith.constant 0 : i32
        scf.yield %scan3A_174 : i32
      }
      %scan3A_163 = arith.constant 2 : i32
      %scan3A_164 = arith.constant 0 : i32
      scf.yield %scan3A_164 : i32
    }
    %scan3A_5 = arith.constant 128 : i32
    %mul3A = arith.constant 640 : i32
    %mul3A_6 = arith.muli %arg1, %mul3A : i32
    %add3A = arith.constant 0 : i32
    %add3A_7 = arith.addi %mul3A_6, %add3A : i32
    "tpu.region"() ({
      %run_scoped3A = tpu.sem_alloc : memref<!tpu.dma_semaphore, #tpu.memory_space<semaphore_mem>>
      %dma_start3A_155 = arith.constant 0 : i32
      %dma_start3A_156 = tpu.memref_slice %arg10[%add3A_7, %dma_start3A_155] : memref<10240x32xf32, #tpu.memory_space<vmem_shared>> -> memref<128x32xf32, #tpu.memory_space<vmem_shared>>
      %dma_start3A_157 = arith.constant 0 : i32
      %dma_start3A_158 = tpu.memref_slice %arg10[%add3A_7, %dma_start3A_157] : memref<10240x32xf32, #tpu.memory_space<vmem_shared>> -> memref<128x32xf32, #tpu.memory_space<vmem_shared>>
      tpu.enqueue_dma source(%arg9 : memref<128x32xf32, #tpu.memory_space<vmem>>) target(%dma_start3A_158 : memref<128x32xf32, #tpu.memory_space<vmem_shared>>) target_semaphore(%run_scoped3A : memref<!tpu.dma_semaphore, #tpu.memory_space<semaphore_mem>>)
      %dma_wait3A = arith.constant 0 : i32
      %dma_wait3A_159 = tpu.memref_slice %arg10[%add3A_7, %dma_wait3A] : memref<10240x32xf32, #tpu.memory_space<vmem_shared>> -> memref<128x32xf32, #tpu.memory_space<vmem_shared>>
      %dma_wait3A_160 = arith.constant 0 : i32
      %dma_wait3A_161 = tpu.memref_slice %arg10[%add3A_7, %dma_wait3A_160] : memref<10240x32xf32, #tpu.memory_space<vmem_shared>> -> memref<128x32xf32, #tpu.memory_space<vmem_shared>>
      tpu.wait_dma2 semaphore(%run_scoped3A : memref<!tpu.dma_semaphore, #tpu.memory_space<semaphore_mem>>) src(%arg9 : memref<128x32xf32, #tpu.memory_space<vmem>>) dst(%dma_wait3A_161 : memref<128x32xf32, #tpu.memory_space<vmem_shared>>)
      tpu.yield
    }) : () -> ()
    %mul3A_8 = arith.constant 640 : i32
    %mul3A_9 = arith.muli %arg1, %mul3A_8 : i32
    %add3A_10 = arith.constant 128 : i32
    %add3A_11 = arith.addi %mul3A_9, %add3A_10 : i32
    "tpu.region"() ({
      %run_scoped3A = tpu.sem_alloc : memref<!tpu.dma_semaphore, #tpu.memory_space<semaphore_mem>>
      %dma_start3A_155 = arith.constant 0 : i32
      %dma_start3A_156 = tpu.memref_slice %arg10[%add3A_11, %dma_start3A_155] : memref<10240x32xf32, #tpu.memory_space<vmem_shared>> -> memref<128x32xf32, #tpu.memory_space<vmem_shared>>
      %dma_start3A_157 = arith.constant 0 : i32
      %dma_start3A_158 = tpu.memref_slice %arg10[%add3A_11, %dma_start3A_157] : memref<10240x32xf32, #tpu.memory_space<vmem_shared>> -> memref<128x32xf32, #tpu.memory_space<vmem_shared>>
      tpu.enqueue_dma source(%arg9 : memref<128x32xf32, #tpu.memory_space<vmem>>) target(%dma_start3A_158 : memref<128x32xf32, #tpu.memory_space<vmem_shared>>) target_semaphore(%run_scoped3A : memref<!tpu.dma_semaphore, #tpu.memory_space<semaphore_mem>>)
      %dma_wait3A = arith.constant 0 : i32
      %dma_wait3A_159 = tpu.memref_slice %arg10[%add3A_11, %dma_wait3A] : memref<10240x32xf32, #tpu.memory_space<vmem_shared>> -> memref<128x32xf32, #tpu.memory_space<vmem_shared>>
      %dma_wait3A_160 = arith.constant 0 : i32
      %dma_wait3A_161 = tpu.memref_slice %arg10[%add3A_11, %dma_wait3A_160] : memref<10240x32xf32, #tpu.memory_space<vmem_shared>> -> memref<128x32xf32, #tpu.memory_space<vmem_shared>>
      tpu.wait_dma2 semaphore(%run_scoped3A : memref<!tpu.dma_semaphore, #tpu.memory_space<semaphore_mem>>) src(%arg9 : memref<128x32xf32, #tpu.memory_space<vmem>>) dst(%dma_wait3A_161 : memref<128x32xf32, #tpu.memory_space<vmem_shared>>)
      tpu.yield
    }) : () -> ()
    %mul3A_12 = arith.constant 640 : i32
    %mul3A_13 = arith.muli %arg1, %mul3A_12 : i32
    %add3A_14 = arith.constant 256 : i32
    %add3A_15 = arith.addi %mul3A_13, %add3A_14 : i32
    "tpu.region"() ({
      %run_scoped3A = tpu.sem_alloc : memref<!tpu.dma_semaphore, #tpu.memory_space<semaphore_mem>>
      %dma_start3A_155 = arith.constant 0 : i32
      %dma_start3A_156 = tpu.memref_slice %arg10[%add3A_15, %dma_start3A_155] : memref<10240x32xf32, #tpu.memory_space<vmem_shared>> -> memref<128x32xf32, #tpu.memory_space<vmem_shared>>
      %dma_start3A_157 = arith.constant 0 : i32
      %dma_start3A_158 = tpu.memref_slice %arg10[%add3A_15, %dma_start3A_157] : memref<10240x32xf32, #tpu.memory_space<vmem_shared>> -> memref<128x32xf32, #tpu.memory_space<vmem_shared>>
      tpu.enqueue_dma source(%arg9 : memref<128x32xf32, #tpu.memory_space<vmem>>) target(%dma_start3A_158 : memref<128x32xf32, #tpu.memory_space<vmem_shared>>) target_semaphore(%run_scoped3A : memref<!tpu.dma_semaphore, #tpu.memory_space<semaphore_mem>>)
      %dma_wait3A = arith.constant 0 : i32
      %dma_wait3A_159 = tpu.memref_slice %arg10[%add3A_15, %dma_wait3A] : memref<10240x32xf32, #tpu.memory_space<vmem_shared>> -> memref<128x32xf32, #tpu.memory_space<vmem_shared>>
      %dma_wait3A_160 = arith.constant 0 : i32
      %dma_wait3A_161 = tpu.memref_slice %arg10[%add3A_15, %dma_wait3A_160] : memref<10240x32xf32, #tpu.memory_space<vmem_shared>> -> memref<128x32xf32, #tpu.memory_space<vmem_shared>>
      tpu.wait_dma2 semaphore(%run_scoped3A : memref<!tpu.dma_semaphore, #tpu.memory_space<semaphore_mem>>) src(%arg9 : memref<128x32xf32, #tpu.memory_space<vmem>>) dst(%dma_wait3A_161 : memref<128x32xf32, #tpu.memory_space<vmem_shared>>)
      tpu.yield
    }) : () -> ()
    %mul3A_16 = arith.constant 640 : i32
    %mul3A_17 = arith.muli %arg1, %mul3A_16 : i32
    %add3A_18 = arith.constant 384 : i32
    %add3A_19 = arith.addi %mul3A_17, %add3A_18 : i32
    "tpu.region"() ({
      %run_scoped3A = tpu.sem_alloc : memref<!tpu.dma_semaphore, #tpu.memory_space<semaphore_mem>>
      %dma_start3A_155 = arith.constant 0 : i32
      %dma_start3A_156 = tpu.memref_slice %arg10[%add3A_19, %dma_start3A_155] : memref<10240x32xf32, #tpu.memory_space<vmem_shared>> -> memref<128x32xf32, #tpu.memory_space<vmem_shared>>
      %dma_start3A_157 = arith.constant 0 : i32
      %dma_start3A_158 = tpu.memref_slice %arg10[%add3A_19, %dma_start3A_157] : memref<10240x32xf32, #tpu.memory_space<vmem_shared>> -> memref<128x32xf32, #tpu.memory_space<vmem_shared>>
      tpu.enqueue_dma source(%arg9 : memref<128x32xf32, #tpu.memory_space<vmem>>) target(%dma_start3A_158 : memref<128x32xf32, #tpu.memory_space<vmem_shared>>) target_semaphore(%run_scoped3A : memref<!tpu.dma_semaphore, #tpu.memory_space<semaphore_mem>>)
      %dma_wait3A = arith.constant 0 : i32
      %dma_wait3A_159 = tpu.memref_slice %arg10[%add3A_19, %dma_wait3A] : memref<10240x32xf32, #tpu.memory_space<vmem_shared>> -> memref<128x32xf32, #tpu.memory_space<vmem_shared>>
      %dma_wait3A_160 = arith.constant 0 : i32
      %dma_wait3A_161 = tpu.memref_slice %arg10[%add3A_19, %dma_wait3A_160] : memref<10240x32xf32, #tpu.memory_space<vmem_shared>> -> memref<128x32xf32, #tpu.memory_space<vmem_shared>>
      tpu.wait_dma2 semaphore(%run_scoped3A : memref<!tpu.dma_semaphore, #tpu.memory_space<semaphore_mem>>) src(%arg9 : memref<128x32xf32, #tpu.memory_space<vmem>>) dst(%dma_wait3A_161 : memref<128x32xf32, #tpu.memory_space<vmem_shared>>)
      tpu.yield
    }) : () -> ()
    %mul3A_20 = arith.constant 640 : i32
    %mul3A_21 = arith.muli %arg1, %mul3A_20 : i32
    %add3A_22 = arith.constant 512 : i32
    %add3A_23 = arith.addi %mul3A_21, %add3A_22 : i32
    "tpu.region"() ({
      %run_scoped3A = tpu.sem_alloc : memref<!tpu.dma_semaphore, #tpu.memory_space<semaphore_mem>>
      %dma_start3A_155 = arith.constant 0 : i32
      %dma_start3A_156 = tpu.memref_slice %arg10[%add3A_23, %dma_start3A_155] : memref<10240x32xf32, #tpu.memory_space<vmem_shared>> -> memref<128x32xf32, #tpu.memory_space<vmem_shared>>
      %dma_start3A_157 = arith.constant 0 : i32
      %dma_start3A_158 = tpu.memref_slice %arg10[%add3A_23, %dma_start3A_157] : memref<10240x32xf32, #tpu.memory_space<vmem_shared>> -> memref<128x32xf32, #tpu.memory_space<vmem_shared>>
      tpu.enqueue_dma source(%arg9 : memref<128x32xf32, #tpu.memory_space<vmem>>) target(%dma_start3A_158 : memref<128x32xf32, #tpu.memory_space<vmem_shared>>) target_semaphore(%run_scoped3A : memref<!tpu.dma_semaphore, #tpu.memory_space<semaphore_mem>>)
      %dma_wait3A = arith.constant 0 : i32
      %dma_wait3A_159 = tpu.memref_slice %arg10[%add3A_23, %dma_wait3A] : memref<10240x32xf32, #tpu.memory_space<vmem_shared>> -> memref<128x32xf32, #tpu.memory_space<vmem_shared>>
      %dma_wait3A_160 = arith.constant 0 : i32
      %dma_wait3A_161 = tpu.memref_slice %arg10[%add3A_23, %dma_wait3A_160] : memref<10240x32xf32, #tpu.memory_space<vmem_shared>> -> memref<128x32xf32, #tpu.memory_space<vmem_shared>>
      tpu.wait_dma2 semaphore(%run_scoped3A : memref<!tpu.dma_semaphore, #tpu.memory_space<semaphore_mem>>) src(%arg9 : memref<128x32xf32, #tpu.memory_space<vmem>>) dst(%dma_wait3A_161 : memref<128x32xf32, #tpu.memory_space<vmem_shared>>)
      tpu.yield
    }) : () -> ()
    "tpu.region"() ({
      %run_scoped3A = tpu.sem_alloc : memref<!tpu.dma_semaphore, #tpu.memory_space<semaphore_mem>>
      %dma_start3A_155 = arith.constant 0 : i32
      %dma_start3A_156 = arith.constant 0 : i32
      %dma_start3A_157 = tpu.memref_slice %arg3[%arg0, %arg1, %dma_start3A_155, %dma_start3A_156] : memref<2x16x80x128xi32, #tpu.memory_space<hbm>> -> memref<1x1x80x128xi32, #tpu.memory_space<hbm>>
      %dma_start3A_158 = tpu.memref_squeeze %dma_start3A_157 : memref<1x1x80x128xi32, #tpu.memory_space<hbm>> -> memref<80x128xi32, #tpu.memory_space<hbm>>
      %dma_start3A_159 = arith.constant 0 : i32
      %dma_start3A_160 = arith.constant 0 : i32
      %dma_start3A_161 = tpu.memref_slice %arg3[%arg0, %arg1, %dma_start3A_159, %dma_start3A_160] : memref<2x16x80x128xi32, #tpu.memory_space<hbm>> -> memref<1x1x80x128xi32, #tpu.memory_space<hbm>>
      %dma_start3A_162 = tpu.memref_squeeze %dma_start3A_161 : memref<1x1x80x128xi32, #tpu.memory_space<hbm>> -> memref<80x128xi32, #tpu.memory_space<hbm>>
      tpu.enqueue_dma source(%dma_start3A_162 : memref<80x128xi32, #tpu.memory_space<hbm>>) target(%arg6 : memref<80x128xi32, #tpu.memory_space<vmem>>) target_semaphore(%run_scoped3A : memref<!tpu.dma_semaphore, #tpu.memory_space<semaphore_mem>>)
      %dma_wait3A = arith.constant 0 : i32
      %dma_wait3A_163 = arith.constant 0 : i32
      %dma_wait3A_164 = tpu.memref_slice %arg3[%arg0, %arg1, %dma_wait3A, %dma_wait3A_163] : memref<2x16x80x128xi32, #tpu.memory_space<hbm>> -> memref<1x1x80x128xi32, #tpu.memory_space<hbm>>
      %dma_wait3A_165 = tpu.memref_squeeze %dma_wait3A_164 : memref<1x1x80x128xi32, #tpu.memory_space<hbm>> -> memref<80x128xi32, #tpu.memory_space<hbm>>
      %dma_wait3A_166 = arith.constant 0 : i32
      %dma_wait3A_167 = arith.constant 0 : i32
      %dma_wait3A_168 = tpu.memref_slice %arg3[%arg0, %arg1, %dma_wait3A_166, %dma_wait3A_167] : memref<2x16x80x128xi32, #tpu.memory_space<hbm>> -> memref<1x1x80x128xi32, #tpu.memory_space<hbm>>
      %dma_wait3A_169 = tpu.memref_squeeze %dma_wait3A_168 : memref<1x1x80x128xi32, #tpu.memory_space<hbm>> -> memref<80x128xi32, #tpu.memory_space<hbm>>
      tpu.wait_dma2 semaphore(%run_scoped3A : memref<!tpu.dma_semaphore, #tpu.memory_space<semaphore_mem>>) src(%dma_wait3A_169 : memref<80x128xi32, #tpu.memory_space<hbm>>) dst(%arg6 : memref<80x128xi32, #tpu.memory_space<vmem>>)
      tpu.yield
    }) : () -> ()
    "tpu.region"() ({
      %run_scoped3A = tpu.sem_alloc : memref<!tpu.dma_semaphore, #tpu.memory_space<semaphore_mem>>
      %dma_start3A_155 = arith.constant 0 : i32
      %dma_start3A_156 = arith.constant 0 : i32
      %dma_start3A_157 = tpu.memref_slice %arg4[%arg0, %arg1, %dma_start3A_155, %dma_start3A_156] : memref<2x16x80x128xi32, #tpu.memory_space<hbm>> -> memref<1x1x80x128xi32, #tpu.memory_space<hbm>>
      %dma_start3A_158 = tpu.memref_squeeze %dma_start3A_157 : memref<1x1x80x128xi32, #tpu.memory_space<hbm>> -> memref<80x128xi32, #tpu.memory_space<hbm>>
      %dma_start3A_159 = arith.constant 0 : i32
      %dma_start3A_160 = arith.constant 0 : i32
      %dma_start3A_161 = tpu.memref_slice %arg4[%arg0, %arg1, %dma_start3A_159, %dma_start3A_160] : memref<2x16x80x128xi32, #tpu.memory_space<hbm>> -> memref<1x1x80x128xi32, #tpu.memory_space<hbm>>
      %dma_start3A_162 = tpu.memref_squeeze %dma_start3A_161 : memref<1x1x80x128xi32, #tpu.memory_space<hbm>> -> memref<80x128xi32, #tpu.memory_space<hbm>>
      tpu.enqueue_dma source(%dma_start3A_162 : memref<80x128xi32, #tpu.memory_space<hbm>>) target(%arg7 : memref<80x128xi32, #tpu.memory_space<vmem>>) target_semaphore(%run_scoped3A : memref<!tpu.dma_semaphore, #tpu.memory_space<semaphore_mem>>)
      %dma_wait3A = arith.constant 0 : i32
      %dma_wait3A_163 = arith.constant 0 : i32
      %dma_wait3A_164 = tpu.memref_slice %arg4[%arg0, %arg1, %dma_wait3A, %dma_wait3A_163] : memref<2x16x80x128xi32, #tpu.memory_space<hbm>> -> memref<1x1x80x128xi32, #tpu.memory_space<hbm>>
      %dma_wait3A_165 = tpu.memref_squeeze %dma_wait3A_164 : memref<1x1x80x128xi32, #tpu.memory_space<hbm>> -> memref<80x128xi32, #tpu.memory_space<hbm>>
      %dma_wait3A_166 = arith.constant 0 : i32
      %dma_wait3A_167 = arith.constant 0 : i32
      %dma_wait3A_168 = tpu.memref_slice %arg4[%arg0, %arg1, %dma_wait3A_166, %dma_wait3A_167] : memref<2x16x80x128xi32, #tpu.memory_space<hbm>> -> memref<1x1x80x128xi32, #tpu.memory_space<hbm>>
      %dma_wait3A_169 = tpu.memref_squeeze %dma_wait3A_168 : memref<1x1x80x128xi32, #tpu.memory_space<hbm>> -> memref<80x128xi32, #tpu.memory_space<hbm>>
      tpu.wait_dma2 semaphore(%run_scoped3A : memref<!tpu.dma_semaphore, #tpu.memory_space<semaphore_mem>>) src(%dma_wait3A_169 : memref<80x128xi32, #tpu.memory_space<hbm>>) dst(%arg7 : memref<80x128xi32, #tpu.memory_space<vmem>>)
      tpu.yield
    }) : () -> ()
    %barrier3A = arith.constant 0 : index
    tpu.barrier barrier_id(%barrier3A)
    %dma_start3A = arith.constant 0 : i32
    %dma_start3A_24 = arith.constant 0 : i32
    %dma_start3A_25 = arith.constant 0 : i32
    %dma_start3A_26 = arith.constant 0 : i32
    %dma_start3A_27 = arith.constant 0 : i32
    %dma_start3A_28 = tpu.memref_slice %arg8[%dma_start3A_24, %dma_start3A_26, %dma_start3A_27] : memref<8x128x32xf32, #tpu.memory_space<vmem>> -> memref<1x128x32xf32, #tpu.memory_space<vmem>>
    %dma_start3A_29 = tpu.memref_squeeze %dma_start3A_28 : memref<1x128x32xf32, #tpu.memory_space<vmem>> -> memref<128x32xf32, #tpu.memory_space<vmem>>
    %dma_start3A_30 = arith.constant 0 : i32
    %dma_start3A_31 = tpu.memref_slice %arg6[%dma_start3A, %dma_start3A_30] : memref<80x128xi32, #tpu.memory_space<vmem>> -> memref<1x128xi32, #tpu.memory_space<vmem>>
    %dma_start3A_32 = tpu.memref_squeeze %dma_start3A_31 : memref<1x128xi32, #tpu.memory_space<vmem>> -> memref<128xi32, #tpu.memory_space<vmem>>
    %dma_start3A_33 = arith.constant 0 : i32
    %dma_start3A_34 = arith.constant 0 : i32
    %dma_start3A_35 = tpu.memref_slice %arg2[%dma_start3A_33, %dma_start3A_34] : memref<10240x32xf32, #tpu.memory_space<hbm>> -> memref<10240x32xf32, #tpu.memory_space<hbm>>
    %dma_start3A_36 = tpu.memref_slice %arg11[%dma_start3A_25] : memref<8x!tpu.dma_semaphore, #tpu.memory_space<semaphore_mem>> -> memref<1x!tpu.dma_semaphore, #tpu.memory_space<semaphore_mem>>
    %dma_start3A_37 = tpu.memref_squeeze %dma_start3A_36 : memref<1x!tpu.dma_semaphore, #tpu.memory_space<semaphore_mem>> -> memref<!tpu.dma_semaphore, #tpu.memory_space<semaphore_mem>>
    tpu.enqueue_indirect_dma source(%dma_start3A_35 : memref<10240x32xf32, #tpu.memory_space<hbm>>) target(%dma_start3A_29 : memref<128x32xf32, #tpu.memory_space<vmem>>) offsets(%dma_start3A_32 : memref<128xi32, #tpu.memory_space<vmem>>) semaphore(%dma_start3A_37 : memref<!tpu.dma_semaphore, #tpu.memory_space<semaphore_mem>>)
    %dma_start3A_38 = arith.constant 1 : i32
    %dma_start3A_39 = arith.constant 1 : i32
    %dma_start3A_40 = arith.constant 1 : i32
    %dma_start3A_41 = arith.constant 0 : i32
    %dma_start3A_42 = arith.constant 0 : i32
    %dma_start3A_43 = tpu.memref_slice %arg8[%dma_start3A_39, %dma_start3A_41, %dma_start3A_42] : memref<8x128x32xf32, #tpu.memory_space<vmem>> -> memref<1x128x32xf32, #tpu.memory_space<vmem>>
    %dma_start3A_44 = tpu.memref_squeeze %dma_start3A_43 : memref<1x128x32xf32, #tpu.memory_space<vmem>> -> memref<128x32xf32, #tpu.memory_space<vmem>>
    %dma_start3A_45 = arith.constant 0 : i32
    %dma_start3A_46 = tpu.memref_slice %arg6[%dma_start3A_38, %dma_start3A_45] : memref<80x128xi32, #tpu.memory_space<vmem>> -> memref<1x128xi32, #tpu.memory_space<vmem>>
    %dma_start3A_47 = tpu.memref_squeeze %dma_start3A_46 : memref<1x128xi32, #tpu.memory_space<vmem>> -> memref<128xi32, #tpu.memory_space<vmem>>
    %dma_start3A_48 = arith.constant 0 : i32
    %dma_start3A_49 = arith.constant 0 : i32
    %dma_start3A_50 = tpu.memref_slice %arg2[%dma_start3A_48, %dma_start3A_49] : memref<10240x32xf32, #tpu.memory_space<hbm>> -> memref<10240x32xf32, #tpu.memory_space<hbm>>
    %dma_start3A_51 = tpu.memref_slice %arg11[%dma_start3A_40] : memref<8x!tpu.dma_semaphore, #tpu.memory_space<semaphore_mem>> -> memref<1x!tpu.dma_semaphore, #tpu.memory_space<semaphore_mem>>
    %dma_start3A_52 = tpu.memref_squeeze %dma_start3A_51 : memref<1x!tpu.dma_semaphore, #tpu.memory_space<semaphore_mem>> -> memref<!tpu.dma_semaphore, #tpu.memory_space<semaphore_mem>>
    tpu.enqueue_indirect_dma source(%dma_start3A_50 : memref<10240x32xf32, #tpu.memory_space<hbm>>) target(%dma_start3A_44 : memref<128x32xf32, #tpu.memory_space<vmem>>) offsets(%dma_start3A_47 : memref<128xi32, #tpu.memory_space<vmem>>) semaphore(%dma_start3A_52 : memref<!tpu.dma_semaphore, #tpu.memory_space<semaphore_mem>>)
    %dma_start3A_53 = arith.constant 2 : i32
    %dma_start3A_54 = arith.constant 2 : i32
    %dma_start3A_55 = arith.constant 2 : i32
    %dma_start3A_56 = arith.constant 0 : i32
    %dma_start3A_57 = arith.constant 0 : i32
    %dma_start3A_58 = tpu.memref_slice %arg8[%dma_start3A_54, %dma_start3A_56, %dma_start3A_57] : memref<8x128x32xf32, #tpu.memory_space<vmem>> -> memref<1x128x32xf32, #tpu.memory_space<vmem>>
    %dma_start3A_59 = tpu.memref_squeeze %dma_start3A_58 : memref<1x128x32xf32, #tpu.memory_space<vmem>> -> memref<128x32xf32, #tpu.memory_space<vmem>>
    %dma_start3A_60 = arith.constant 0 : i32
    %dma_start3A_61 = tpu.memref_slice %arg6[%dma_start3A_53, %dma_start3A_60] : memref<80x128xi32, #tpu.memory_space<vmem>> -> memref<1x128xi32, #tpu.memory_space<vmem>>
    %dma_start3A_62 = tpu.memref_squeeze %dma_start3A_61 : memref<1x128xi32, #tpu.memory_space<vmem>> -> memref<128xi32, #tpu.memory_space<vmem>>
    %dma_start3A_63 = arith.constant 0 : i32
    %dma_start3A_64 = arith.constant 0 : i32
    %dma_start3A_65 = tpu.memref_slice %arg2[%dma_start3A_63, %dma_start3A_64] : memref<10240x32xf32, #tpu.memory_space<hbm>> -> memref<10240x32xf32, #tpu.memory_space<hbm>>
    %dma_start3A_66 = tpu.memref_slice %arg11[%dma_start3A_55] : memref<8x!tpu.dma_semaphore, #tpu.memory_space<semaphore_mem>> -> memref<1x!tpu.dma_semaphore, #tpu.memory_space<semaphore_mem>>
    %dma_start3A_67 = tpu.memref_squeeze %dma_start3A_66 : memref<1x!tpu.dma_semaphore, #tpu.memory_space<semaphore_mem>> -> memref<!tpu.dma_semaphore, #tpu.memory_space<semaphore_mem>>
    tpu.enqueue_indirect_dma source(%dma_start3A_65 : memref<10240x32xf32, #tpu.memory_space<hbm>>) target(%dma_start3A_59 : memref<128x32xf32, #tpu.memory_space<vmem>>) offsets(%dma_start3A_62 : memref<128xi32, #tpu.memory_space<vmem>>) semaphore(%dma_start3A_67 : memref<!tpu.dma_semaphore, #tpu.memory_space<semaphore_mem>>)
    %dma_start3A_68 = arith.constant 3 : i32
    %dma_start3A_69 = arith.constant 3 : i32
    %dma_start3A_70 = arith.constant 3 : i32
    %dma_start3A_71 = arith.constant 0 : i32
    %dma_start3A_72 = arith.constant 0 : i32
    %dma_start3A_73 = tpu.memref_slice %arg8[%dma_start3A_69, %dma_start3A_71, %dma_start3A_72] : memref<8x128x32xf32, #tpu.memory_space<vmem>> -> memref<1x128x32xf32, #tpu.memory_space<vmem>>
    %dma_start3A_74 = tpu.memref_squeeze %dma_start3A_73 : memref<1x128x32xf32, #tpu.memory_space<vmem>> -> memref<128x32xf32, #tpu.memory_space<vmem>>
    %dma_start3A_75 = arith.constant 0 : i32
    %dma_start3A_76 = tpu.memref_slice %arg6[%dma_start3A_68, %dma_start3A_75] : memref<80x128xi32, #tpu.memory_space<vmem>> -> memref<1x128xi32, #tpu.memory_space<vmem>>
    %dma_start3A_77 = tpu.memref_squeeze %dma_start3A_76 : memref<1x128xi32, #tpu.memory_space<vmem>> -> memref<128xi32, #tpu.memory_space<vmem>>
    %dma_start3A_78 = arith.constant 0 : i32
    %dma_start3A_79 = arith.constant 0 : i32
    %dma_start3A_80 = tpu.memref_slice %arg2[%dma_start3A_78, %dma_start3A_79] : memref<10240x32xf32, #tpu.memory_space<hbm>> -> memref<10240x32xf32, #tpu.memory_space<hbm>>
    %dma_start3A_81 = tpu.memref_slice %arg11[%dma_start3A_70] : memref<8x!tpu.dma_semaphore, #tpu.memory_space<semaphore_mem>> -> memref<1x!tpu.dma_semaphore, #tpu.memory_space<semaphore_mem>>
    %dma_start3A_82 = tpu.memref_squeeze %dma_start3A_81 : memref<1x!tpu.dma_semaphore, #tpu.memory_space<semaphore_mem>> -> memref<!tpu.dma_semaphore, #tpu.memory_space<semaphore_mem>>
    tpu.enqueue_indirect_dma source(%dma_start3A_80 : memref<10240x32xf32, #tpu.memory_space<hbm>>) target(%dma_start3A_74 : memref<128x32xf32, #tpu.memory_space<vmem>>) offsets(%dma_start3A_77 : memref<128xi32, #tpu.memory_space<vmem>>) semaphore(%dma_start3A_82 : memref<!tpu.dma_semaphore, #tpu.memory_space<semaphore_mem>>)
    %dma_start3A_83 = arith.constant 4 : i32
    %dma_start3A_84 = arith.constant 4 : i32
    %dma_start3A_85 = arith.constant 4 : i32
    %dma_start3A_86 = arith.constant 0 : i32
    %dma_start3A_87 = arith.constant 0 : i32
    %dma_start3A_88 = tpu.memref_slice %arg8[%dma_start3A_84, %dma_start3A_86, %dma_start3A_87] : memref<8x128x32xf32, #tpu.memory_space<vmem>> -> memref<1x128x32xf32, #tpu.memory_space<vmem>>
    %dma_start3A_89 = tpu.memref_squeeze %dma_start3A_88 : memref<1x128x32xf32, #tpu.memory_space<vmem>> -> memref<128x32xf32, #tpu.memory_space<vmem>>
    %dma_start3A_90 = arith.constant 0 : i32
    %dma_start3A_91 = tpu.memref_slice %arg6[%dma_start3A_83, %dma_start3A_90] : memref<80x128xi32, #tpu.memory_space<vmem>> -> memref<1x128xi32, #tpu.memory_space<vmem>>
    %dma_start3A_92 = tpu.memref_squeeze %dma_start3A_91 : memref<1x128xi32, #tpu.memory_space<vmem>> -> memref<128xi32, #tpu.memory_space<vmem>>
    %dma_start3A_93 = arith.constant 0 : i32
    %dma_start3A_94 = arith.constant 0 : i32
    %dma_start3A_95 = tpu.memref_slice %arg2[%dma_start3A_93, %dma_start3A_94] : memref<10240x32xf32, #tpu.memory_space<hbm>> -> memref<10240x32xf32, #tpu.memory_space<hbm>>
    %dma_start3A_96 = tpu.memref_slice %arg11[%dma_start3A_85] : memref<8x!tpu.dma_semaphore, #tpu.memory_space<semaphore_mem>> -> memref<1x!tpu.dma_semaphore, #tpu.memory_space<semaphore_mem>>
    %dma_start3A_97 = tpu.memref_squeeze %dma_start3A_96 : memref<1x!tpu.dma_semaphore, #tpu.memory_space<semaphore_mem>> -> memref<!tpu.dma_semaphore, #tpu.memory_space<semaphore_mem>>
    tpu.enqueue_indirect_dma source(%dma_start3A_95 : memref<10240x32xf32, #tpu.memory_space<hbm>>) target(%dma_start3A_89 : memref<128x32xf32, #tpu.memory_space<vmem>>) offsets(%dma_start3A_92 : memref<128xi32, #tpu.memory_space<vmem>>) semaphore(%dma_start3A_97 : memref<!tpu.dma_semaphore, #tpu.memory_space<semaphore_mem>>)
    %dma_start3A_98 = arith.constant 5 : i32
    %dma_start3A_99 = arith.constant 5 : i32
    %dma_start3A_100 = arith.constant 5 : i32
    %dma_start3A_101 = arith.constant 0 : i32
    %dma_start3A_102 = arith.constant 0 : i32
    %dma_start3A_103 = tpu.memref_slice %arg8[%dma_start3A_99, %dma_start3A_101, %dma_start3A_102] : memref<8x128x32xf32, #tpu.memory_space<vmem>> -> memref<1x128x32xf32, #tpu.memory_space<vmem>>
    %dma_start3A_104 = tpu.memref_squeeze %dma_start3A_103 : memref<1x128x32xf32, #tpu.memory_space<vmem>> -> memref<128x32xf32, #tpu.memory_space<vmem>>
    %dma_start3A_105 = arith.constant 0 : i32
    %dma_start3A_106 = tpu.memref_slice %arg6[%dma_start3A_98, %dma_start3A_105] : memref<80x128xi32, #tpu.memory_space<vmem>> -> memref<1x128xi32, #tpu.memory_space<vmem>>
    %dma_start3A_107 = tpu.memref_squeeze %dma_start3A_106 : memref<1x128xi32, #tpu.memory_space<vmem>> -> memref<128xi32, #tpu.memory_space<vmem>>
    %dma_start3A_108 = arith.constant 0 : i32
    %dma_start3A_109 = arith.constant 0 : i32
    %dma_start3A_110 = tpu.memref_slice %arg2[%dma_start3A_108, %dma_start3A_109] : memref<10240x32xf32, #tpu.memory_space<hbm>> -> memref<10240x32xf32, #tpu.memory_space<hbm>>
    %dma_start3A_111 = tpu.memref_slice %arg11[%dma_start3A_100] : memref<8x!tpu.dma_semaphore, #tpu.memory_space<semaphore_mem>> -> memref<1x!tpu.dma_semaphore, #tpu.memory_space<semaphore_mem>>
    %dma_start3A_112 = tpu.memref_squeeze %dma_start3A_111 : memref<1x!tpu.dma_semaphore, #tpu.memory_space<semaphore_mem>> -> memref<!tpu.dma_semaphore, #tpu.memory_space<semaphore_mem>>
    tpu.enqueue_indirect_dma source(%dma_start3A_110 : memref<10240x32xf32, #tpu.memory_space<hbm>>) target(%dma_start3A_104 : memref<128x32xf32, #tpu.memory_space<vmem>>) offsets(%dma_start3A_107 : memref<128xi32, #tpu.memory_space<vmem>>) semaphore(%dma_start3A_112 : memref<!tpu.dma_semaphore, #tpu.memory_space<semaphore_mem>>)
    %dma_start3A_113 = arith.constant 6 : i32
    %dma_start3A_114 = arith.constant 6 : i32
    %dma_start3A_115 = arith.constant 6 : i32
    %dma_start3A_116 = arith.constant 0 : i32
    %dma_start3A_117 = arith.constant 0 : i32
    %dma_start3A_118 = tpu.memref_slice %arg8[%dma_start3A_114, %dma_start3A_116, %dma_start3A_117] : memref<8x128x32xf32, #tpu.memory_space<vmem>> -> memref<1x128x32xf32, #tpu.memory_space<vmem>>
    %dma_start3A_119 = tpu.memref_squeeze %dma_start3A_118 : memref<1x128x32xf32, #tpu.memory_space<vmem>> -> memref<128x32xf32, #tpu.memory_space<vmem>>
    %dma_start3A_120 = arith.constant 0 : i32
    %dma_start3A_121 = tpu.memref_slice %arg6[%dma_start3A_113, %dma_start3A_120] : memref<80x128xi32, #tpu.memory_space<vmem>> -> memref<1x128xi32, #tpu.memory_space<vmem>>
    %dma_start3A_122 = tpu.memref_squeeze %dma_start3A_121 : memref<1x128xi32, #tpu.memory_space<vmem>> -> memref<128xi32, #tpu.memory_space<vmem>>
    %dma_start3A_123 = arith.constant 0 : i32
    %dma_start3A_124 = arith.constant 0 : i32
    %dma_start3A_125 = tpu.memref_slice %arg2[%dma_start3A_123, %dma_start3A_124] : memref<10240x32xf32, #tpu.memory_space<hbm>> -> memref<10240x32xf32, #tpu.memory_space<hbm>>
    %dma_start3A_126 = tpu.memref_slice %arg11[%dma_start3A_115] : memref<8x!tpu.dma_semaphore, #tpu.memory_space<semaphore_mem>> -> memref<1x!tpu.dma_semaphore, #tpu.memory_space<semaphore_mem>>
    %dma_start3A_127 = tpu.memref_squeeze %dma_start3A_126 : memref<1x!tpu.dma_semaphore, #tpu.memory_space<semaphore_mem>> -> memref<!tpu.dma_semaphore, #tpu.memory_space<semaphore_mem>>
    tpu.enqueue_indirect_dma source(%dma_start3A_125 : memref<10240x32xf32, #tpu.memory_space<hbm>>) target(%dma_start3A_119 : memref<128x32xf32, #tpu.memory_space<vmem>>) offsets(%dma_start3A_122 : memref<128xi32, #tpu.memory_space<vmem>>) semaphore(%dma_start3A_127 : memref<!tpu.dma_semaphore, #tpu.memory_space<semaphore_mem>>)
    %dma_start3A_128 = arith.constant 7 : i32
    %dma_start3A_129 = arith.constant 7 : i32
    %dma_start3A_130 = arith.constant 7 : i32
    %dma_start3A_131 = arith.constant 0 : i32
    %dma_start3A_132 = arith.constant 0 : i32
    %dma_start3A_133 = tpu.memref_slice %arg8[%dma_start3A_129, %dma_start3A_131, %dma_start3A_132] : memref<8x128x32xf32, #tpu.memory_space<vmem>> -> memref<1x128x32xf32, #tpu.memory_space<vmem>>
    %dma_start3A_134 = tpu.memref_squeeze %dma_start3A_133 : memref<1x128x32xf32, #tpu.memory_space<vmem>> -> memref<128x32xf32, #tpu.memory_space<vmem>>
    %dma_start3A_135 = arith.constant 0 : i32
    %dma_start3A_136 = tpu.memref_slice %arg6[%dma_start3A_128, %dma_start3A_135] : memref<80x128xi32, #tpu.memory_space<vmem>> -> memref<1x128xi32, #tpu.memory_space<vmem>>
    %dma_start3A_137 = tpu.memref_squeeze %dma_start3A_136 : memref<1x128xi32, #tpu.memory_space<vmem>> -> memref<128xi32, #tpu.memory_space<vmem>>
    %dma_start3A_138 = arith.constant 0 : i32
    %dma_start3A_139 = arith.constant 0 : i32
    %dma_start3A_140 = tpu.memref_slice %arg2[%dma_start3A_138, %dma_start3A_139] : memref<10240x32xf32, #tpu.memory_space<hbm>> -> memref<10240x32xf32, #tpu.memory_space<hbm>>
    %dma_start3A_141 = tpu.memref_slice %arg11[%dma_start3A_130] : memref<8x!tpu.dma_semaphore, #tpu.memory_space<semaphore_mem>> -> memref<1x!tpu.dma_semaphore, #tpu.memory_space<semaphore_mem>>
    %dma_start3A_142 = tpu.memref_squeeze %dma_start3A_141 : memref<1x!tpu.dma_semaphore, #tpu.memory_space<semaphore_mem>> -> memref<!tpu.dma_semaphore, #tpu.memory_space<semaphore_mem>>
    tpu.enqueue_indirect_dma source(%dma_start3A_140 : memref<10240x32xf32, #tpu.memory_space<hbm>>) target(%dma_start3A_134 : memref<128x32xf32, #tpu.memory_space<vmem>>) offsets(%dma_start3A_137 : memref<128xi32, #tpu.memory_space<vmem>>) semaphore(%dma_start3A_142 : memref<!tpu.dma_semaphore, #tpu.memory_space<semaphore_mem>>)
    %scan3A_143 = arith.constant 0 : i32
    %scan3A_144 = arith.constant 0 : i32
    %scan3A_145 = arith.constant 10 : i32
    %scan3A_146 = arith.addi %scan3A_144, %scan3A_145 : i32
    %scan3A_147 = arith.constant 1 : i32
    %scan3A_148 = scf.for %scan3A_155 = %scan3A_144 to %scan3A_146 step %scan3A_147 iter_args(%scan3A_156 = %scan3A_143) -> (i32)  : i32 {
      %mul3A_157 = arith.constant 8 : i32
      %mul3A_158 = arith.muli %scan3A_155, %mul3A_157 : i32
      %add3A_159 = arith.constant 0 : i32
      %add3A_160 = arith.addi %mul3A_158, %add3A_159 : i32
      %dma_wait3A = arith.constant 0 : i32
      %dma_wait3A_161 = arith.constant 0 : i32
      %dma_wait3A_162 = arith.constant 0 : i32
      %dma_wait3A_163 = arith.constant 0 : i32
      %dma_wait3A_164 = tpu.memref_slice %arg8[%dma_wait3A, %dma_wait3A_162, %dma_wait3A_163] : memref<8x128x32xf32, #tpu.memory_space<vmem>> -> memref<1x128x32xf32, #tpu.memory_space<vmem>>
      %dma_wait3A_165 = tpu.memref_squeeze %dma_wait3A_164 : memref<1x128x32xf32, #tpu.memory_space<vmem>> -> memref<128x32xf32, #tpu.memory_space<vmem>>
      %dma_wait3A_166 = arith.constant 0 : i32
      %dma_wait3A_167 = tpu.memref_slice %arg6[%add3A_160, %dma_wait3A_166] : memref<80x128xi32, #tpu.memory_space<vmem>> -> memref<1x128xi32, #tpu.memory_space<vmem>>
      %dma_wait3A_168 = tpu.memref_squeeze %dma_wait3A_167 : memref<1x128xi32, #tpu.memory_space<vmem>> -> memref<128xi32, #tpu.memory_space<vmem>>
      %dma_wait3A_169 = arith.constant 0 : i32
      %dma_wait3A_170 = arith.constant 0 : i32
      %dma_wait3A_171 = tpu.memref_slice %arg2[%dma_wait3A_169, %dma_wait3A_170] : memref<10240x32xf32, #tpu.memory_space<hbm>> -> memref<10240x32xf32, #tpu.memory_space<hbm>>
      %dma_wait3A_172 = tpu.memref_slice %arg11[%dma_wait3A_161] : memref<8x!tpu.dma_semaphore, #tpu.memory_space<semaphore_mem>> -> memref<1x!tpu.dma_semaphore, #tpu.memory_space<semaphore_mem>>
      %dma_wait3A_173 = tpu.memref_squeeze %dma_wait3A_172 : memref<1x!tpu.dma_semaphore, #tpu.memory_space<semaphore_mem>> -> memref<!tpu.dma_semaphore, #tpu.memory_space<semaphore_mem>>
      tpu.wait_indirect_dma semaphore(%dma_wait3A_173 : memref<!tpu.dma_semaphore, #tpu.memory_space<semaphore_mem>>) src(%dma_wait3A_171 : memref<10240x32xf32, #tpu.memory_space<hbm>>) dst(%dma_wait3A_165 : memref<128x32xf32, #tpu.memory_space<vmem>>)
      %dma_start3A_174 = arith.constant 0 : i32
      %dma_start3A_175 = arith.constant 0 : i32
      %dma_start3A_176 = arith.constant 0 : i32
      %dma_start3A_177 = arith.constant 0 : i32
      %dma_start3A_178 = tpu.memref_slice %arg8[%dma_start3A_174, %dma_start3A_176, %dma_start3A_177] : memref<8x128x32xf32, #tpu.memory_space<vmem>> -> memref<1x128x32xf32, #tpu.memory_space<vmem>>
      %dma_start3A_179 = tpu.memref_squeeze %dma_start3A_178 : memref<1x128x32xf32, #tpu.memory_space<vmem>> -> memref<128x32xf32, #tpu.memory_space<vmem>>
      %dma_start3A_180 = arith.constant 0 : i32
      %dma_start3A_181 = tpu.memref_slice %arg7[%add3A_160, %dma_start3A_180] : memref<80x128xi32, #tpu.memory_space<vmem>> -> memref<1x128xi32, #tpu.memory_space<vmem>>
      %dma_start3A_182 = tpu.memref_squeeze %dma_start3A_181 : memref<1x128xi32, #tpu.memory_space<vmem>> -> memref<128xi32, #tpu.memory_space<vmem>>
      %dma_start3A_183 = arith.constant 0 : i32
      %dma_start3A_184 = arith.constant 0 : i32
      %dma_start3A_185 = tpu.memref_slice %arg10[%dma_start3A_183, %dma_start3A_184] : memref<10240x32xf32, #tpu.memory_space<vmem_shared>> -> memref<10240x32xf32, #tpu.memory_space<vmem_shared>>
      %dma_start3A_186 = tpu.memref_slice %arg12[%dma_start3A_175] : memref<8x!tpu.dma_semaphore, #tpu.memory_space<semaphore_mem>> -> memref<1x!tpu.dma_semaphore, #tpu.memory_space<semaphore_mem>>
      %dma_start3A_187 = tpu.memref_squeeze %dma_start3A_186 : memref<1x!tpu.dma_semaphore, #tpu.memory_space<semaphore_mem>> -> memref<!tpu.dma_semaphore, #tpu.memory_space<semaphore_mem>>
      tpu.enqueue_indirect_dma source(%dma_start3A_179 : memref<128x32xf32, #tpu.memory_space<vmem>>) target(%dma_start3A_185 : memref<10240x32xf32, #tpu.memory_space<vmem_shared>>) offsets(%dma_start3A_182 : memref<128xi32, #tpu.memory_space<vmem>>) semaphore(%dma_start3A_187 : memref<!tpu.dma_semaphore, #tpu.memory_space<semaphore_mem>>) {add = true}
      %mul3A_188 = arith.constant 8 : i32
      %mul3A_189 = arith.muli %scan3A_155, %mul3A_188 : i32
      %add3A_190 = arith.constant 1 : i32
      %add3A_191 = arith.addi %mul3A_189, %add3A_190 : i32
      %dma_wait3A_192 = arith.constant 1 : i32
      %dma_wait3A_193 = arith.constant 1 : i32
      %dma_wait3A_194 = arith.constant 0 : i32
      %dma_wait3A_195 = arith.constant 0 : i32
      %dma_wait3A_196 = tpu.memref_slice %arg8[%dma_wait3A_192, %dma_wait3A_194, %dma_wait3A_195] : memref<8x128x32xf32, #tpu.memory_space<vmem>> -> memref<1x128x32xf32, #tpu.memory_space<vmem>>
      %dma_wait3A_197 = tpu.memref_squeeze %dma_wait3A_196 : memref<1x128x32xf32, #tpu.memory_space<vmem>> -> memref<128x32xf32, #tpu.memory_space<vmem>>
      %dma_wait3A_198 = arith.constant 0 : i32
      %dma_wait3A_199 = tpu.memref_slice %arg6[%add3A_191, %dma_wait3A_198] : memref<80x128xi32, #tpu.memory_space<vmem>> -> memref<1x128xi32, #tpu.memory_space<vmem>>
      %dma_wait3A_200 = tpu.memref_squeeze %dma_wait3A_199 : memref<1x128xi32, #tpu.memory_space<vmem>> -> memref<128xi32, #tpu.memory_space<vmem>>
      %dma_wait3A_201 = arith.constant 0 : i32
      %dma_wait3A_202 = arith.constant 0 : i32
      %dma_wait3A_203 = tpu.memref_slice %arg2[%dma_wait3A_201, %dma_wait3A_202] : memref<10240x32xf32, #tpu.memory_space<hbm>> -> memref<10240x32xf32, #tpu.memory_space<hbm>>
      %dma_wait3A_204 = tpu.memref_slice %arg11[%dma_wait3A_193] : memref<8x!tpu.dma_semaphore, #tpu.memory_space<semaphore_mem>> -> memref<1x!tpu.dma_semaphore, #tpu.memory_space<semaphore_mem>>
      %dma_wait3A_205 = tpu.memref_squeeze %dma_wait3A_204 : memref<1x!tpu.dma_semaphore, #tpu.memory_space<semaphore_mem>> -> memref<!tpu.dma_semaphore, #tpu.memory_space<semaphore_mem>>
      tpu.wait_indirect_dma semaphore(%dma_wait3A_205 : memref<!tpu.dma_semaphore, #tpu.memory_space<semaphore_mem>>) src(%dma_wait3A_203 : memref<10240x32xf32, #tpu.memory_space<hbm>>) dst(%dma_wait3A_197 : memref<128x32xf32, #tpu.memory_space<vmem>>)
      %dma_start3A_206 = arith.constant 1 : i32
      %dma_start3A_207 = arith.constant 1 : i32
      %dma_start3A_208 = arith.constant 0 : i32
      %dma_start3A_209 = arith.constant 0 : i32
      %dma_start3A_210 = tpu.memref_slice %arg8[%dma_start3A_206, %dma_start3A_208, %dma_start3A_209] : memref<8x128x32xf32, #tpu.memory_space<vmem>> -> memref<1x128x32xf32, #tpu.memory_space<vmem>>
      %dma_start3A_211 = tpu.memref_squeeze %dma_start3A_210 : memref<1x128x32xf32, #tpu.memory_space<vmem>> -> memref<128x32xf32, #tpu.memory_space<vmem>>
      %dma_start3A_212 = arith.constant 0 : i32
      %dma_start3A_213 = tpu.memref_slice %arg7[%add3A_191, %dma_start3A_212] : memref<80x128xi32, #tpu.memory_space<vmem>> -> memref<1x128xi32, #tpu.memory_space<vmem>>
      %dma_start3A_214 = tpu.memref_squeeze %dma_start3A_213 : memref<1x128xi32, #tpu.memory_space<vmem>> -> memref<128xi32, #tpu.memory_space<vmem>>
      %dma_start3A_215 = arith.constant 0 : i32
      %dma_start3A_216 = arith.constant 0 : i32
      %dma_start3A_217 = tpu.memref_slice %arg10[%dma_start3A_215, %dma_start3A_216] : memref<10240x32xf32, #tpu.memory_space<vmem_shared>> -> memref<10240x32xf32, #tpu.memory_space<vmem_shared>>
      %dma_start3A_218 = tpu.memref_slice %arg12[%dma_start3A_207] : memref<8x!tpu.dma_semaphore, #tpu.memory_space<semaphore_mem>> -> memref<1x!tpu.dma_semaphore, #tpu.memory_space<semaphore_mem>>
      %dma_start3A_219 = tpu.memref_squeeze %dma_start3A_218 : memref<1x!tpu.dma_semaphore, #tpu.memory_space<semaphore_mem>> -> memref<!tpu.dma_semaphore, #tpu.memory_space<semaphore_mem>>
      tpu.enqueue_indirect_dma source(%dma_start3A_211 : memref<128x32xf32, #tpu.memory_space<vmem>>) target(%dma_start3A_217 : memref<10240x32xf32, #tpu.memory_space<vmem_shared>>) offsets(%dma_start3A_214 : memref<128xi32, #tpu.memory_space<vmem>>) semaphore(%dma_start3A_219 : memref<!tpu.dma_semaphore, #tpu.memory_space<semaphore_mem>>) {add = true}
      %mul3A_220 = arith.constant 8 : i32
      %mul3A_221 = arith.muli %scan3A_155, %mul3A_220 : i32
      %add3A_222 = arith.constant 2 : i32
      %add3A_223 = arith.addi %mul3A_221, %add3A_222 : i32
      %dma_wait3A_224 = arith.constant 2 : i32
      %dma_wait3A_225 = arith.constant 2 : i32
      %dma_wait3A_226 = arith.constant 0 : i32
      %dma_wait3A_227 = arith.constant 0 : i32
      %dma_wait3A_228 = tpu.memref_slice %arg8[%dma_wait3A_224, %dma_wait3A_226, %dma_wait3A_227] : memref<8x128x32xf32, #tpu.memory_space<vmem>> -> memref<1x128x32xf32, #tpu.memory_space<vmem>>
      %dma_wait3A_229 = tpu.memref_squeeze %dma_wait3A_228 : memref<1x128x32xf32, #tpu.memory_space<vmem>> -> memref<128x32xf32, #tpu.memory_space<vmem>>
      %dma_wait3A_230 = arith.constant 0 : i32
      %dma_wait3A_231 = tpu.memref_slice %arg6[%add3A_223, %dma_wait3A_230] : memref<80x128xi32, #tpu.memory_space<vmem>> -> memref<1x128xi32, #tpu.memory_space<vmem>>
      %dma_wait3A_232 = tpu.memref_squeeze %dma_wait3A_231 : memref<1x128xi32, #tpu.memory_space<vmem>> -> memref<128xi32, #tpu.memory_space<vmem>>
      %dma_wait3A_233 = arith.constant 0 : i32
      %dma_wait3A_234 = arith.constant 0 : i32
      %dma_wait3A_235 = tpu.memref_slice %arg2[%dma_wait3A_233, %dma_wait3A_234] : memref<10240x32xf32, #tpu.memory_space<hbm>> -> memref<10240x32xf32, #tpu.memory_space<hbm>>
      %dma_wait3A_236 = tpu.memref_slice %arg11[%dma_wait3A_225] : memref<8x!tpu.dma_semaphore, #tpu.memory_space<semaphore_mem>> -> memref<1x!tpu.dma_semaphore, #tpu.memory_space<semaphore_mem>>
      %dma_wait3A_237 = tpu.memref_squeeze %dma_wait3A_236 : memref<1x!tpu.dma_semaphore, #tpu.memory_space<semaphore_mem>> -> memref<!tpu.dma_semaphore, #tpu.memory_space<semaphore_mem>>
      tpu.wait_indirect_dma semaphore(%dma_wait3A_237 : memref<!tpu.dma_semaphore, #tpu.memory_space<semaphore_mem>>) src(%dma_wait3A_235 : memref<10240x32xf32, #tpu.memory_space<hbm>>) dst(%dma_wait3A_229 : memref<128x32xf32, #tpu.memory_space<vmem>>)
      %dma_start3A_238 = arith.constant 2 : i32
      %dma_start3A_239 = arith.constant 2 : i32
      %dma_start3A_240 = arith.constant 0 : i32
      %dma_start3A_241 = arith.constant 0 : i32
      %dma_start3A_242 = tpu.memref_slice %arg8[%dma_start3A_238, %dma_start3A_240, %dma_start3A_241] : memref<8x128x32xf32, #tpu.memory_space<vmem>> -> memref<1x128x32xf32, #tpu.memory_space<vmem>>
      %dma_start3A_243 = tpu.memref_squeeze %dma_start3A_242 : memref<1x128x32xf32, #tpu.memory_space<vmem>> -> memref<128x32xf32, #tpu.memory_space<vmem>>
      %dma_start3A_244 = arith.constant 0 : i32
      %dma_start3A_245 = tpu.memref_slice %arg7[%add3A_223, %dma_start3A_244] : memref<80x128xi32, #tpu.memory_space<vmem>> -> memref<1x128xi32, #tpu.memory_space<vmem>>
      %dma_start3A_246 = tpu.memref_squeeze %dma_start3A_245 : memref<1x128xi32, #tpu.memory_space<vmem>> -> memref<128xi32, #tpu.memory_space<vmem>>
      %dma_start3A_247 = arith.constant 0 : i32
      %dma_start3A_248 = arith.constant 0 : i32
      %dma_start3A_249 = tpu.memref_slice %arg10[%dma_start3A_247, %dma_start3A_248] : memref<10240x32xf32, #tpu.memory_space<vmem_shared>> -> memref<10240x32xf32, #tpu.memory_space<vmem_shared>>
      %dma_start3A_250 = tpu.memref_slice %arg12[%dma_start3A_239] : memref<8x!tpu.dma_semaphore, #tpu.memory_space<semaphore_mem>> -> memref<1x!tpu.dma_semaphore, #tpu.memory_space<semaphore_mem>>
      %dma_start3A_251 = tpu.memref_squeeze %dma_start3A_250 : memref<1x!tpu.dma_semaphore, #tpu.memory_space<semaphore_mem>> -> memref<!tpu.dma_semaphore, #tpu.memory_space<semaphore_mem>>
      tpu.enqueue_indirect_dma source(%dma_start3A_243 : memref<128x32xf32, #tpu.memory_space<vmem>>) target(%dma_start3A_249 : memref<10240x32xf32, #tpu.memory_space<vmem_shared>>) offsets(%dma_start3A_246 : memref<128xi32, #tpu.memory_space<vmem>>) semaphore(%dma_start3A_251 : memref<!tpu.dma_semaphore, #tpu.memory_space<semaphore_mem>>) {add = true}
      %mul3A_252 = arith.constant 8 : i32
      %mul3A_253 = arith.muli %scan3A_155, %mul3A_252 : i32
      %add3A_254 = arith.constant 3 : i32
      %add3A_255 = arith.addi %mul3A_253, %add3A_254 : i32
      %dma_wait3A_256 = arith.constant 3 : i32
      %dma_wait3A_257 = arith.constant 3 : i32
      %dma_wait3A_258 = arith.constant 0 : i32
      %dma_wait3A_259 = arith.constant 0 : i32
      %dma_wait3A_260 = tpu.memref_slice %arg8[%dma_wait3A_256, %dma_wait3A_258, %dma_wait3A_259] : memref<8x128x32xf32, #tpu.memory_space<vmem>> -> memref<1x128x32xf32, #tpu.memory_space<vmem>>
      %dma_wait3A_261 = tpu.memref_squeeze %dma_wait3A_260 : memref<1x128x32xf32, #tpu.memory_space<vmem>> -> memref<128x32xf32, #tpu.memory_space<vmem>>
      %dma_wait3A_262 = arith.constant 0 : i32
      %dma_wait3A_263 = tpu.memref_slice %arg6[%add3A_255, %dma_wait3A_262] : memref<80x128xi32, #tpu.memory_space<vmem>> -> memref<1x128xi32, #tpu.memory_space<vmem>>
      %dma_wait3A_264 = tpu.memref_squeeze %dma_wait3A_263 : memref<1x128xi32, #tpu.memory_space<vmem>> -> memref<128xi32, #tpu.memory_space<vmem>>
      %dma_wait3A_265 = arith.constant 0 : i32
      %dma_wait3A_266 = arith.constant 0 : i32
      %dma_wait3A_267 = tpu.memref_slice %arg2[%dma_wait3A_265, %dma_wait3A_266] : memref<10240x32xf32, #tpu.memory_space<hbm>> -> memref<10240x32xf32, #tpu.memory_space<hbm>>
      %dma_wait3A_268 = tpu.memref_slice %arg11[%dma_wait3A_257] : memref<8x!tpu.dma_semaphore, #tpu.memory_space<semaphore_mem>> -> memref<1x!tpu.dma_semaphore, #tpu.memory_space<semaphore_mem>>
      %dma_wait3A_269 = tpu.memref_squeeze %dma_wait3A_268 : memref<1x!tpu.dma_semaphore, #tpu.memory_space<semaphore_mem>> -> memref<!tpu.dma_semaphore, #tpu.memory_space<semaphore_mem>>
      tpu.wait_indirect_dma semaphore(%dma_wait3A_269 : memref<!tpu.dma_semaphore, #tpu.memory_space<semaphore_mem>>) src(%dma_wait3A_267 : memref<10240x32xf32, #tpu.memory_space<hbm>>) dst(%dma_wait3A_261 : memref<128x32xf32, #tpu.memory_space<vmem>>)
      %dma_start3A_270 = arith.constant 3 : i32
      %dma_start3A_271 = arith.constant 3 : i32
      %dma_start3A_272 = arith.constant 0 : i32
      %dma_start3A_273 = arith.constant 0 : i32
      %dma_start3A_274 = tpu.memref_slice %arg8[%dma_start3A_270, %dma_start3A_272, %dma_start3A_273] : memref<8x128x32xf32, #tpu.memory_space<vmem>> -> memref<1x128x32xf32, #tpu.memory_space<vmem>>
      %dma_start3A_275 = tpu.memref_squeeze %dma_start3A_274 : memref<1x128x32xf32, #tpu.memory_space<vmem>> -> memref<128x32xf32, #tpu.memory_space<vmem>>
      %dma_start3A_276 = arith.constant 0 : i32
      %dma_start3A_277 = tpu.memref_slice %arg7[%add3A_255, %dma_start3A_276] : memref<80x128xi32, #tpu.memory_space<vmem>> -> memref<1x128xi32, #tpu.memory_space<vmem>>
      %dma_start3A_278 = tpu.memref_squeeze %dma_start3A_277 : memref<1x128xi32, #tpu.memory_space<vmem>> -> memref<128xi32, #tpu.memory_space<vmem>>
      %dma_start3A_279 = arith.constant 0 : i32
      %dma_start3A_280 = arith.constant 0 : i32
      %dma_start3A_281 = tpu.memref_slice %arg10[%dma_start3A_279, %dma_start3A_280] : memref<10240x32xf32, #tpu.memory_space<vmem_shared>> -> memref<10240x32xf32, #tpu.memory_space<vmem_shared>>
      %dma_start3A_282 = tpu.memref_slice %arg12[%dma_start3A_271] : memref<8x!tpu.dma_semaphore, #tpu.memory_space<semaphore_mem>> -> memref<1x!tpu.dma_semaphore, #tpu.memory_space<semaphore_mem>>
      %dma_start3A_283 = tpu.memref_squeeze %dma_start3A_282 : memref<1x!tpu.dma_semaphore, #tpu.memory_space<semaphore_mem>> -> memref<!tpu.dma_semaphore, #tpu.memory_space<semaphore_mem>>
      tpu.enqueue_indirect_dma source(%dma_start3A_275 : memref<128x32xf32, #tpu.memory_space<vmem>>) target(%dma_start3A_281 : memref<10240x32xf32, #tpu.memory_space<vmem_shared>>) offsets(%dma_start3A_278 : memref<128xi32, #tpu.memory_space<vmem>>) semaphore(%dma_start3A_283 : memref<!tpu.dma_semaphore, #tpu.memory_space<semaphore_mem>>) {add = true}
      %mul3A_284 = arith.constant 8 : i32
      %mul3A_285 = arith.muli %scan3A_155, %mul3A_284 : i32
      %add3A_286 = arith.constant 4 : i32
      %add3A_287 = arith.addi %mul3A_285, %add3A_286 : i32
      %dma_wait3A_288 = arith.constant 4 : i32
      %dma_wait3A_289 = arith.constant 4 : i32
      %dma_wait3A_290 = arith.constant 0 : i32
      %dma_wait3A_291 = arith.constant 0 : i32
      %dma_wait3A_292 = tpu.memref_slice %arg8[%dma_wait3A_288, %dma_wait3A_290, %dma_wait3A_291] : memref<8x128x32xf32, #tpu.memory_space<vmem>> -> memref<1x128x32xf32, #tpu.memory_space<vmem>>
      %dma_wait3A_293 = tpu.memref_squeeze %dma_wait3A_292 : memref<1x128x32xf32, #tpu.memory_space<vmem>> -> memref<128x32xf32, #tpu.memory_space<vmem>>
      %dma_wait3A_294 = arith.constant 0 : i32
      %dma_wait3A_295 = tpu.memref_slice %arg6[%add3A_287, %dma_wait3A_294] : memref<80x128xi32, #tpu.memory_space<vmem>> -> memref<1x128xi32, #tpu.memory_space<vmem>>
      %dma_wait3A_296 = tpu.memref_squeeze %dma_wait3A_295 : memref<1x128xi32, #tpu.memory_space<vmem>> -> memref<128xi32, #tpu.memory_space<vmem>>
      %dma_wait3A_297 = arith.constant 0 : i32
      %dma_wait3A_298 = arith.constant 0 : i32
      %dma_wait3A_299 = tpu.memref_slice %arg2[%dma_wait3A_297, %dma_wait3A_298] : memref<10240x32xf32, #tpu.memory_space<hbm>> -> memref<10240x32xf32, #tpu.memory_space<hbm>>
      %dma_wait3A_300 = tpu.memref_slice %arg11[%dma_wait3A_289] : memref<8x!tpu.dma_semaphore, #tpu.memory_space<semaphore_mem>> -> memref<1x!tpu.dma_semaphore, #tpu.memory_space<semaphore_mem>>
      %dma_wait3A_301 = tpu.memref_squeeze %dma_wait3A_300 : memref<1x!tpu.dma_semaphore, #tpu.memory_space<semaphore_mem>> -> memref<!tpu.dma_semaphore, #tpu.memory_space<semaphore_mem>>
      tpu.wait_indirect_dma semaphore(%dma_wait3A_301 : memref<!tpu.dma_semaphore, #tpu.memory_space<semaphore_mem>>) src(%dma_wait3A_299 : memref<10240x32xf32, #tpu.memory_space<hbm>>) dst(%dma_wait3A_293 : memref<128x32xf32, #tpu.memory_space<vmem>>)
      %dma_start3A_302 = arith.constant 4 : i32
      %dma_start3A_303 = arith.constant 4 : i32
      %dma_start3A_304 = arith.constant 0 : i32
      %dma_start3A_305 = arith.constant 0 : i32
      %dma_start3A_306 = tpu.memref_slice %arg8[%dma_start3A_302, %dma_start3A_304, %dma_start3A_305] : memref<8x128x32xf32, #tpu.memory_space<vmem>> -> memref<1x128x32xf32, #tpu.memory_space<vmem>>
      %dma_start3A_307 = tpu.memref_squeeze %dma_start3A_306 : memref<1x128x32xf32, #tpu.memory_space<vmem>> -> memref<128x32xf32, #tpu.memory_space<vmem>>
      %dma_start3A_308 = arith.constant 0 : i32
      %dma_start3A_309 = tpu.memref_slice %arg7[%add3A_287, %dma_start3A_308] : memref<80x128xi32, #tpu.memory_space<vmem>> -> memref<1x128xi32, #tpu.memory_space<vmem>>
      %dma_start3A_310 = tpu.memref_squeeze %dma_start3A_309 : memref<1x128xi32, #tpu.memory_space<vmem>> -> memref<128xi32, #tpu.memory_space<vmem>>
      %dma_start3A_311 = arith.constant 0 : i32
      %dma_start3A_312 = arith.constant 0 : i32
      %dma_start3A_313 = tpu.memref_slice %arg10[%dma_start3A_311, %dma_start3A_312] : memref<10240x32xf32, #tpu.memory_space<vmem_shared>> -> memref<10240x32xf32, #tpu.memory_space<vmem_shared>>
      %dma_start3A_314 = tpu.memref_slice %arg12[%dma_start3A_303] : memref<8x!tpu.dma_semaphore, #tpu.memory_space<semaphore_mem>> -> memref<1x!tpu.dma_semaphore, #tpu.memory_space<semaphore_mem>>
      %dma_start3A_315 = tpu.memref_squeeze %dma_start3A_314 : memref<1x!tpu.dma_semaphore, #tpu.memory_space<semaphore_mem>> -> memref<!tpu.dma_semaphore, #tpu.memory_space<semaphore_mem>>
      tpu.enqueue_indirect_dma source(%dma_start3A_307 : memref<128x32xf32, #tpu.memory_space<vmem>>) target(%dma_start3A_313 : memref<10240x32xf32, #tpu.memory_space<vmem_shared>>) offsets(%dma_start3A_310 : memref<128xi32, #tpu.memory_space<vmem>>) semaphore(%dma_start3A_315 : memref<!tpu.dma_semaphore, #tpu.memory_space<semaphore_mem>>) {add = true}
      %mul3A_316 = arith.constant 8 : i32
      %mul3A_317 = arith.muli %scan3A_155, %mul3A_316 : i32
      %add3A_318 = arith.constant 5 : i32
      %add3A_319 = arith.addi %mul3A_317, %add3A_318 : i32
      %dma_wait3A_320 = arith.constant 5 : i32
      %dma_wait3A_321 = arith.constant 5 : i32
      %dma_wait3A_322 = arith.constant 0 : i32
      %dma_wait3A_323 = arith.constant 0 : i32
      %dma_wait3A_324 = tpu.memref_slice %arg8[%dma_wait3A_320, %dma_wait3A_322, %dma_wait3A_323] : memref<8x128x32xf32, #tpu.memory_space<vmem>> -> memref<1x128x32xf32, #tpu.memory_space<vmem>>
      %dma_wait3A_325 = tpu.memref_squeeze %dma_wait3A_324 : memref<1x128x32xf32, #tpu.memory_space<vmem>> -> memref<128x32xf32, #tpu.memory_space<vmem>>
      %dma_wait3A_326 = arith.constant 0 : i32
      %dma_wait3A_327 = tpu.memref_slice %arg6[%add3A_319, %dma_wait3A_326] : memref<80x128xi32, #tpu.memory_space<vmem>> -> memref<1x128xi32, #tpu.memory_space<vmem>>
      %dma_wait3A_328 = tpu.memref_squeeze %dma_wait3A_327 : memref<1x128xi32, #tpu.memory_space<vmem>> -> memref<128xi32, #tpu.memory_space<vmem>>
      %dma_wait3A_329 = arith.constant 0 : i32
      %dma_wait3A_330 = arith.constant 0 : i32
      %dma_wait3A_331 = tpu.memref_slice %arg2[%dma_wait3A_329, %dma_wait3A_330] : memref<10240x32xf32, #tpu.memory_space<hbm>> -> memref<10240x32xf32, #tpu.memory_space<hbm>>
      %dma_wait3A_332 = tpu.memref_slice %arg11[%dma_wait3A_321] : memref<8x!tpu.dma_semaphore, #tpu.memory_space<semaphore_mem>> -> memref<1x!tpu.dma_semaphore, #tpu.memory_space<semaphore_mem>>
      %dma_wait3A_333 = tpu.memref_squeeze %dma_wait3A_332 : memref<1x!tpu.dma_semaphore, #tpu.memory_space<semaphore_mem>> -> memref<!tpu.dma_semaphore, #tpu.memory_space<semaphore_mem>>
      tpu.wait_indirect_dma semaphore(%dma_wait3A_333 : memref<!tpu.dma_semaphore, #tpu.memory_space<semaphore_mem>>) src(%dma_wait3A_331 : memref<10240x32xf32, #tpu.memory_space<hbm>>) dst(%dma_wait3A_325 : memref<128x32xf32, #tpu.memory_space<vmem>>)
      %dma_start3A_334 = arith.constant 5 : i32
      %dma_start3A_335 = arith.constant 5 : i32
      %dma_start3A_336 = arith.constant 0 : i32
      %dma_start3A_337 = arith.constant 0 : i32
      %dma_start3A_338 = tpu.memref_slice %arg8[%dma_start3A_334, %dma_start3A_336, %dma_start3A_337] : memref<8x128x32xf32, #tpu.memory_space<vmem>> -> memref<1x128x32xf32, #tpu.memory_space<vmem>>
      %dma_start3A_339 = tpu.memref_squeeze %dma_start3A_338 : memref<1x128x32xf32, #tpu.memory_space<vmem>> -> memref<128x32xf32, #tpu.memory_space<vmem>>
      %dma_start3A_340 = arith.constant 0 : i32
      %dma_start3A_341 = tpu.memref_slice %arg7[%add3A_319, %dma_start3A_340] : memref<80x128xi32, #tpu.memory_space<vmem>> -> memref<1x128xi32, #tpu.memory_space<vmem>>
      %dma_start3A_342 = tpu.memref_squeeze %dma_start3A_341 : memref<1x128xi32, #tpu.memory_space<vmem>> -> memref<128xi32, #tpu.memory_space<vmem>>
      %dma_start3A_343 = arith.constant 0 : i32
      %dma_start3A_344 = arith.constant 0 : i32
      %dma_start3A_345 = tpu.memref_slice %arg10[%dma_start3A_343, %dma_start3A_344] : memref<10240x32xf32, #tpu.memory_space<vmem_shared>> -> memref<10240x32xf32, #tpu.memory_space<vmem_shared>>
      %dma_start3A_346 = tpu.memref_slice %arg12[%dma_start3A_335] : memref<8x!tpu.dma_semaphore, #tpu.memory_space<semaphore_mem>> -> memref<1x!tpu.dma_semaphore, #tpu.memory_space<semaphore_mem>>
      %dma_start3A_347 = tpu.memref_squeeze %dma_start3A_346 : memref<1x!tpu.dma_semaphore, #tpu.memory_space<semaphore_mem>> -> memref<!tpu.dma_semaphore, #tpu.memory_space<semaphore_mem>>
      tpu.enqueue_indirect_dma source(%dma_start3A_339 : memref<128x32xf32, #tpu.memory_space<vmem>>) target(%dma_start3A_345 : memref<10240x32xf32, #tpu.memory_space<vmem_shared>>) offsets(%dma_start3A_342 : memref<128xi32, #tpu.memory_space<vmem>>) semaphore(%dma_start3A_347 : memref<!tpu.dma_semaphore, #tpu.memory_space<semaphore_mem>>) {add = true}
      %mul3A_348 = arith.constant 8 : i32
      %mul3A_349 = arith.muli %scan3A_155, %mul3A_348 : i32
      %add3A_350 = arith.constant 6 : i32
      %add3A_351 = arith.addi %mul3A_349, %add3A_350 : i32
      %dma_wait3A_352 = arith.constant 6 : i32
      %dma_wait3A_353 = arith.constant 6 : i32
      %dma_wait3A_354 = arith.constant 0 : i32
      %dma_wait3A_355 = arith.constant 0 : i32
      %dma_wait3A_356 = tpu.memref_slice %arg8[%dma_wait3A_352, %dma_wait3A_354, %dma_wait3A_355] : memref<8x128x32xf32, #tpu.memory_space<vmem>> -> memref<1x128x32xf32, #tpu.memory_space<vmem>>
      %dma_wait3A_357 = tpu.memref_squeeze %dma_wait3A_356 : memref<1x128x32xf32, #tpu.memory_space<vmem>> -> memref<128x32xf32, #tpu.memory_space<vmem>>
      %dma_wait3A_358 = arith.constant 0 : i32
      %dma_wait3A_359 = tpu.memref_slice %arg6[%add3A_351, %dma_wait3A_358] : memref<80x128xi32, #tpu.memory_space<vmem>> -> memref<1x128xi32, #tpu.memory_space<vmem>>
      %dma_wait3A_360 = tpu.memref_squeeze %dma_wait3A_359 : memref<1x128xi32, #tpu.memory_space<vmem>> -> memref<128xi32, #tpu.memory_space<vmem>>
      %dma_wait3A_361 = arith.constant 0 : i32
      %dma_wait3A_362 = arith.constant 0 : i32
      %dma_wait3A_363 = tpu.memref_slice %arg2[%dma_wait3A_361, %dma_wait3A_362] : memref<10240x32xf32, #tpu.memory_space<hbm>> -> memref<10240x32xf32, #tpu.memory_space<hbm>>
      %dma_wait3A_364 = tpu.memref_slice %arg11[%dma_wait3A_353] : memref<8x!tpu.dma_semaphore, #tpu.memory_space<semaphore_mem>> -> memref<1x!tpu.dma_semaphore, #tpu.memory_space<semaphore_mem>>
      %dma_wait3A_365 = tpu.memref_squeeze %dma_wait3A_364 : memref<1x!tpu.dma_semaphore, #tpu.memory_space<semaphore_mem>> -> memref<!tpu.dma_semaphore, #tpu.memory_space<semaphore_mem>>
      tpu.wait_indirect_dma semaphore(%dma_wait3A_365 : memref<!tpu.dma_semaphore, #tpu.memory_space<semaphore_mem>>) src(%dma_wait3A_363 : memref<10240x32xf32, #tpu.memory_space<hbm>>) dst(%dma_wait3A_357 : memref<128x32xf32, #tpu.memory_space<vmem>>)
      %dma_start3A_366 = arith.constant 6 : i32
      %dma_start3A_367 = arith.constant 6 : i32
      %dma_start3A_368 = arith.constant 0 : i32
      %dma_start3A_369 = arith.constant 0 : i32
      %dma_start3A_370 = tpu.memref_slice %arg8[%dma_start3A_366, %dma_start3A_368, %dma_start3A_369] : memref<8x128x32xf32, #tpu.memory_space<vmem>> -> memref<1x128x32xf32, #tpu.memory_space<vmem>>
      %dma_start3A_371 = tpu.memref_squeeze %dma_start3A_370 : memref<1x128x32xf32, #tpu.memory_space<vmem>> -> memref<128x32xf32, #tpu.memory_space<vmem>>
      %dma_start3A_372 = arith.constant 0 : i32
      %dma_start3A_373 = tpu.memref_slice %arg7[%add3A_351, %dma_start3A_372] : memref<80x128xi32, #tpu.memory_space<vmem>> -> memref<1x128xi32, #tpu.memory_space<vmem>>
      %dma_start3A_374 = tpu.memref_squeeze %dma_start3A_373 : memref<1x128xi32, #tpu.memory_space<vmem>> -> memref<128xi32, #tpu.memory_space<vmem>>
      %dma_start3A_375 = arith.constant 0 : i32
      %dma_start3A_376 = arith.constant 0 : i32
      %dma_start3A_377 = tpu.memref_slice %arg10[%dma_start3A_375, %dma_start3A_376] : memref<10240x32xf32, #tpu.memory_space<vmem_shared>> -> memref<10240x32xf32, #tpu.memory_space<vmem_shared>>
      %dma_start3A_378 = tpu.memref_slice %arg12[%dma_start3A_367] : memref<8x!tpu.dma_semaphore, #tpu.memory_space<semaphore_mem>> -> memref<1x!tpu.dma_semaphore, #tpu.memory_space<semaphore_mem>>
      %dma_start3A_379 = tpu.memref_squeeze %dma_start3A_378 : memref<1x!tpu.dma_semaphore, #tpu.memory_space<semaphore_mem>> -> memref<!tpu.dma_semaphore, #tpu.memory_space<semaphore_mem>>
      tpu.enqueue_indirect_dma source(%dma_start3A_371 : memref<128x32xf32, #tpu.memory_space<vmem>>) target(%dma_start3A_377 : memref<10240x32xf32, #tpu.memory_space<vmem_shared>>) offsets(%dma_start3A_374 : memref<128xi32, #tpu.memory_space<vmem>>) semaphore(%dma_start3A_379 : memref<!tpu.dma_semaphore, #tpu.memory_space<semaphore_mem>>) {add = true}
      %mul3A_380 = arith.constant 8 : i32
      %mul3A_381 = arith.muli %scan3A_155, %mul3A_380 : i32
      %add3A_382 = arith.constant 7 : i32
      %add3A_383 = arith.addi %mul3A_381, %add3A_382 : i32
      %dma_wait3A_384 = arith.constant 7 : i32
      %dma_wait3A_385 = arith.constant 7 : i32
      %dma_wait3A_386 = arith.constant 0 : i32
      %dma_wait3A_387 = arith.constant 0 : i32
      %dma_wait3A_388 = tpu.memref_slice %arg8[%dma_wait3A_384, %dma_wait3A_386, %dma_wait3A_387] : memref<8x128x32xf32, #tpu.memory_space<vmem>> -> memref<1x128x32xf32, #tpu.memory_space<vmem>>
      %dma_wait3A_389 = tpu.memref_squeeze %dma_wait3A_388 : memref<1x128x32xf32, #tpu.memory_space<vmem>> -> memref<128x32xf32, #tpu.memory_space<vmem>>
      %dma_wait3A_390 = arith.constant 0 : i32
      %dma_wait3A_391 = tpu.memref_slice %arg6[%add3A_383, %dma_wait3A_390] : memref<80x128xi32, #tpu.memory_space<vmem>> -> memref<1x128xi32, #tpu.memory_space<vmem>>
      %dma_wait3A_392 = tpu.memref_squeeze %dma_wait3A_391 : memref<1x128xi32, #tpu.memory_space<vmem>> -> memref<128xi32, #tpu.memory_space<vmem>>
      %dma_wait3A_393 = arith.constant 0 : i32
      %dma_wait3A_394 = arith.constant 0 : i32
      %dma_wait3A_395 = tpu.memref_slice %arg2[%dma_wait3A_393, %dma_wait3A_394] : memref<10240x32xf32, #tpu.memory_space<hbm>> -> memref<10240x32xf32, #tpu.memory_space<hbm>>
      %dma_wait3A_396 = tpu.memref_slice %arg11[%dma_wait3A_385] : memref<8x!tpu.dma_semaphore, #tpu.memory_space<semaphore_mem>> -> memref<1x!tpu.dma_semaphore, #tpu.memory_space<semaphore_mem>>
      %dma_wait3A_397 = tpu.memref_squeeze %dma_wait3A_396 : memref<1x!tpu.dma_semaphore, #tpu.memory_space<semaphore_mem>> -> memref<!tpu.dma_semaphore, #tpu.memory_space<semaphore_mem>>
      tpu.wait_indirect_dma semaphore(%dma_wait3A_397 : memref<!tpu.dma_semaphore, #tpu.memory_space<semaphore_mem>>) src(%dma_wait3A_395 : memref<10240x32xf32, #tpu.memory_space<hbm>>) dst(%dma_wait3A_389 : memref<128x32xf32, #tpu.memory_space<vmem>>)
      %dma_start3A_398 = arith.constant 7 : i32
      %dma_start3A_399 = arith.constant 7 : i32
      %dma_start3A_400 = arith.constant 0 : i32
      %dma_start3A_401 = arith.constant 0 : i32
      %dma_start3A_402 = tpu.memref_slice %arg8[%dma_start3A_398, %dma_start3A_400, %dma_start3A_401] : memref<8x128x32xf32, #tpu.memory_space<vmem>> -> memref<1x128x32xf32, #tpu.memory_space<vmem>>
      %dma_start3A_403 = tpu.memref_squeeze %dma_start3A_402 : memref<1x128x32xf32, #tpu.memory_space<vmem>> -> memref<128x32xf32, #tpu.memory_space<vmem>>
      %dma_start3A_404 = arith.constant 0 : i32
      %dma_start3A_405 = tpu.memref_slice %arg7[%add3A_383, %dma_start3A_404] : memref<80x128xi32, #tpu.memory_space<vmem>> -> memref<1x128xi32, #tpu.memory_space<vmem>>
      %dma_start3A_406 = tpu.memref_squeeze %dma_start3A_405 : memref<1x128xi32, #tpu.memory_space<vmem>> -> memref<128xi32, #tpu.memory_space<vmem>>
      %dma_start3A_407 = arith.constant 0 : i32
      %dma_start3A_408 = arith.constant 0 : i32
      %dma_start3A_409 = tpu.memref_slice %arg10[%dma_start3A_407, %dma_start3A_408] : memref<10240x32xf32, #tpu.memory_space<vmem_shared>> -> memref<10240x32xf32, #tpu.memory_space<vmem_shared>>
      %dma_start3A_410 = tpu.memref_slice %arg12[%dma_start3A_399] : memref<8x!tpu.dma_semaphore, #tpu.memory_space<semaphore_mem>> -> memref<1x!tpu.dma_semaphore, #tpu.memory_space<semaphore_mem>>
      %dma_start3A_411 = tpu.memref_squeeze %dma_start3A_410 : memref<1x!tpu.dma_semaphore, #tpu.memory_space<semaphore_mem>> -> memref<!tpu.dma_semaphore, #tpu.memory_space<semaphore_mem>>
      tpu.enqueue_indirect_dma source(%dma_start3A_403 : memref<128x32xf32, #tpu.memory_space<vmem>>) target(%dma_start3A_409 : memref<10240x32xf32, #tpu.memory_space<vmem_shared>>) offsets(%dma_start3A_406 : memref<128xi32, #tpu.memory_space<vmem>>) semaphore(%dma_start3A_411 : memref<!tpu.dma_semaphore, #tpu.memory_space<semaphore_mem>>) {add = true}
      %mul3A_412 = arith.constant 8 : i32
      %mul3A_413 = arith.muli %scan3A_155, %mul3A_412 : i32
      %add3A_414 = arith.constant 0 : i32
      %add3A_415 = arith.addi %mul3A_413, %add3A_414 : i32
      %dma_wait3A_416 = arith.constant 0 : i32
      %dma_wait3A_417 = arith.constant 0 : i32
      %dma_wait3A_418 = arith.constant 0 : i32
      %dma_wait3A_419 = arith.constant 0 : i32
      %dma_wait3A_420 = tpu.memref_slice %arg8[%dma_wait3A_416, %dma_wait3A_418, %dma_wait3A_419] : memref<8x128x32xf32, #tpu.memory_space<vmem>> -> memref<1x128x32xf32, #tpu.memory_space<vmem>>
      %dma_wait3A_421 = tpu.memref_squeeze %dma_wait3A_420 : memref<1x128x32xf32, #tpu.memory_space<vmem>> -> memref<128x32xf32, #tpu.memory_space<vmem>>
      %dma_wait3A_422 = arith.constant 0 : i32
      %dma_wait3A_423 = tpu.memref_slice %arg7[%add3A_415, %dma_wait3A_422] : memref<80x128xi32, #tpu.memory_space<vmem>> -> memref<1x128xi32, #tpu.memory_space<vmem>>
      %dma_wait3A_424 = tpu.memref_squeeze %dma_wait3A_423 : memref<1x128xi32, #tpu.memory_space<vmem>> -> memref<128xi32, #tpu.memory_space<vmem>>
      %dma_wait3A_425 = arith.constant 0 : i32
      %dma_wait3A_426 = arith.constant 0 : i32
      %dma_wait3A_427 = tpu.memref_slice %arg10[%dma_wait3A_425, %dma_wait3A_426] : memref<10240x32xf32, #tpu.memory_space<vmem_shared>> -> memref<10240x32xf32, #tpu.memory_space<vmem_shared>>
      %dma_wait3A_428 = tpu.memref_slice %arg12[%dma_wait3A_417] : memref<8x!tpu.dma_semaphore, #tpu.memory_space<semaphore_mem>> -> memref<1x!tpu.dma_semaphore, #tpu.memory_space<semaphore_mem>>
      %dma_wait3A_429 = tpu.memref_squeeze %dma_wait3A_428 : memref<1x!tpu.dma_semaphore, #tpu.memory_space<semaphore_mem>> -> memref<!tpu.dma_semaphore, #tpu.memory_space<semaphore_mem>>
      tpu.wait_indirect_dma semaphore(%dma_wait3A_429 : memref<!tpu.dma_semaphore, #tpu.memory_space<semaphore_mem>>) src(%dma_wait3A_421 : memref<128x32xf32, #tpu.memory_space<vmem>>) dst(%dma_wait3A_427 : memref<10240x32xf32, #tpu.memory_space<vmem_shared>>)
      %lt3A = arith.constant 9 : i32
      %lt3A_430 = arith.cmpi slt, %scan3A_155, %lt3A : i32
      %convert_element_type3A = arith.extui %lt3A_430 : i1 to i32
      %cond3A = arith.constant 0 : i32
      %cond3A_431 = arith.cmpi ne, %convert_element_type3A, %cond3A : i32
      scf.if %cond3A_431 {
        %add3A_594 = arith.constant 8 : i32
        %add3A_595 = arith.addi %add3A_415, %add3A_594 : i32
        %dma_start3A_596 = arith.constant 0 : i32
        %dma_start3A_597 = arith.constant 0 : i32
        %dma_start3A_598 = arith.constant 0 : i32
        %dma_start3A_599 = arith.constant 0 : i32
        %dma_start3A_600 = tpu.memref_slice %arg8[%dma_start3A_596, %dma_start3A_598, %dma_start3A_599] : memref<8x128x32xf32, #tpu.memory_space<vmem>> -> memref<1x128x32xf32, #tpu.memory_space<vmem>>
        %dma_start3A_601 = tpu.memref_squeeze %dma_start3A_600 : memref<1x128x32xf32, #tpu.memory_space<vmem>> -> memref<128x32xf32, #tpu.memory_space<vmem>>
        %dma_start3A_602 = arith.constant 0 : i32
        %dma_start3A_603 = tpu.memref_slice %arg6[%add3A_595, %dma_start3A_602] : memref<80x128xi32, #tpu.memory_space<vmem>> -> memref<1x128xi32, #tpu.memory_space<vmem>>
        %dma_start3A_604 = tpu.memref_squeeze %dma_start3A_603 : memref<1x128xi32, #tpu.memory_space<vmem>> -> memref<128xi32, #tpu.memory_space<vmem>>
        %dma_start3A_605 = arith.constant 0 : i32
        %dma_start3A_606 = arith.constant 0 : i32
        %dma_start3A_607 = tpu.memref_slice %arg2[%dma_start3A_605, %dma_start3A_606] : memref<10240x32xf32, #tpu.memory_space<hbm>> -> memref<10240x32xf32, #tpu.memory_space<hbm>>
        %dma_start3A_608 = tpu.memref_slice %arg11[%dma_start3A_597] : memref<8x!tpu.dma_semaphore, #tpu.memory_space<semaphore_mem>> -> memref<1x!tpu.dma_semaphore, #tpu.memory_space<semaphore_mem>>
        %dma_start3A_609 = tpu.memref_squeeze %dma_start3A_608 : memref<1x!tpu.dma_semaphore, #tpu.memory_space<semaphore_mem>> -> memref<!tpu.dma_semaphore, #tpu.memory_space<semaphore_mem>>
        tpu.enqueue_indirect_dma source(%dma_start3A_607 : memref<10240x32xf32, #tpu.memory_space<hbm>>) target(%dma_start3A_601 : memref<128x32xf32, #tpu.memory_space<vmem>>) offsets(%dma_start3A_604 : memref<128xi32, #tpu.memory_space<vmem>>) semaphore(%dma_start3A_609 : memref<!tpu.dma_semaphore, #tpu.memory_space<semaphore_mem>>)
      } else {
      }
      %mul3A_432 = arith.constant 8 : i32
      %mul3A_433 = arith.muli %scan3A_155, %mul3A_432 : i32
      %add3A_434 = arith.constant 1 : i32
      %add3A_435 = arith.addi %mul3A_433, %add3A_434 : i32
      %dma_wait3A_436 = arith.constant 1 : i32
      %dma_wait3A_437 = arith.constant 1 : i32
      %dma_wait3A_438 = arith.constant 0 : i32
      %dma_wait3A_439 = arith.constant 0 : i32
      %dma_wait3A_440 = tpu.memref_slice %arg8[%dma_wait3A_436, %dma_wait3A_438, %dma_wait3A_439] : memref<8x128x32xf32, #tpu.memory_space<vmem>> -> memref<1x128x32xf32, #tpu.memory_space<vmem>>
      %dma_wait3A_441 = tpu.memref_squeeze %dma_wait3A_440 : memref<1x128x32xf32, #tpu.memory_space<vmem>> -> memref<128x32xf32, #tpu.memory_space<vmem>>
      %dma_wait3A_442 = arith.constant 0 : i32
      %dma_wait3A_443 = tpu.memref_slice %arg7[%add3A_435, %dma_wait3A_442] : memref<80x128xi32, #tpu.memory_space<vmem>> -> memref<1x128xi32, #tpu.memory_space<vmem>>
      %dma_wait3A_444 = tpu.memref_squeeze %dma_wait3A_443 : memref<1x128xi32, #tpu.memory_space<vmem>> -> memref<128xi32, #tpu.memory_space<vmem>>
      %dma_wait3A_445 = arith.constant 0 : i32
      %dma_wait3A_446 = arith.constant 0 : i32
      %dma_wait3A_447 = tpu.memref_slice %arg10[%dma_wait3A_445, %dma_wait3A_446] : memref<10240x32xf32, #tpu.memory_space<vmem_shared>> -> memref<10240x32xf32, #tpu.memory_space<vmem_shared>>
      %dma_wait3A_448 = tpu.memref_slice %arg12[%dma_wait3A_437] : memref<8x!tpu.dma_semaphore, #tpu.memory_space<semaphore_mem>> -> memref<1x!tpu.dma_semaphore, #tpu.memory_space<semaphore_mem>>
      %dma_wait3A_449 = tpu.memref_squeeze %dma_wait3A_448 : memref<1x!tpu.dma_semaphore, #tpu.memory_space<semaphore_mem>> -> memref<!tpu.dma_semaphore, #tpu.memory_space<semaphore_mem>>
      tpu.wait_indirect_dma semaphore(%dma_wait3A_449 : memref<!tpu.dma_semaphore, #tpu.memory_space<semaphore_mem>>) src(%dma_wait3A_441 : memref<128x32xf32, #tpu.memory_space<vmem>>) dst(%dma_wait3A_447 : memref<10240x32xf32, #tpu.memory_space<vmem_shared>>)
      %lt3A_450 = arith.constant 9 : i32
      %lt3A_451 = arith.cmpi slt, %scan3A_155, %lt3A_450 : i32
      %convert_element_type3A_452 = arith.extui %lt3A_451 : i1 to i32
      %cond3A_453 = arith.constant 0 : i32
      %cond3A_454 = arith.cmpi ne, %convert_element_type3A_452, %cond3A_453 : i32
      scf.if %cond3A_454 {
        %add3A_594 = arith.constant 8 : i32
        %add3A_595 = arith.addi %add3A_435, %add3A_594 : i32
        %dma_start3A_596 = arith.constant 1 : i32
        %dma_start3A_597 = arith.constant 1 : i32
        %dma_start3A_598 = arith.constant 0 : i32
        %dma_start3A_599 = arith.constant 0 : i32
        %dma_start3A_600 = tpu.memref_slice %arg8[%dma_start3A_596, %dma_start3A_598, %dma_start3A_599] : memref<8x128x32xf32, #tpu.memory_space<vmem>> -> memref<1x128x32xf32, #tpu.memory_space<vmem>>
        %dma_start3A_601 = tpu.memref_squeeze %dma_start3A_600 : memref<1x128x32xf32, #tpu.memory_space<vmem>> -> memref<128x32xf32, #tpu.memory_space<vmem>>
        %dma_start3A_602 = arith.constant 0 : i32
        %dma_start3A_603 = tpu.memref_slice %arg6[%add3A_595, %dma_start3A_602] : memref<80x128xi32, #tpu.memory_space<vmem>> -> memref<1x128xi32, #tpu.memory_space<vmem>>
        %dma_start3A_604 = tpu.memref_squeeze %dma_start3A_603 : memref<1x128xi32, #tpu.memory_space<vmem>> -> memref<128xi32, #tpu.memory_space<vmem>>
        %dma_start3A_605 = arith.constant 0 : i32
        %dma_start3A_606 = arith.constant 0 : i32
        %dma_start3A_607 = tpu.memref_slice %arg2[%dma_start3A_605, %dma_start3A_606] : memref<10240x32xf32, #tpu.memory_space<hbm>> -> memref<10240x32xf32, #tpu.memory_space<hbm>>
        %dma_start3A_608 = tpu.memref_slice %arg11[%dma_start3A_597] : memref<8x!tpu.dma_semaphore, #tpu.memory_space<semaphore_mem>> -> memref<1x!tpu.dma_semaphore, #tpu.memory_space<semaphore_mem>>
        %dma_start3A_609 = tpu.memref_squeeze %dma_start3A_608 : memref<1x!tpu.dma_semaphore, #tpu.memory_space<semaphore_mem>> -> memref<!tpu.dma_semaphore, #tpu.memory_space<semaphore_mem>>
        tpu.enqueue_indirect_dma source(%dma_start3A_607 : memref<10240x32xf32, #tpu.memory_space<hbm>>) target(%dma_start3A_601 : memref<128x32xf32, #tpu.memory_space<vmem>>) offsets(%dma_start3A_604 : memref<128xi32, #tpu.memory_space<vmem>>) semaphore(%dma_start3A_609 : memref<!tpu.dma_semaphore, #tpu.memory_space<semaphore_mem>>)
      } else {
      }
      %mul3A_455 = arith.constant 8 : i32
      %mul3A_456 = arith.muli %scan3A_155, %mul3A_455 : i32
      %add3A_457 = arith.constant 2 : i32
      %add3A_458 = arith.addi %mul3A_456, %add3A_457 : i32
      %dma_wait3A_459 = arith.constant 2 : i32
      %dma_wait3A_460 = arith.constant 2 : i32
      %dma_wait3A_461 = arith.constant 0 : i32
      %dma_wait3A_462 = arith.constant 0 : i32
      %dma_wait3A_463 = tpu.memref_slice %arg8[%dma_wait3A_459, %dma_wait3A_461, %dma_wait3A_462] : memref<8x128x32xf32, #tpu.memory_space<vmem>> -> memref<1x128x32xf32, #tpu.memory_space<vmem>>
      %dma_wait3A_464 = tpu.memref_squeeze %dma_wait3A_463 : memref<1x128x32xf32, #tpu.memory_space<vmem>> -> memref<128x32xf32, #tpu.memory_space<vmem>>
      %dma_wait3A_465 = arith.constant 0 : i32
      %dma_wait3A_466 = tpu.memref_slice %arg7[%add3A_458, %dma_wait3A_465] : memref<80x128xi32, #tpu.memory_space<vmem>> -> memref<1x128xi32, #tpu.memory_space<vmem>>
      %dma_wait3A_467 = tpu.memref_squeeze %dma_wait3A_466 : memref<1x128xi32, #tpu.memory_space<vmem>> -> memref<128xi32, #tpu.memory_space<vmem>>
      %dma_wait3A_468 = arith.constant 0 : i32
      %dma_wait3A_469 = arith.constant 0 : i32
      %dma_wait3A_470 = tpu.memref_slice %arg10[%dma_wait3A_468, %dma_wait3A_469] : memref<10240x32xf32, #tpu.memory_space<vmem_shared>> -> memref<10240x32xf32, #tpu.memory_space<vmem_shared>>
      %dma_wait3A_471 = tpu.memref_slice %arg12[%dma_wait3A_460] : memref<8x!tpu.dma_semaphore, #tpu.memory_space<semaphore_mem>> -> memref<1x!tpu.dma_semaphore, #tpu.memory_space<semaphore_mem>>
      %dma_wait3A_472 = tpu.memref_squeeze %dma_wait3A_471 : memref<1x!tpu.dma_semaphore, #tpu.memory_space<semaphore_mem>> -> memref<!tpu.dma_semaphore, #tpu.memory_space<semaphore_mem>>
      tpu.wait_indirect_dma semaphore(%dma_wait3A_472 : memref<!tpu.dma_semaphore, #tpu.memory_space<semaphore_mem>>) src(%dma_wait3A_464 : memref<128x32xf32, #tpu.memory_space<vmem>>) dst(%dma_wait3A_470 : memref<10240x32xf32, #tpu.memory_space<vmem_shared>>)
      %lt3A_473 = arith.constant 9 : i32
      %lt3A_474 = arith.cmpi slt, %scan3A_155, %lt3A_473 : i32
      %convert_element_type3A_475 = arith.extui %lt3A_474 : i1 to i32
      %cond3A_476 = arith.constant 0 : i32
      %cond3A_477 = arith.cmpi ne, %convert_element_type3A_475, %cond3A_476 : i32
      scf.if %cond3A_477 {
        %add3A_594 = arith.constant 8 : i32
        %add3A_595 = arith.addi %add3A_458, %add3A_594 : i32
        %dma_start3A_596 = arith.constant 2 : i32
        %dma_start3A_597 = arith.constant 2 : i32
        %dma_start3A_598 = arith.constant 0 : i32
        %dma_start3A_599 = arith.constant 0 : i32
        %dma_start3A_600 = tpu.memref_slice %arg8[%dma_start3A_596, %dma_start3A_598, %dma_start3A_599] : memref<8x128x32xf32, #tpu.memory_space<vmem>> -> memref<1x128x32xf32, #tpu.memory_space<vmem>>
        %dma_start3A_601 = tpu.memref_squeeze %dma_start3A_600 : memref<1x128x32xf32, #tpu.memory_space<vmem>> -> memref<128x32xf32, #tpu.memory_space<vmem>>
        %dma_start3A_602 = arith.constant 0 : i32
        %dma_start3A_603 = tpu.memref_slice %arg6[%add3A_595, %dma_start3A_602] : memref<80x128xi32, #tpu.memory_space<vmem>> -> memref<1x128xi32, #tpu.memory_space<vmem>>
        %dma_start3A_604 = tpu.memref_squeeze %dma_start3A_603 : memref<1x128xi32, #tpu.memory_space<vmem>> -> memref<128xi32, #tpu.memory_space<vmem>>
        %dma_start3A_605 = arith.constant 0 : i32
        %dma_start3A_606 = arith.constant 0 : i32
        %dma_start3A_607 = tpu.memref_slice %arg2[%dma_start3A_605, %dma_start3A_606] : memref<10240x32xf32, #tpu.memory_space<hbm>> -> memref<10240x32xf32, #tpu.memory_space<hbm>>
        %dma_start3A_608 = tpu.memref_slice %arg11[%dma_start3A_597] : memref<8x!tpu.dma_semaphore, #tpu.memory_space<semaphore_mem>> -> memref<1x!tpu.dma_semaphore, #tpu.memory_space<semaphore_mem>>
        %dma_start3A_609 = tpu.memref_squeeze %dma_start3A_608 : memref<1x!tpu.dma_semaphore, #tpu.memory_space<semaphore_mem>> -> memref<!tpu.dma_semaphore, #tpu.memory_space<semaphore_mem>>
        tpu.enqueue_indirect_dma source(%dma_start3A_607 : memref<10240x32xf32, #tpu.memory_space<hbm>>) target(%dma_start3A_601 : memref<128x32xf32, #tpu.memory_space<vmem>>) offsets(%dma_start3A_604 : memref<128xi32, #tpu.memory_space<vmem>>) semaphore(%dma_start3A_609 : memref<!tpu.dma_semaphore, #tpu.memory_space<semaphore_mem>>)
      } else {
      }
      %mul3A_478 = arith.constant 8 : i32
      %mul3A_479 = arith.muli %scan3A_155, %mul3A_478 : i32
      %add3A_480 = arith.constant 3 : i32
      %add3A_481 = arith.addi %mul3A_479, %add3A_480 : i32
      %dma_wait3A_482 = arith.constant 3 : i32
      %dma_wait3A_483 = arith.constant 3 : i32
      %dma_wait3A_484 = arith.constant 0 : i32
      %dma_wait3A_485 = arith.constant 0 : i32
      %dma_wait3A_486 = tpu.memref_slice %arg8[%dma_wait3A_482, %dma_wait3A_484, %dma_wait3A_485] : memref<8x128x32xf32, #tpu.memory_space<vmem>> -> memref<1x128x32xf32, #tpu.memory_space<vmem>>
      %dma_wait3A_487 = tpu.memref_squeeze %dma_wait3A_486 : memref<1x128x32xf32, #tpu.memory_space<vmem>> -> memref<128x32xf32, #tpu.memory_space<vmem>>
      %dma_wait3A_488 = arith.constant 0 : i32
      %dma_wait3A_489 = tpu.memref_slice %arg7[%add3A_481, %dma_wait3A_488] : memref<80x128xi32, #tpu.memory_space<vmem>> -> memref<1x128xi32, #tpu.memory_space<vmem>>
      %dma_wait3A_490 = tpu.memref_squeeze %dma_wait3A_489 : memref<1x128xi32, #tpu.memory_space<vmem>> -> memref<128xi32, #tpu.memory_space<vmem>>
      %dma_wait3A_491 = arith.constant 0 : i32
      %dma_wait3A_492 = arith.constant 0 : i32
      %dma_wait3A_493 = tpu.memref_slice %arg10[%dma_wait3A_491, %dma_wait3A_492] : memref<10240x32xf32, #tpu.memory_space<vmem_shared>> -> memref<10240x32xf32, #tpu.memory_space<vmem_shared>>
      %dma_wait3A_494 = tpu.memref_slice %arg12[%dma_wait3A_483] : memref<8x!tpu.dma_semaphore, #tpu.memory_space<semaphore_mem>> -> memref<1x!tpu.dma_semaphore, #tpu.memory_space<semaphore_mem>>
      %dma_wait3A_495 = tpu.memref_squeeze %dma_wait3A_494 : memref<1x!tpu.dma_semaphore, #tpu.memory_space<semaphore_mem>> -> memref<!tpu.dma_semaphore, #tpu.memory_space<semaphore_mem>>
      tpu.wait_indirect_dma semaphore(%dma_wait3A_495 : memref<!tpu.dma_semaphore, #tpu.memory_space<semaphore_mem>>) src(%dma_wait3A_487 : memref<128x32xf32, #tpu.memory_space<vmem>>) dst(%dma_wait3A_493 : memref<10240x32xf32, #tpu.memory_space<vmem_shared>>)
      %lt3A_496 = arith.constant 9 : i32
      %lt3A_497 = arith.cmpi slt, %scan3A_155, %lt3A_496 : i32
      %convert_element_type3A_498 = arith.extui %lt3A_497 : i1 to i32
      %cond3A_499 = arith.constant 0 : i32
      %cond3A_500 = arith.cmpi ne, %convert_element_type3A_498, %cond3A_499 : i32
      scf.if %cond3A_500 {
        %add3A_594 = arith.constant 8 : i32
        %add3A_595 = arith.addi %add3A_481, %add3A_594 : i32
        %dma_start3A_596 = arith.constant 3 : i32
        %dma_start3A_597 = arith.constant 3 : i32
        %dma_start3A_598 = arith.constant 0 : i32
        %dma_start3A_599 = arith.constant 0 : i32
        %dma_start3A_600 = tpu.memref_slice %arg8[%dma_start3A_596, %dma_start3A_598, %dma_start3A_599] : memref<8x128x32xf32, #tpu.memory_space<vmem>> -> memref<1x128x32xf32, #tpu.memory_space<vmem>>
        %dma_start3A_601 = tpu.memref_squeeze %dma_start3A_600 : memref<1x128x32xf32, #tpu.memory_space<vmem>> -> memref<128x32xf32, #tpu.memory_space<vmem>>
        %dma_start3A_602 = arith.constant 0 : i32
        %dma_start3A_603 = tpu.memref_slice %arg6[%add3A_595, %dma_start3A_602] : memref<80x128xi32, #tpu.memory_space<vmem>> -> memref<1x128xi32, #tpu.memory_space<vmem>>
        %dma_start3A_604 = tpu.memref_squeeze %dma_start3A_603 : memref<1x128xi32, #tpu.memory_space<vmem>> -> memref<128xi32, #tpu.memory_space<vmem>>
        %dma_start3A_605 = arith.constant 0 : i32
        %dma_start3A_606 = arith.constant 0 : i32
        %dma_start3A_607 = tpu.memref_slice %arg2[%dma_start3A_605, %dma_start3A_606] : memref<10240x32xf32, #tpu.memory_space<hbm>> -> memref<10240x32xf32, #tpu.memory_space<hbm>>
        %dma_start3A_608 = tpu.memref_slice %arg11[%dma_start3A_597] : memref<8x!tpu.dma_semaphore, #tpu.memory_space<semaphore_mem>> -> memref<1x!tpu.dma_semaphore, #tpu.memory_space<semaphore_mem>>
        %dma_start3A_609 = tpu.memref_squeeze %dma_start3A_608 : memref<1x!tpu.dma_semaphore, #tpu.memory_space<semaphore_mem>> -> memref<!tpu.dma_semaphore, #tpu.memory_space<semaphore_mem>>
        tpu.enqueue_indirect_dma source(%dma_start3A_607 : memref<10240x32xf32, #tpu.memory_space<hbm>>) target(%dma_start3A_601 : memref<128x32xf32, #tpu.memory_space<vmem>>) offsets(%dma_start3A_604 : memref<128xi32, #tpu.memory_space<vmem>>) semaphore(%dma_start3A_609 : memref<!tpu.dma_semaphore, #tpu.memory_space<semaphore_mem>>)
      } else {
      }
      %mul3A_501 = arith.constant 8 : i32
      %mul3A_502 = arith.muli %scan3A_155, %mul3A_501 : i32
      %add3A_503 = arith.constant 4 : i32
      %add3A_504 = arith.addi %mul3A_502, %add3A_503 : i32
      %dma_wait3A_505 = arith.constant 4 : i32
      %dma_wait3A_506 = arith.constant 4 : i32
      %dma_wait3A_507 = arith.constant 0 : i32
      %dma_wait3A_508 = arith.constant 0 : i32
      %dma_wait3A_509 = tpu.memref_slice %arg8[%dma_wait3A_505, %dma_wait3A_507, %dma_wait3A_508] : memref<8x128x32xf32, #tpu.memory_space<vmem>> -> memref<1x128x32xf32, #tpu.memory_space<vmem>>
      %dma_wait3A_510 = tpu.memref_squeeze %dma_wait3A_509 : memref<1x128x32xf32, #tpu.memory_space<vmem>> -> memref<128x32xf32, #tpu.memory_space<vmem>>
      %dma_wait3A_511 = arith.constant 0 : i32
      %dma_wait3A_512 = tpu.memref_slice %arg7[%add3A_504, %dma_wait3A_511] : memref<80x128xi32, #tpu.memory_space<vmem>> -> memref<1x128xi32, #tpu.memory_space<vmem>>
      %dma_wait3A_513 = tpu.memref_squeeze %dma_wait3A_512 : memref<1x128xi32, #tpu.memory_space<vmem>> -> memref<128xi32, #tpu.memory_space<vmem>>
      %dma_wait3A_514 = arith.constant 0 : i32
      %dma_wait3A_515 = arith.constant 0 : i32
      %dma_wait3A_516 = tpu.memref_slice %arg10[%dma_wait3A_514, %dma_wait3A_515] : memref<10240x32xf32, #tpu.memory_space<vmem_shared>> -> memref<10240x32xf32, #tpu.memory_space<vmem_shared>>
      %dma_wait3A_517 = tpu.memref_slice %arg12[%dma_wait3A_506] : memref<8x!tpu.dma_semaphore, #tpu.memory_space<semaphore_mem>> -> memref<1x!tpu.dma_semaphore, #tpu.memory_space<semaphore_mem>>
      %dma_wait3A_518 = tpu.memref_squeeze %dma_wait3A_517 : memref<1x!tpu.dma_semaphore, #tpu.memory_space<semaphore_mem>> -> memref<!tpu.dma_semaphore, #tpu.memory_space<semaphore_mem>>
      tpu.wait_indirect_dma semaphore(%dma_wait3A_518 : memref<!tpu.dma_semaphore, #tpu.memory_space<semaphore_mem>>) src(%dma_wait3A_510 : memref<128x32xf32, #tpu.memory_space<vmem>>) dst(%dma_wait3A_516 : memref<10240x32xf32, #tpu.memory_space<vmem_shared>>)
      %lt3A_519 = arith.constant 9 : i32
      %lt3A_520 = arith.cmpi slt, %scan3A_155, %lt3A_519 : i32
      %convert_element_type3A_521 = arith.extui %lt3A_520 : i1 to i32
      %cond3A_522 = arith.constant 0 : i32
      %cond3A_523 = arith.cmpi ne, %convert_element_type3A_521, %cond3A_522 : i32
      scf.if %cond3A_523 {
        %add3A_594 = arith.constant 8 : i32
        %add3A_595 = arith.addi %add3A_504, %add3A_594 : i32
        %dma_start3A_596 = arith.constant 4 : i32
        %dma_start3A_597 = arith.constant 4 : i32
        %dma_start3A_598 = arith.constant 0 : i32
        %dma_start3A_599 = arith.constant 0 : i32
        %dma_start3A_600 = tpu.memref_slice %arg8[%dma_start3A_596, %dma_start3A_598, %dma_start3A_599] : memref<8x128x32xf32, #tpu.memory_space<vmem>> -> memref<1x128x32xf32, #tpu.memory_space<vmem>>
        %dma_start3A_601 = tpu.memref_squeeze %dma_start3A_600 : memref<1x128x32xf32, #tpu.memory_space<vmem>> -> memref<128x32xf32, #tpu.memory_space<vmem>>
        %dma_start3A_602 = arith.constant 0 : i32
        %dma_start3A_603 = tpu.memref_slice %arg6[%add3A_595, %dma_start3A_602] : memref<80x128xi32, #tpu.memory_space<vmem>> -> memref<1x128xi32, #tpu.memory_space<vmem>>
        %dma_start3A_604 = tpu.memref_squeeze %dma_start3A_603 : memref<1x128xi32, #tpu.memory_space<vmem>> -> memref<128xi32, #tpu.memory_space<vmem>>
        %dma_start3A_605 = arith.constant 0 : i32
        %dma_start3A_606 = arith.constant 0 : i32
        %dma_start3A_607 = tpu.memref_slice %arg2[%dma_start3A_605, %dma_start3A_606] : memref<10240x32xf32, #tpu.memory_space<hbm>> -> memref<10240x32xf32, #tpu.memory_space<hbm>>
        %dma_start3A_608 = tpu.memref_slice %arg11[%dma_start3A_597] : memref<8x!tpu.dma_semaphore, #tpu.memory_space<semaphore_mem>> -> memref<1x!tpu.dma_semaphore, #tpu.memory_space<semaphore_mem>>
        %dma_start3A_609 = tpu.memref_squeeze %dma_start3A_608 : memref<1x!tpu.dma_semaphore, #tpu.memory_space<semaphore_mem>> -> memref<!tpu.dma_semaphore, #tpu.memory_space<semaphore_mem>>
        tpu.enqueue_indirect_dma source(%dma_start3A_607 : memref<10240x32xf32, #tpu.memory_space<hbm>>) target(%dma_start3A_601 : memref<128x32xf32, #tpu.memory_space<vmem>>) offsets(%dma_start3A_604 : memref<128xi32, #tpu.memory_space<vmem>>) semaphore(%dma_start3A_609 : memref<!tpu.dma_semaphore, #tpu.memory_space<semaphore_mem>>)
      } else {
      }
      %mul3A_524 = arith.constant 8 : i32
      %mul3A_525 = arith.muli %scan3A_155, %mul3A_524 : i32
      %add3A_526 = arith.constant 5 : i32
      %add3A_527 = arith.addi %mul3A_525, %add3A_526 : i32
      %dma_wait3A_528 = arith.constant 5 : i32
      %dma_wait3A_529 = arith.constant 5 : i32
      %dma_wait3A_530 = arith.constant 0 : i32
      %dma_wait3A_531 = arith.constant 0 : i32
      %dma_wait3A_532 = tpu.memref_slice %arg8[%dma_wait3A_528, %dma_wait3A_530, %dma_wait3A_531] : memref<8x128x32xf32, #tpu.memory_space<vmem>> -> memref<1x128x32xf32, #tpu.memory_space<vmem>>
      %dma_wait3A_533 = tpu.memref_squeeze %dma_wait3A_532 : memref<1x128x32xf32, #tpu.memory_space<vmem>> -> memref<128x32xf32, #tpu.memory_space<vmem>>
      %dma_wait3A_534 = arith.constant 0 : i32
      %dma_wait3A_535 = tpu.memref_slice %arg7[%add3A_527, %dma_wait3A_534] : memref<80x128xi32, #tpu.memory_space<vmem>> -> memref<1x128xi32, #tpu.memory_space<vmem>>
      %dma_wait3A_536 = tpu.memref_squeeze %dma_wait3A_535 : memref<1x128xi32, #tpu.memory_space<vmem>> -> memref<128xi32, #tpu.memory_space<vmem>>
      %dma_wait3A_537 = arith.constant 0 : i32
      %dma_wait3A_538 = arith.constant 0 : i32
      %dma_wait3A_539 = tpu.memref_slice %arg10[%dma_wait3A_537, %dma_wait3A_538] : memref<10240x32xf32, #tpu.memory_space<vmem_shared>> -> memref<10240x32xf32, #tpu.memory_space<vmem_shared>>
      %dma_wait3A_540 = tpu.memref_slice %arg12[%dma_wait3A_529] : memref<8x!tpu.dma_semaphore, #tpu.memory_space<semaphore_mem>> -> memref<1x!tpu.dma_semaphore, #tpu.memory_space<semaphore_mem>>
      %dma_wait3A_541 = tpu.memref_squeeze %dma_wait3A_540 : memref<1x!tpu.dma_semaphore, #tpu.memory_space<semaphore_mem>> -> memref<!tpu.dma_semaphore, #tpu.memory_space<semaphore_mem>>
      tpu.wait_indirect_dma semaphore(%dma_wait3A_541 : memref<!tpu.dma_semaphore, #tpu.memory_space<semaphore_mem>>) src(%dma_wait3A_533 : memref<128x32xf32, #tpu.memory_space<vmem>>) dst(%dma_wait3A_539 : memref<10240x32xf32, #tpu.memory_space<vmem_shared>>)
      %lt3A_542 = arith.constant 9 : i32
      %lt3A_543 = arith.cmpi slt, %scan3A_155, %lt3A_542 : i32
      %convert_element_type3A_544 = arith.extui %lt3A_543 : i1 to i32
      %cond3A_545 = arith.constant 0 : i32
      %cond3A_546 = arith.cmpi ne, %convert_element_type3A_544, %cond3A_545 : i32
      scf.if %cond3A_546 {
        %add3A_594 = arith.constant 8 : i32
        %add3A_595 = arith.addi %add3A_527, %add3A_594 : i32
        %dma_start3A_596 = arith.constant 5 : i32
        %dma_start3A_597 = arith.constant 5 : i32
        %dma_start3A_598 = arith.constant 0 : i32
        %dma_start3A_599 = arith.constant 0 : i32
        %dma_start3A_600 = tpu.memref_slice %arg8[%dma_start3A_596, %dma_start3A_598, %dma_start3A_599] : memref<8x128x32xf32, #tpu.memory_space<vmem>> -> memref<1x128x32xf32, #tpu.memory_space<vmem>>
        %dma_start3A_601 = tpu.memref_squeeze %dma_start3A_600 : memref<1x128x32xf32, #tpu.memory_space<vmem>> -> memref<128x32xf32, #tpu.memory_space<vmem>>
        %dma_start3A_602 = arith.constant 0 : i32
        %dma_start3A_603 = tpu.memref_slice %arg6[%add3A_595, %dma_start3A_602] : memref<80x128xi32, #tpu.memory_space<vmem>> -> memref<1x128xi32, #tpu.memory_space<vmem>>
        %dma_start3A_604 = tpu.memref_squeeze %dma_start3A_603 : memref<1x128xi32, #tpu.memory_space<vmem>> -> memref<128xi32, #tpu.memory_space<vmem>>
        %dma_start3A_605 = arith.constant 0 : i32
        %dma_start3A_606 = arith.constant 0 : i32
        %dma_start3A_607 = tpu.memref_slice %arg2[%dma_start3A_605, %dma_start3A_606] : memref<10240x32xf32, #tpu.memory_space<hbm>> -> memref<10240x32xf32, #tpu.memory_space<hbm>>
        %dma_start3A_608 = tpu.memref_slice %arg11[%dma_start3A_597] : memref<8x!tpu.dma_semaphore, #tpu.memory_space<semaphore_mem>> -> memref<1x!tpu.dma_semaphore, #tpu.memory_space<semaphore_mem>>
        %dma_start3A_609 = tpu.memref_squeeze %dma_start3A_608 : memref<1x!tpu.dma_semaphore, #tpu.memory_space<semaphore_mem>> -> memref<!tpu.dma_semaphore, #tpu.memory_space<semaphore_mem>>
        tpu.enqueue_indirect_dma source(%dma_start3A_607 : memref<10240x32xf32, #tpu.memory_space<hbm>>) target(%dma_start3A_601 : memref<128x32xf32, #tpu.memory_space<vmem>>) offsets(%dma_start3A_604 : memref<128xi32, #tpu.memory_space<vmem>>) semaphore(%dma_start3A_609 : memref<!tpu.dma_semaphore, #tpu.memory_space<semaphore_mem>>)
      } else {
      }
      %mul3A_547 = arith.constant 8 : i32
      %mul3A_548 = arith.muli %scan3A_155, %mul3A_547 : i32
      %add3A_549 = arith.constant 6 : i32
      %add3A_550 = arith.addi %mul3A_548, %add3A_549 : i32
      %dma_wait3A_551 = arith.constant 6 : i32
      %dma_wait3A_552 = arith.constant 6 : i32
      %dma_wait3A_553 = arith.constant 0 : i32
      %dma_wait3A_554 = arith.constant 0 : i32
      %dma_wait3A_555 = tpu.memref_slice %arg8[%dma_wait3A_551, %dma_wait3A_553, %dma_wait3A_554] : memref<8x128x32xf32, #tpu.memory_space<vmem>> -> memref<1x128x32xf32, #tpu.memory_space<vmem>>
      %dma_wait3A_556 = tpu.memref_squeeze %dma_wait3A_555 : memref<1x128x32xf32, #tpu.memory_space<vmem>> -> memref<128x32xf32, #tpu.memory_space<vmem>>
      %dma_wait3A_557 = arith.constant 0 : i32
      %dma_wait3A_558 = tpu.memref_slice %arg7[%add3A_550, %dma_wait3A_557] : memref<80x128xi32, #tpu.memory_space<vmem>> -> memref<1x128xi32, #tpu.memory_space<vmem>>
      %dma_wait3A_559 = tpu.memref_squeeze %dma_wait3A_558 : memref<1x128xi32, #tpu.memory_space<vmem>> -> memref<128xi32, #tpu.memory_space<vmem>>
      %dma_wait3A_560 = arith.constant 0 : i32
      %dma_wait3A_561 = arith.constant 0 : i32
      %dma_wait3A_562 = tpu.memref_slice %arg10[%dma_wait3A_560, %dma_wait3A_561] : memref<10240x32xf32, #tpu.memory_space<vmem_shared>> -> memref<10240x32xf32, #tpu.memory_space<vmem_shared>>
      %dma_wait3A_563 = tpu.memref_slice %arg12[%dma_wait3A_552] : memref<8x!tpu.dma_semaphore, #tpu.memory_space<semaphore_mem>> -> memref<1x!tpu.dma_semaphore, #tpu.memory_space<semaphore_mem>>
      %dma_wait3A_564 = tpu.memref_squeeze %dma_wait3A_563 : memref<1x!tpu.dma_semaphore, #tpu.memory_space<semaphore_mem>> -> memref<!tpu.dma_semaphore, #tpu.memory_space<semaphore_mem>>
      tpu.wait_indirect_dma semaphore(%dma_wait3A_564 : memref<!tpu.dma_semaphore, #tpu.memory_space<semaphore_mem>>) src(%dma_wait3A_556 : memref<128x32xf32, #tpu.memory_space<vmem>>) dst(%dma_wait3A_562 : memref<10240x32xf32, #tpu.memory_space<vmem_shared>>)
      %lt3A_565 = arith.constant 9 : i32
      %lt3A_566 = arith.cmpi slt, %scan3A_155, %lt3A_565 : i32
      %convert_element_type3A_567 = arith.extui %lt3A_566 : i1 to i32
      %cond3A_568 = arith.constant 0 : i32
      %cond3A_569 = arith.cmpi ne, %convert_element_type3A_567, %cond3A_568 : i32
      scf.if %cond3A_569 {
        %add3A_594 = arith.constant 8 : i32
        %add3A_595 = arith.addi %add3A_550, %add3A_594 : i32
        %dma_start3A_596 = arith.constant 6 : i32
        %dma_start3A_597 = arith.constant 6 : i32
        %dma_start3A_598 = arith.constant 0 : i32
        %dma_start3A_599 = arith.constant 0 : i32
        %dma_start3A_600 = tpu.memref_slice %arg8[%dma_start3A_596, %dma_start3A_598, %dma_start3A_599] : memref<8x128x32xf32, #tpu.memory_space<vmem>> -> memref<1x128x32xf32, #tpu.memory_space<vmem>>
        %dma_start3A_601 = tpu.memref_squeeze %dma_start3A_600 : memref<1x128x32xf32, #tpu.memory_space<vmem>> -> memref<128x32xf32, #tpu.memory_space<vmem>>
        %dma_start3A_602 = arith.constant 0 : i32
        %dma_start3A_603 = tpu.memref_slice %arg6[%add3A_595, %dma_start3A_602] : memref<80x128xi32, #tpu.memory_space<vmem>> -> memref<1x128xi32, #tpu.memory_space<vmem>>
        %dma_start3A_604 = tpu.memref_squeeze %dma_start3A_603 : memref<1x128xi32, #tpu.memory_space<vmem>> -> memref<128xi32, #tpu.memory_space<vmem>>
        %dma_start3A_605 = arith.constant 0 : i32
        %dma_start3A_606 = arith.constant 0 : i32
        %dma_start3A_607 = tpu.memref_slice %arg2[%dma_start3A_605, %dma_start3A_606] : memref<10240x32xf32, #tpu.memory_space<hbm>> -> memref<10240x32xf32, #tpu.memory_space<hbm>>
        %dma_start3A_608 = tpu.memref_slice %arg11[%dma_start3A_597] : memref<8x!tpu.dma_semaphore, #tpu.memory_space<semaphore_mem>> -> memref<1x!tpu.dma_semaphore, #tpu.memory_space<semaphore_mem>>
        %dma_start3A_609 = tpu.memref_squeeze %dma_start3A_608 : memref<1x!tpu.dma_semaphore, #tpu.memory_space<semaphore_mem>> -> memref<!tpu.dma_semaphore, #tpu.memory_space<semaphore_mem>>
        tpu.enqueue_indirect_dma source(%dma_start3A_607 : memref<10240x32xf32, #tpu.memory_space<hbm>>) target(%dma_start3A_601 : memref<128x32xf32, #tpu.memory_space<vmem>>) offsets(%dma_start3A_604 : memref<128xi32, #tpu.memory_space<vmem>>) semaphore(%dma_start3A_609 : memref<!tpu.dma_semaphore, #tpu.memory_space<semaphore_mem>>)
      } else {
      }
      %mul3A_570 = arith.constant 8 : i32
      %mul3A_571 = arith.muli %scan3A_155, %mul3A_570 : i32
      %add3A_572 = arith.constant 7 : i32
      %add3A_573 = arith.addi %mul3A_571, %add3A_572 : i32
      %dma_wait3A_574 = arith.constant 7 : i32
      %dma_wait3A_575 = arith.constant 7 : i32
      %dma_wait3A_576 = arith.constant 0 : i32
      %dma_wait3A_577 = arith.constant 0 : i32
      %dma_wait3A_578 = tpu.memref_slice %arg8[%dma_wait3A_574, %dma_wait3A_576, %dma_wait3A_577] : memref<8x128x32xf32, #tpu.memory_space<vmem>> -> memref<1x128x32xf32, #tpu.memory_space<vmem>>
      %dma_wait3A_579 = tpu.memref_squeeze %dma_wait3A_578 : memref<1x128x32xf32, #tpu.memory_space<vmem>> -> memref<128x32xf32, #tpu.memory_space<vmem>>
      %dma_wait3A_580 = arith.constant 0 : i32
      %dma_wait3A_581 = tpu.memref_slice %arg7[%add3A_573, %dma_wait3A_580] : memref<80x128xi32, #tpu.memory_space<vmem>> -> memref<1x128xi32, #tpu.memory_space<vmem>>
      %dma_wait3A_582 = tpu.memref_squeeze %dma_wait3A_581 : memref<1x128xi32, #tpu.memory_space<vmem>> -> memref<128xi32, #tpu.memory_space<vmem>>
      %dma_wait3A_583 = arith.constant 0 : i32
      %dma_wait3A_584 = arith.constant 0 : i32
      %dma_wait3A_585 = tpu.memref_slice %arg10[%dma_wait3A_583, %dma_wait3A_584] : memref<10240x32xf32, #tpu.memory_space<vmem_shared>> -> memref<10240x32xf32, #tpu.memory_space<vmem_shared>>
      %dma_wait3A_586 = tpu.memref_slice %arg12[%dma_wait3A_575] : memref<8x!tpu.dma_semaphore, #tpu.memory_space<semaphore_mem>> -> memref<1x!tpu.dma_semaphore, #tpu.memory_space<semaphore_mem>>
      %dma_wait3A_587 = tpu.memref_squeeze %dma_wait3A_586 : memref<1x!tpu.dma_semaphore, #tpu.memory_space<semaphore_mem>> -> memref<!tpu.dma_semaphore, #tpu.memory_space<semaphore_mem>>
      tpu.wait_indirect_dma semaphore(%dma_wait3A_587 : memref<!tpu.dma_semaphore, #tpu.memory_space<semaphore_mem>>) src(%dma_wait3A_579 : memref<128x32xf32, #tpu.memory_space<vmem>>) dst(%dma_wait3A_585 : memref<10240x32xf32, #tpu.memory_space<vmem_shared>>)
      %lt3A_588 = arith.constant 9 : i32
      %lt3A_589 = arith.cmpi slt, %scan3A_155, %lt3A_588 : i32
      %convert_element_type3A_590 = arith.extui %lt3A_589 : i1 to i32
      %cond3A_591 = arith.constant 0 : i32
      %cond3A_592 = arith.cmpi ne, %convert_element_type3A_590, %cond3A_591 : i32
      scf.if %cond3A_592 {
        %add3A_594 = arith.constant 8 : i32
        %add3A_595 = arith.addi %add3A_573, %add3A_594 : i32
        %dma_start3A_596 = arith.constant 7 : i32
        %dma_start3A_597 = arith.constant 7 : i32
        %dma_start3A_598 = arith.constant 0 : i32
        %dma_start3A_599 = arith.constant 0 : i32
        %dma_start3A_600 = tpu.memref_slice %arg8[%dma_start3A_596, %dma_start3A_598, %dma_start3A_599] : memref<8x128x32xf32, #tpu.memory_space<vmem>> -> memref<1x128x32xf32, #tpu.memory_space<vmem>>
        %dma_start3A_601 = tpu.memref_squeeze %dma_start3A_600 : memref<1x128x32xf32, #tpu.memory_space<vmem>> -> memref<128x32xf32, #tpu.memory_space<vmem>>
        %dma_start3A_602 = arith.constant 0 : i32
        %dma_start3A_603 = tpu.memref_slice %arg6[%add3A_595, %dma_start3A_602] : memref<80x128xi32, #tpu.memory_space<vmem>> -> memref<1x128xi32, #tpu.memory_space<vmem>>
        %dma_start3A_604 = tpu.memref_squeeze %dma_start3A_603 : memref<1x128xi32, #tpu.memory_space<vmem>> -> memref<128xi32, #tpu.memory_space<vmem>>
        %dma_start3A_605 = arith.constant 0 : i32
        %dma_start3A_606 = arith.constant 0 : i32
        %dma_start3A_607 = tpu.memref_slice %arg2[%dma_start3A_605, %dma_start3A_606] : memref<10240x32xf32, #tpu.memory_space<hbm>> -> memref<10240x32xf32, #tpu.memory_space<hbm>>
        %dma_start3A_608 = tpu.memref_slice %arg11[%dma_start3A_597] : memref<8x!tpu.dma_semaphore, #tpu.memory_space<semaphore_mem>> -> memref<1x!tpu.dma_semaphore, #tpu.memory_space<semaphore_mem>>
        %dma_start3A_609 = tpu.memref_squeeze %dma_start3A_608 : memref<1x!tpu.dma_semaphore, #tpu.memory_space<semaphore_mem>> -> memref<!tpu.dma_semaphore, #tpu.memory_space<semaphore_mem>>
        tpu.enqueue_indirect_dma source(%dma_start3A_607 : memref<10240x32xf32, #tpu.memory_space<hbm>>) target(%dma_start3A_601 : memref<128x32xf32, #tpu.memory_space<vmem>>) offsets(%dma_start3A_604 : memref<128xi32, #tpu.memory_space<vmem>>) semaphore(%dma_start3A_609 : memref<!tpu.dma_semaphore, #tpu.memory_space<semaphore_mem>>)
      } else {
      }
      %scan3A_593 = arith.constant 0 : i32
      scf.yield %scan3A_593 : i32
    }
    %scan3A_149 = arith.constant 10 : i32
    %barrier3A_150 = arith.constant 0 : index
    tpu.barrier barrier_id(%barrier3A_150)
    %mul3A_151 = arith.constant 640 : i32
    %mul3A_152 = arith.muli %arg1, %mul3A_151 : i32
    %mul3A_153 = arith.constant 640 : i32
    %mul3A_154 = arith.muli %arg1, %mul3A_153 : i32
    "tpu.region"() ({
      %run_scoped3A = tpu.sem_alloc : memref<!tpu.dma_semaphore, #tpu.memory_space<semaphore_mem>>
      %dma_start3A_155 = arith.constant 0 : i32
      %dma_start3A_156 = tpu.memref_slice %arg5[%arg0, %mul3A_154, %dma_start3A_155] : memref<2x10240x32xf32, #tpu.memory_space<hbm>> -> memref<1x640x32xf32, #tpu.memory_space<hbm>>
      %dma_start3A_157 = tpu.memref_squeeze %dma_start3A_156 : memref<1x640x32xf32, #tpu.memory_space<hbm>> -> memref<640x32xf32, #tpu.memory_space<hbm>>
      %dma_start3A_158 = arith.constant 0 : i32
      %dma_start3A_159 = tpu.memref_slice %arg10[%mul3A_152, %dma_start3A_158] : memref<10240x32xf32, #tpu.memory_space<vmem_shared>> -> memref<640x32xf32, #tpu.memory_space<vmem_shared>>
      tpu.enqueue_dma source(%dma_start3A_159 : memref<640x32xf32, #tpu.memory_space<vmem_shared>>) target(%dma_start3A_157 : memref<640x32xf32, #tpu.memory_space<hbm>>) target_semaphore(%run_scoped3A : memref<!tpu.dma_semaphore, #tpu.memory_space<semaphore_mem>>)
      %dma_wait3A = arith.constant 0 : i32
      %dma_wait3A_160 = tpu.memref_slice %arg5[%arg0, %mul3A_154, %dma_wait3A] : memref<2x10240x32xf32, #tpu.memory_space<hbm>> -> memref<1x640x32xf32, #tpu.memory_space<hbm>>
      %dma_wait3A_161 = tpu.memref_squeeze %dma_wait3A_160 : memref<1x640x32xf32, #tpu.memory_space<hbm>> -> memref<640x32xf32, #tpu.memory_space<hbm>>
      %dma_wait3A_162 = arith.constant 0 : i32
      %dma_wait3A_163 = tpu.memref_slice %arg10[%mul3A_152, %dma_wait3A_162] : memref<10240x32xf32, #tpu.memory_space<vmem_shared>> -> memref<640x32xf32, #tpu.memory_space<vmem_shared>>
      tpu.wait_dma2 semaphore(%run_scoped3A : memref<!tpu.dma_semaphore, #tpu.memory_space<semaphore_mem>>) src(%dma_wait3A_163 : memref<640x32xf32, #tpu.memory_space<vmem_shared>>) dst(%dma_wait3A_161 : memref<640x32xf32, #tpu.memory_space<hbm>>)
      tpu.yield
    }) : () -> ()
    return
  }
}

#map = affine_map<(d0, d1) -> (0, 0, 0, 0)>
#map1 = affine_map<(d0, d1) -> (0, 0)>
module attributes {stable_mosaic.version = 14 : i64} {
  func.func @_deg_body(%arg0: i32, %arg1: i32, %arg2: memref<2x16x80x128xi32, #tpu.memory_space<hbm>>, %arg3: memref<2x10240xf32, #tpu.memory_space<hbm>>, %arg4: memref<80x128xi32, #tpu.memory_space<vmem>>, %arg5: memref<128xf32, #tpu.memory_space<vmem>>, %arg6: memref<640xf32, #tpu.memory_space<vmem>>, %arg7: memref<10240xf32, #tpu.memory_space<vmem_shared>>) attributes {dimension_semantics = [#tpu.dimension_semantics<core_parallel>, #tpu.dimension_semantics<subcore_parallel>], iteration_bounds = array<i64: 2, 16>, scalar_prefetch = 0 : i64, scratch_operands = 4 : i64, tpu.core_type = #tpu.core_type<sc_vector_subcore>, window_params = [{transform_indices = #map}, {transform_indices = #map1}]} {
    %scan3A = arith.constant 0 : i32
    %scan3A_0 = arith.constant 0 : i32
    %scan3A_1 = arith.constant 8 : i32
    %scan3A_2 = arith.addi %scan3A_0, %scan3A_1 : i32
    %scan3A_3 = arith.constant 1 : i32
    %scan3A_4 = scf.for %scan3A_26 = %scan3A_0 to %scan3A_2 step %scan3A_3 iter_args(%scan3A_27 = %scan3A) -> (i32)  : i32 {
      %broadcast_in_dim3A = arith.constant 1.000000e+00 : f32
      %broadcast_in_dim3A_28 = vector.broadcast %broadcast_in_dim3A : f32 to vector<16xf32>
      %mul3A_29 = arith.constant 16 : i32
      %mul3A_30 = arith.muli %scan3A_26, %mul3A_29 : i32
      %swap3A = arith.index_cast %mul3A_30 : i32 to index
      %swap3A_31 = tpu.vector_load %arg5[%swap3A] {strides = array<i32>} : memref<128xf32, #tpu.memory_space<vmem>>, vector<16xf32>,
      %swap3A_32 = vector.shape_cast %swap3A_31 : vector<16xf32> to vector<16xf32>
      %swap3A_33 = vector.shape_cast %broadcast_in_dim3A_28 : vector<16xf32> to vector<16xf32>
      tpu.vector_store %arg5[%swap3A], %swap3A_33 {strides = array<i32>} : memref<128xf32, #tpu.memory_space<vmem>>, vector<16xf32>,
      %scan3A_34 = arith.constant 0 : i32
      scf.yield %scan3A_34 : i32
    }
    %scan3A_5 = arith.constant 8 : i32
    %scan3A_6 = arith.constant 0 : i32
    %scan3A_7 = arith.constant 0 : i32
    %scan3A_8 = arith.constant 40 : i32
    %scan3A_9 = arith.addi %scan3A_7, %scan3A_8 : i32
    %scan3A_10 = arith.constant 1 : i32
    %scan3A_11 = scf.for %scan3A_26 = %scan3A_7 to %scan3A_9 step %scan3A_10 iter_args(%scan3A_27 = %scan3A_6) -> (i32)  : i32 {
      %broadcast_in_dim3A = arith.constant 0.000000e+00 : f32
      %broadcast_in_dim3A_28 = vector.broadcast %broadcast_in_dim3A : f32 to vector<16xf32>
      %mul3A_29 = arith.constant 16 : i32
      %mul3A_30 = arith.muli %scan3A_26, %mul3A_29 : i32
      %swap3A = arith.index_cast %mul3A_30 : i32 to index
      %swap3A_31 = tpu.vector_load %arg6[%swap3A] {strides = array<i32>} : memref<640xf32, #tpu.memory_space<vmem>>, vector<16xf32>,
      %swap3A_32 = vector.shape_cast %swap3A_31 : vector<16xf32> to vector<16xf32>
      %swap3A_33 = vector.shape_cast %broadcast_in_dim3A_28 : vector<16xf32> to vector<16xf32>
      tpu.vector_store %arg6[%swap3A], %swap3A_33 {strides = array<i32>} : memref<640xf32, #tpu.memory_space<vmem>>, vector<16xf32>,
      %scan3A_34 = arith.constant 0 : i32
      scf.yield %scan3A_34 : i32
    }
    %scan3A_12 = arith.constant 40 : i32
    %mul3A = arith.constant 640 : i32
    %mul3A_13 = arith.muli %arg1, %mul3A : i32
    "tpu.region"() ({
      %run_scoped3A = tpu.sem_alloc : memref<!tpu.dma_semaphore, #tpu.memory_space<semaphore_mem>>
      %dma_start3A = tpu.memref_slice %arg7[%mul3A_13] : memref<10240xf32, #tpu.memory_space<vmem_shared>> -> memref<640xf32, #tpu.memory_space<vmem_shared>>
      %dma_start3A_26 = tpu.memref_slice %arg7[%mul3A_13] : memref<10240xf32, #tpu.memory_space<vmem_shared>> -> memref<640xf32, #tpu.memory_space<vmem_shared>>
      tpu.enqueue_dma source(%arg6 : memref<640xf32, #tpu.memory_space<vmem>>) target(%dma_start3A_26 : memref<640xf32, #tpu.memory_space<vmem_shared>>) target_semaphore(%run_scoped3A : memref<!tpu.dma_semaphore, #tpu.memory_space<semaphore_mem>>)
      %dma_wait3A = tpu.memref_slice %arg7[%mul3A_13] : memref<10240xf32, #tpu.memory_space<vmem_shared>> -> memref<640xf32, #tpu.memory_space<vmem_shared>>
      %dma_wait3A_27 = tpu.memref_slice %arg7[%mul3A_13] : memref<10240xf32, #tpu.memory_space<vmem_shared>> -> memref<640xf32, #tpu.memory_space<vmem_shared>>
      tpu.wait_dma2 semaphore(%run_scoped3A : memref<!tpu.dma_semaphore, #tpu.memory_space<semaphore_mem>>) src(%arg6 : memref<640xf32, #tpu.memory_space<vmem>>) dst(%dma_wait3A_27 : memref<640xf32, #tpu.memory_space<vmem_shared>>)
      tpu.yield
    }) : () -> ()
    "tpu.region"() ({
      %run_scoped3A = tpu.sem_alloc : memref<!tpu.dma_semaphore, #tpu.memory_space<semaphore_mem>>
      %dma_start3A = arith.constant 0 : i32
      %dma_start3A_26 = arith.constant 0 : i32
      %dma_start3A_27 = tpu.memref_slice %arg2[%arg0, %arg1, %dma_start3A, %dma_start3A_26] : memref<2x16x80x128xi32, #tpu.memory_space<hbm>> -> memref<1x1x80x128xi32, #tpu.memory_space<hbm>>
      %dma_start3A_28 = tpu.memref_squeeze %dma_start3A_27 : memref<1x1x80x128xi32, #tpu.memory_space<hbm>> -> memref<80x128xi32, #tpu.memory_space<hbm>>
      %dma_start3A_29 = arith.constant 0 : i32
      %dma_start3A_30 = arith.constant 0 : i32
      %dma_start3A_31 = tpu.memref_slice %arg2[%arg0, %arg1, %dma_start3A_29, %dma_start3A_30] : memref<2x16x80x128xi32, #tpu.memory_space<hbm>> -> memref<1x1x80x128xi32, #tpu.memory_space<hbm>>
      %dma_start3A_32 = tpu.memref_squeeze %dma_start3A_31 : memref<1x1x80x128xi32, #tpu.memory_space<hbm>> -> memref<80x128xi32, #tpu.memory_space<hbm>>
      tpu.enqueue_dma source(%dma_start3A_32 : memref<80x128xi32, #tpu.memory_space<hbm>>) target(%arg4 : memref<80x128xi32, #tpu.memory_space<vmem>>) target_semaphore(%run_scoped3A : memref<!tpu.dma_semaphore, #tpu.memory_space<semaphore_mem>>)
      %dma_wait3A = arith.constant 0 : i32
      %dma_wait3A_33 = arith.constant 0 : i32
      %dma_wait3A_34 = tpu.memref_slice %arg2[%arg0, %arg1, %dma_wait3A, %dma_wait3A_33] : memref<2x16x80x128xi32, #tpu.memory_space<hbm>> -> memref<1x1x80x128xi32, #tpu.memory_space<hbm>>
      %dma_wait3A_35 = tpu.memref_squeeze %dma_wait3A_34 : memref<1x1x80x128xi32, #tpu.memory_space<hbm>> -> memref<80x128xi32, #tpu.memory_space<hbm>>
      %dma_wait3A_36 = arith.constant 0 : i32
      %dma_wait3A_37 = arith.constant 0 : i32
      %dma_wait3A_38 = tpu.memref_slice %arg2[%arg0, %arg1, %dma_wait3A_36, %dma_wait3A_37] : memref<2x16x80x128xi32, #tpu.memory_space<hbm>> -> memref<1x1x80x128xi32, #tpu.memory_space<hbm>>
      %dma_wait3A_39 = tpu.memref_squeeze %dma_wait3A_38 : memref<1x1x80x128xi32, #tpu.memory_space<hbm>> -> memref<80x128xi32, #tpu.memory_space<hbm>>
      tpu.wait_dma2 semaphore(%run_scoped3A : memref<!tpu.dma_semaphore, #tpu.memory_space<semaphore_mem>>) src(%dma_wait3A_39 : memref<80x128xi32, #tpu.memory_space<hbm>>) dst(%arg4 : memref<80x128xi32, #tpu.memory_space<vmem>>)
      tpu.yield
    }) : () -> ()
    %barrier3A = arith.constant 0 : index
    tpu.barrier barrier_id(%barrier3A)
    %scan3A_14 = arith.constant 0 : i32
    %scan3A_15 = arith.constant 0 : i32
    %scan3A_16 = arith.constant 80 : i32
    %scan3A_17 = arith.addi %scan3A_15, %scan3A_16 : i32
    %scan3A_18 = arith.constant 1 : i32
    %scan3A_19 = scf.for %scan3A_26 = %scan3A_15 to %scan3A_17 step %scan3A_18 iter_args(%scan3A_27 = %scan3A_14) -> (i32)  : i32 {
      "tpu.region"() ({
        %run_scoped3A = tpu.sem_alloc : memref<!tpu.dma_semaphore, #tpu.memory_space<semaphore_mem>>
        %dma_start3A = arith.constant 0 : i32
        %dma_start3A_29 = tpu.memref_slice %arg4[%scan3A_26, %dma_start3A] : memref<80x128xi32, #tpu.memory_space<vmem>> -> memref<1x128xi32, #tpu.memory_space<vmem>>
        %dma_start3A_30 = tpu.memref_squeeze %dma_start3A_29 : memref<1x128xi32, #tpu.memory_space<vmem>> -> memref<128xi32, #tpu.memory_space<vmem>>
        %dma_start3A_31 = arith.constant 0 : i32
        %dma_start3A_32 = tpu.memref_slice %arg7[%dma_start3A_31] : memref<10240xf32, #tpu.memory_space<vmem_shared>> -> memref<10240xf32, #tpu.memory_space<vmem_shared>>
        tpu.enqueue_indirect_dma source(%arg5 : memref<128xf32, #tpu.memory_space<vmem>>) target(%dma_start3A_32 : memref<10240xf32, #tpu.memory_space<vmem_shared>>) offsets(%dma_start3A_30 : memref<128xi32, #tpu.memory_space<vmem>>) semaphore(%run_scoped3A : memref<!tpu.dma_semaphore, #tpu.memory_space<semaphore_mem>>) {add = true}
        %dma_wait3A = arith.constant 0 : i32
        %dma_wait3A_33 = tpu.memref_slice %arg4[%scan3A_26, %dma_wait3A] : memref<80x128xi32, #tpu.memory_space<vmem>> -> memref<1x128xi32, #tpu.memory_space<vmem>>
        %dma_wait3A_34 = tpu.memref_squeeze %dma_wait3A_33 : memref<1x128xi32, #tpu.memory_space<vmem>> -> memref<128xi32, #tpu.memory_space<vmem>>
        %dma_wait3A_35 = arith.constant 0 : i32
        %dma_wait3A_36 = tpu.memref_slice %arg7[%dma_wait3A_35] : memref<10240xf32, #tpu.memory_space<vmem_shared>> -> memref<10240xf32, #tpu.memory_space<vmem_shared>>
        tpu.wait_indirect_dma semaphore(%run_scoped3A : memref<!tpu.dma_semaphore, #tpu.memory_space<semaphore_mem>>) src(%arg5 : memref<128xf32, #tpu.memory_space<vmem>>) dst(%dma_wait3A_36 : memref<10240xf32, #tpu.memory_space<vmem_shared>>)
        tpu.yield
      }) : () -> ()
      %scan3A_28 = arith.constant 0 : i32
      scf.yield %scan3A_28 : i32
    }
    %scan3A_20 = arith.constant 80 : i32
    %barrier3A_21 = arith.constant 0 : index
    tpu.barrier barrier_id(%barrier3A_21)
    %mul3A_22 = arith.constant 640 : i32
    %mul3A_23 = arith.muli %arg1, %mul3A_22 : i32
    %mul3A_24 = arith.constant 640 : i32
    %mul3A_25 = arith.muli %arg1, %mul3A_24 : i32
    "tpu.region"() ({
      %run_scoped3A = tpu.sem_alloc : memref<!tpu.dma_semaphore, #tpu.memory_space<semaphore_mem>>
      %dma_start3A = tpu.memref_slice %arg3[%arg0, %mul3A_25] : memref<2x10240xf32, #tpu.memory_space<hbm>> -> memref<1x640xf32, #tpu.memory_space<hbm>>
      %dma_start3A_26 = tpu.memref_squeeze %dma_start3A : memref<1x640xf32, #tpu.memory_space<hbm>> -> memref<640xf32, #tpu.memory_space<hbm>>
      %dma_start3A_27 = tpu.memref_slice %arg7[%mul3A_23] : memref<10240xf32, #tpu.memory_space<vmem_shared>> -> memref<640xf32, #tpu.memory_space<vmem_shared>>
      tpu.enqueue_dma source(%dma_start3A_27 : memref<640xf32, #tpu.memory_space<vmem_shared>>) target(%dma_start3A_26 : memref<640xf32, #tpu.memory_space<hbm>>) target_semaphore(%run_scoped3A : memref<!tpu.dma_semaphore, #tpu.memory_space<semaphore_mem>>)
      %dma_wait3A = tpu.memref_slice %arg3[%arg0, %mul3A_25] : memref<2x10240xf32, #tpu.memory_space<hbm>> -> memref<1x640xf32, #tpu.memory_space<hbm>>
      %dma_wait3A_28 = tpu.memref_squeeze %dma_wait3A : memref<1x640xf32, #tpu.memory_space<hbm>> -> memref<640xf32, #tpu.memory_space<hbm>>
      %dma_wait3A_29 = tpu.memref_slice %arg7[%mul3A_23] : memref<10240xf32, #tpu.memory_space<vmem_shared>> -> memref<640xf32, #tpu.memory_space<vmem_shared>>
      tpu.wait_dma2 semaphore(%run_scoped3A : memref<!tpu.dma_semaphore, #tpu.memory_space<semaphore_mem>>) src(%dma_wait3A_29 : memref<640xf32, #tpu.memory_space<vmem_shared>>) dst(%dma_wait3A_28 : memref<640xf32, #tpu.memory_space<hbm>>)
      tpu.yield
    }) : () -> ()
    return
  }
}

module attributes {stable_mosaic.version = 14 : i64} {
  func.func @_mm1_body(%arg0: i32, %arg1: memref<2048x128xf32, #tpu.memory_space<vmem>>, %arg2: memref<128x64xf32, #tpu.memory_space<vmem>>, %arg3: memref<2x2048x1xf32, #tpu.memory_space<vmem>>, %arg4: memref<2048x64xf32, #tpu.memory_space<vmem>>, %arg5: memref<2048x1xf32, #tpu.memory_space<vmem>>) attributes {dimension_semantics = [#tpu.dimension_semantics<arbitrary>], iteration_bounds = array<i64: 5>, scalar_prefetch = 0 : i64, scratch_operands = 0 : i64, tpu.core_type = #tpu.core_type<tc>, window_params = [{transform_indices = @transform_0, window_bounds = array<i64: 2048, 128>}, {pipeline_mode = #tpu.pipeline_mode<synchronous>, transform_indices = @transform_1, window_bounds = array<i64: 128, 64>}, {transform_indices = @transform_2, window_bounds = array<i64: 2, 2048, 1>}, {transform_indices = @transform_3, window_bounds = array<i64: 2048, 64>}, {transform_indices = @transform_4, window_bounds = array<i64: 2048, 1>}]} {
    %get3A = arith.constant 0 : index
    %get3A_0 = arith.constant 0 : index
    %get3A_1 = arith.constant 0 : index
    %get3A_2 = vector.load %arg3[%get3A, %get3A_0, %get3A_1] : memref<2x2048x1xf32, #tpu.memory_space<vmem>>, vector<1x2048x1xf32>
    %get3A_3 = vector.shape_cast %get3A_2 : vector<1x2048x1xf32> to vector<2048x1xf32>
    %get3A_4 = arith.constant 1 : index
    %get3A_5 = arith.constant 0 : index
    %get3A_6 = arith.constant 0 : index
    %get3A_7 = vector.load %arg3[%get3A_4, %get3A_5, %get3A_6] : memref<2x2048x1xf32, #tpu.memory_space<vmem>>, vector<1x2048x1xf32>
    %get3A_8 = vector.shape_cast %get3A_7 : vector<1x2048x1xf32> to vector<2048x1xf32>
    %add3A = arith.addf %get3A_3, %get3A_8 : vector<2048x1xf32>
    %add3A_9 = arith.constant 1.000000e+00 : f32
    %add3A_10 = vector.broadcast %add3A_9 : f32 to vector<2048x1xf32>
    %add3A_11 = arith.addf %add3A, %add3A_10 : vector<2048x1xf32>
    %rsqrt3A = math.rsqrt %add3A_11 : vector<2048x1xf32>
    %get3A_12 = arith.constant 0 : index
    %get3A_13 = arith.constant 0 : index
    %get3A_14 = vector.load %arg1[%get3A_12, %get3A_13] : memref<2048x128xf32, #tpu.memory_space<vmem>>, vector<2048x128xf32>
    %get3A_15 = arith.constant 0 : index
    %get3A_16 = arith.constant 0 : index
    %get3A_17 = vector.load %arg2[%get3A_15, %get3A_16] : memref<128x64xf32, #tpu.memory_space<vmem>>, vector<128x64xf32>
    %dot_general3A = arith.constant dense<0.000000e+00> : vector<2048x64xf32>
    %dot_general3A_18 = tpu.matmul %get3A_14, %get3A_17, %dot_general3A {dimension_numbers = #tpu.dot_dimension_numbers<[1], [0], [0], [1], [0, 0, 1, 1], [], []>, transpose_lhs_hint = false} : vector<2048x128xf32>, vector<128x64xf32>, vector<2048x64xf32> -> vector<2048x64xf32>
    %mul3A = arith.constant 2048 : i32
    %mul3A_19 = arith.muli %arg0, %mul3A : i32
    %iota3A = tpu.iota {dimensions = array<i32: 0>} : vector<2048x1xi32>
    %add3A_20 = vector.broadcast %mul3A_19 : i32 to vector<2048x1xi32>
    %add3A_21 = arith.addi %add3A_20, %iota3A : vector<2048x1xi32>
    %lt3A = arith.constant 10000 : i32
    %lt3A_22 = vector.broadcast %lt3A : i32 to vector<2048x1xi32>
    %lt3A_23 = arith.cmpi slt, %add3A_21, %lt3A_22 : vector<2048x1xi32>
    %mul3A_24 = vector.broadcast %rsqrt3A : vector<2048x1xf32> to vector<2048x64xf32>
    %mul3A_25 = arith.mulf %dot_general3A_18, %mul3A_24 : vector<2048x64xf32>
    %jit3A = arith.constant 0.000000e+00 : f32
    %broadcast_in_dim3A = vector.shape_cast %lt3A_23 : vector<2048x1xi1> to vector<2048x1xi1>
    %broadcast_in_dim3A_26 = vector.broadcast %broadcast_in_dim3A : vector<2048x1xi1> to vector<2048x64xi1>
    %broadcast_in_dim3A_27 = vector.broadcast %jit3A : f32 to vector<2048x64xf32>
    %select_n3A = arith.select %broadcast_in_dim3A_26, %mul3A_25, %broadcast_in_dim3A_27 : vector<2048x64xi1>, vector<2048x64xf32>
    %swap3A = arith.constant 0 : index
    %swap3A_28 = arith.constant 0 : index
    %swap3A_29 = vector.load %arg4[%swap3A, %swap3A_28] : memref<2048x64xf32, #tpu.memory_space<vmem>>, vector<2048x64xf32>
    tpu.vector_store %arg4[%swap3A, %swap3A_28], %select_n3A {strides = array<i32>} : memref<2048x64xf32, #tpu.memory_space<vmem>>, vector<2048x64xf32>,
    %swap3A_30 = arith.constant 0 : index
    %swap3A_31 = arith.constant 0 : index
    %swap3A_32 = vector.load %arg5[%swap3A_30, %swap3A_31] : memref<2048x1xf32, #tpu.memory_space<vmem>>, vector<2048x1xf32>
    tpu.vector_store %arg5[%swap3A_30, %swap3A_31], %rsqrt3A {strides = array<i32>} : memref<2048x1xf32, #tpu.memory_space<vmem>>, vector<2048x1xf32>,
    return
  }
  func.func @transform_0(%arg0: i32) -> (i32, i32) {
    %c0_i32 = arith.constant 0 : i32
    %c0_i32_0 = arith.constant 0 : i32
    return %arg0, %c0_i32 : i32, i32
  }
  func.func @transform_1(%arg0: i32) -> (i32, i32) {
    %c0_i32 = arith.constant 0 : i32
    %c0_i32_0 = arith.constant 0 : i32
    %c0_i32_1 = arith.constant 0 : i32
    return %c0_i32, %c0_i32_0 : i32, i32
  }
  func.func @transform_2(%arg0: i32) -> (i32, i32, i32) {
    %c0_i32 = arith.constant 0 : i32
    %c0_i32_0 = arith.constant 0 : i32
    %c0_i32_1 = arith.constant 0 : i32
    return %c0_i32, %arg0, %c0_i32_0 : i32, i32, i32
  }
  func.func @transform_3(%arg0: i32) -> (i32, i32) {
    %c0_i32 = arith.constant 0 : i32
    %c0_i32_0 = arith.constant 0 : i32
    return %arg0, %c0_i32 : i32, i32
  }
  func.func @transform_4(%arg0: i32) -> (i32, i32) {
    %c0_i32 = arith.constant 0 : i32
    %c0_i32_0 = arith.constant 0 : i32
    return %arg0, %c0_i32 : i32, i32
  }
}

module attributes {stable_mosaic.version = 14 : i64} {
  func.func @_mid_body(%arg0: i32, %arg1: memref<2x2048x64xf32, #tpu.memory_space<vmem>>, %arg2: memref<2048x64xf32, #tpu.memory_space<vmem>>, %arg3: memref<2048x1xf32, #tpu.memory_space<vmem>>, %arg4: memref<1x64xf32, #tpu.memory_space<vmem>>, %arg5: memref<64x32xf32, #tpu.memory_space<vmem>>, %arg6: memref<2048x32xf32, #tpu.memory_space<vmem>>) attributes {dimension_semantics = [#tpu.dimension_semantics<arbitrary>], iteration_bounds = array<i64: 5>, scalar_prefetch = 0 : i64, scratch_operands = 0 : i64, tpu.core_type = #tpu.core_type<tc>, window_params = [{transform_indices = @transform_0, window_bounds = array<i64: 2, 2048, 64>}, {transform_indices = @transform_1, window_bounds = array<i64: 2048, 64>}, {transform_indices = @transform_2, window_bounds = array<i64: 2048, 1>}, {pipeline_mode = #tpu.pipeline_mode<synchronous>, transform_indices = @transform_3, window_bounds = array<i64: 1, 64>}, {pipeline_mode = #tpu.pipeline_mode<synchronous>, transform_indices = @transform_4, window_bounds = array<i64: 64, 32>}, {transform_indices = @transform_5, window_bounds = array<i64: 2048, 32>}]} {
    %get3A = arith.constant 0 : index
    %get3A_0 = arith.constant 0 : index
    %get3A_1 = vector.load %arg3[%get3A, %get3A_0] : memref<2048x1xf32, #tpu.memory_space<vmem>>, vector<2048x1xf32>
    %get3A_2 = arith.constant 0 : index
    %get3A_3 = arith.constant 0 : index
    %get3A_4 = arith.constant 0 : index
    %get3A_5 = vector.load %arg1[%get3A_2, %get3A_3, %get3A_4] : memref<2x2048x64xf32, #tpu.memory_space<vmem>>, vector<1x2048x64xf32>
    %get3A_6 = vector.shape_cast %get3A_5 : vector<1x2048x64xf32> to vector<2048x64xf32>
    %get3A_7 = arith.constant 1 : index
    %get3A_8 = arith.constant 0 : index
    %get3A_9 = arith.constant 0 : index
    %get3A_10 = vector.load %arg1[%get3A_7, %get3A_8, %get3A_9] : memref<2x2048x64xf32, #tpu.memory_space<vmem>>, vector<1x2048x64xf32>
    %get3A_11 = vector.shape_cast %get3A_10 : vector<1x2048x64xf32> to vector<2048x64xf32>
    %add3A = arith.addf %get3A_6, %get3A_11 : vector<2048x64xf32>
    %get3A_12 = arith.constant 0 : index
    %get3A_13 = arith.constant 0 : index
    %get3A_14 = vector.load %arg2[%get3A_12, %get3A_13] : memref<2048x64xf32, #tpu.memory_space<vmem>>, vector<2048x64xf32>
    %add3A_15 = arith.addf %add3A, %get3A_14 : vector<2048x64xf32>
    %mul3A = vector.broadcast %get3A_1 : vector<2048x1xf32> to vector<2048x64xf32>
    %mul3A_16 = arith.mulf %add3A_15, %mul3A : vector<2048x64xf32>
    %get3A_17 = arith.constant 0 : index
    %get3A_18 = arith.constant 0 : index
    %get3A_19 = vector.load %arg4[%get3A_17, %get3A_18] : memref<1x64xf32, #tpu.memory_space<vmem>>, vector<1x64xf32>
    %add3A_20 = vector.broadcast %get3A_19 : vector<1x64xf32> to vector<2048x64xf32>
    %add3A_21 = arith.addf %mul3A_16, %add3A_20 : vector<2048x64xf32>
    %max3A = arith.constant 0.000000e+00 : f32
    %max3A_22 = vector.broadcast %max3A : f32 to vector<2048x64xf32>
    %max3A_23 = arith.maximumf %add3A_21, %max3A_22 : vector<2048x64xf32>
    %get3A_24 = arith.constant 0 : index
    %get3A_25 = arith.constant 0 : index
    %get3A_26 = vector.load %arg5[%get3A_24, %get3A_25] : memref<64x32xf32, #tpu.memory_space<vmem>>, vector<64x32xf32>
    %dot_general3A = arith.constant dense<0.000000e+00> : vector<2048x32xf32>
    %dot_general3A_27 = tpu.matmul %max3A_23, %get3A_26, %dot_general3A {dimension_numbers = #tpu.dot_dimension_numbers<[1], [0], [0], [1], [0, 0, 1, 1], [], []>, transpose_lhs_hint = false} : vector<2048x64xf32>, vector<64x32xf32>, vector<2048x32xf32> -> vector<2048x32xf32>
    %mul3A_28 = vector.broadcast %get3A_1 : vector<2048x1xf32> to vector<2048x32xf32>
    %mul3A_29 = arith.mulf %dot_general3A_27, %mul3A_28 : vector<2048x32xf32>
    %swap3A = arith.constant 0 : index
    %swap3A_30 = arith.constant 0 : index
    %swap3A_31 = vector.load %arg6[%swap3A, %swap3A_30] : memref<2048x32xf32, #tpu.memory_space<vmem>>, vector<2048x32xf32>
    tpu.vector_store %arg6[%swap3A, %swap3A_30], %mul3A_29 {strides = array<i32>} : memref<2048x32xf32, #tpu.memory_space<vmem>>, vector<2048x32xf32>,
    return
  }
  func.func @transform_0(%arg0: i32) -> (i32, i32, i32) {
    %c0_i32 = arith.constant 0 : i32
    %c0_i32_0 = arith.constant 0 : i32
    %c0_i32_1 = arith.constant 0 : i32
    return %c0_i32, %arg0, %c0_i32_0 : i32, i32, i32
  }
  func.func @transform_1(%arg0: i32) -> (i32, i32) {
    %c0_i32 = arith.constant 0 : i32
    %c0_i32_0 = arith.constant 0 : i32
    return %arg0, %c0_i32 : i32, i32
  }
  func.func @transform_2(%arg0: i32) -> (i32, i32) {
    %c0_i32 = arith.constant 0 : i32
    %c0_i32_0 = arith.constant 0 : i32
    return %arg0, %c0_i32 : i32, i32
  }
  func.func @transform_3(%arg0: i32) -> (i32, i32) {
    %c0_i32 = arith.constant 0 : i32
    %c0_i32_0 = arith.constant 0 : i32
    %c0_i32_1 = arith.constant 0 : i32
    return %c0_i32, %c0_i32_0 : i32, i32
  }
  func.func @transform_4(%arg0: i32) -> (i32, i32) {
    %c0_i32 = arith.constant 0 : i32
    %c0_i32_0 = arith.constant 0 : i32
    %c0_i32_1 = arith.constant 0 : i32
    return %c0_i32, %c0_i32_0 : i32, i32
  }
  func.func @transform_5(%arg0: i32) -> (i32, i32) {
    %c0_i32 = arith.constant 0 : i32
    %c0_i32_0 = arith.constant 0 : i32
    return %arg0, %c0_i32 : i32, i32
  }
}

module attributes {stable_mosaic.version = 14 : i64} {
  func.func @_pool_body(%arg0: i32, %arg1: memref<2x2048x32xf32, #tpu.memory_space<vmem>>, %arg2: memref<2048x32xf32, #tpu.memory_space<vmem>>, %arg3: memref<2048x1xf32, #tpu.memory_space<vmem>>, %arg4: memref<1x32xf32, #tpu.memory_space<vmem>>, %arg5: memref<2048x1xi32, #tpu.memory_space<vmem>>, %arg6: memref<64x32xf32, #tpu.memory_space<vmem>>, %arg7: memref<64x33xf32, #tpu.memory_space<vmem>>) attributes {dimension_semantics = [#tpu.dimension_semantics<arbitrary>], iteration_bounds = array<i64: 5>, scalar_prefetch = 0 : i64, scratch_operands = 1 : i64, tpu.core_type = #tpu.core_type<tc>, window_params = [{transform_indices = @transform_0, window_bounds = array<i64: 2, 2048, 32>}, {transform_indices = @transform_1, window_bounds = array<i64: 2048, 32>}, {transform_indices = @transform_2, window_bounds = array<i64: 2048, 1>}, {pipeline_mode = #tpu.pipeline_mode<synchronous>, transform_indices = @transform_3, window_bounds = array<i64: 1, 32>}, {transform_indices = @transform_4, window_bounds = array<i64: 2048, 1>}, {pipeline_mode = #tpu.pipeline_mode<synchronous>, transform_indices = @transform_5, window_bounds = array<i64: 64, 32>}]} {
    %eq3A = arith.constant 0 : i32
    %eq3A_0 = arith.cmpi eq, %arg0, %eq3A : i32
    %convert_element_type3A = arith.extui %eq3A_0 : i1 to i32
    %cond3A = arith.constant 0 : i32
    %cond3A_1 = arith.cmpi ne, %convert_element_type3A, %cond3A : i32
    scf.if %cond3A_1 {
      %broadcast_in_dim3A_45 = arith.constant 0.000000e+00 : f32
      %broadcast_in_dim3A_46 = vector.broadcast %broadcast_in_dim3A_45 : f32 to vector<64x33xf32>
      %swap3A_47 = arith.constant 0 : index
      %swap3A_48 = arith.constant 0 : index
      %swap3A_49 = vector.load %arg7[%swap3A_47, %swap3A_48] : memref<64x33xf32, #tpu.memory_space<vmem>>, vector<64x33xf32>
      tpu.vector_store %arg7[%swap3A_47, %swap3A_48], %broadcast_in_dim3A_46 {strides = array<i32>} : memref<64x33xf32, #tpu.memory_space<vmem>>, vector<64x33xf32>,
    } else {
    }
    %get3A = arith.constant 0 : index
    %get3A_2 = arith.constant 0 : index
    %get3A_3 = arith.constant 0 : index
    %get3A_4 = vector.load %arg1[%get3A, %get3A_2, %get3A_3] : memref<2x2048x32xf32, #tpu.memory_space<vmem>>, vector<1x2048x32xf32>
    %get3A_5 = vector.shape_cast %get3A_4 : vector<1x2048x32xf32> to vector<2048x32xf32>
    %get3A_6 = arith.constant 1 : index
    %get3A_7 = arith.constant 0 : index
    %get3A_8 = arith.constant 0 : index
    %get3A_9 = vector.load %arg1[%get3A_6, %get3A_7, %get3A_8] : memref<2x2048x32xf32, #tpu.memory_space<vmem>>, vector<1x2048x32xf32>
    %get3A_10 = vector.shape_cast %get3A_9 : vector<1x2048x32xf32> to vector<2048x32xf32>
    %add3A = arith.addf %get3A_5, %get3A_10 : vector<2048x32xf32>
    %get3A_11 = arith.constant 0 : index
    %get3A_12 = arith.constant 0 : index
    %get3A_13 = vector.load %arg2[%get3A_11, %get3A_12] : memref<2048x32xf32, #tpu.memory_space<vmem>>, vector<2048x32xf32>
    %add3A_14 = arith.addf %add3A, %get3A_13 : vector<2048x32xf32>
    %get3A_15 = arith.constant 0 : index
    %get3A_16 = arith.constant 0 : index
    %get3A_17 = vector.load %arg3[%get3A_15, %get3A_16] : memref<2048x1xf32, #tpu.memory_space<vmem>>, vector<2048x1xf32>
    %mul3A = vector.broadcast %get3A_17 : vector<2048x1xf32> to vector<2048x32xf32>
    %mul3A_18 = arith.mulf %add3A_14, %mul3A : vector<2048x32xf32>
    %get3A_19 = arith.constant 0 : index
    %get3A_20 = arith.constant 0 : index
    %get3A_21 = vector.load %arg4[%get3A_19, %get3A_20] : memref<1x32xf32, #tpu.memory_space<vmem>>, vector<1x32xf32>
    %add3A_22 = vector.broadcast %get3A_21 : vector<1x32xf32> to vector<2048x32xf32>
    %add3A_23 = arith.addf %mul3A_18, %add3A_22 : vector<2048x32xf32>
    %broadcast_in_dim3A = arith.constant 1.000000e+00 : f32
    %broadcast_in_dim3A_24 = vector.broadcast %broadcast_in_dim3A : f32 to vector<2048x1xf32>
    %concatenate3A = tpu.concatenate %add3A_23, %broadcast_in_dim3A_24 in 1 : vector<2048x32xf32>, vector<2048x1xf32> -> vector<2048x33xf32>
    %get3A_25 = arith.constant 0 : index
    %get3A_26 = arith.constant 0 : index
    %get3A_27 = vector.load %arg5[%get3A_25, %get3A_26] : memref<2048x1xi32, #tpu.memory_space<vmem>>, vector<2048x1xi32>
    %iota3A = tpu.iota {dimensions = array<i32: 1>} : vector<1x64xi32>
    %eq3A_28 = vector.broadcast %get3A_27 : vector<2048x1xi32> to vector<2048x64xi32>
    %eq3A_29 = vector.broadcast %iota3A : vector<1x64xi32> to vector<2048x64xi32>
    %eq3A_30 = arith.cmpi eq, %eq3A_28, %eq3A_29 : vector<2048x64xi32>
    %convert_element_type3A_31 = arith.extui %eq3A_30 : vector<2048x64xi1> to vector<2048x64xi32>
    %convert_element_type3A_32 = arith.sitofp %convert_element_type3A_31 : vector<2048x64xi32> to vector<2048x64xf32>
    %get3A_33 = arith.constant 0 : index
    %get3A_34 = arith.constant 0 : index
    %get3A_35 = vector.load %arg7[%get3A_33, %get3A_34] : memref<64x33xf32, #tpu.memory_space<vmem>>, vector<64x33xf32>
    %dot_general3A = arith.constant dense<0.000000e+00> : vector<64x33xf32>
    %dot_general3A_36 = tpu.matmul %convert_element_type3A_32, %concatenate3A, %dot_general3A {dimension_numbers = #tpu.dot_dimension_numbers<[0], [0], [1], [1], [0, 1, 1, 1], [], []>, transpose_lhs_hint = false} : vector<2048x64xf32>, vector<2048x33xf32>, vector<64x33xf32> -> vector<64x33xf32>
    %add3A_37 = arith.addf %get3A_35, %dot_general3A_36 : vector<64x33xf32>
    %swap3A = arith.constant 0 : index
    %swap3A_38 = arith.constant 0 : index
    %swap3A_39 = vector.load %arg7[%swap3A, %swap3A_38] : memref<64x33xf32, #tpu.memory_space<vmem>>, vector<64x33xf32>
    tpu.vector_store %arg7[%swap3A, %swap3A_38], %add3A_37 {strides = array<i32>} : memref<64x33xf32, #tpu.memory_space<vmem>>, vector<64x33xf32>,
    %eq3A_40 = arith.constant 4 : i32
    %eq3A_41 = arith.cmpi eq, %arg0, %eq3A_40 : i32
    %convert_element_type3A_42 = arith.extui %eq3A_41 : i1 to i32
    %cond3A_43 = arith.constant 0 : i32
    %cond3A_44 = arith.cmpi ne, %convert_element_type3A_42, %cond3A_43 : i32
    scf.if %cond3A_44 {
      %get3A_45 = arith.constant 0 : index
      %get3A_46 = arith.constant 0 : index
      %get3A_47 = vector.load %arg7[%get3A_45, %get3A_46] : memref<64x33xf32, #tpu.memory_space<vmem>>, vector<64x33xf32>
      %slice3A = vector.extract_strided_slice %get3A_47 {offsets = [0, 0], sizes = [64, 32], strides = [1, 1]} : vector<64x33xf32> to vector<64x32xf32>
      %slice3A_48 = vector.extract_strided_slice %get3A_47 {offsets = [0, 32], sizes = [64, 1], strides = [1, 1]} : vector<64x33xf32> to vector<64x1xf32>
      %max3A = arith.constant 1.000000e+00 : f32
      %max3A_49 = vector.broadcast %max3A : f32 to vector<64x1xf32>
      %max3A_50 = arith.maximumf %slice3A_48, %max3A_49 : vector<64x1xf32>
      %div3A = vector.broadcast %max3A_50 : vector<64x1xf32> to vector<64x32xf32>
      %div3A_51 = arith.divf %slice3A, %div3A : vector<64x32xf32>
      %swap3A_52 = arith.constant 0 : index
      %swap3A_53 = arith.constant 0 : index
      %swap3A_54 = vector.load %arg6[%swap3A_52, %swap3A_53] : memref<64x32xf32, #tpu.memory_space<vmem>>, vector<64x32xf32>
      tpu.vector_store %arg6[%swap3A_52, %swap3A_53], %div3A_51 {strides = array<i32>} : memref<64x32xf32, #tpu.memory_space<vmem>>, vector<64x32xf32>,
    } else {
    }
    return
  }
  func.func @transform_0(%arg0: i32) -> (i32, i32, i32) {
    %c0_i32 = arith.constant 0 : i32
    %c0_i32_0 = arith.constant 0 : i32
    %c0_i32_1 = arith.constant 0 : i32
    return %c0_i32, %arg0, %c0_i32_0 : i32, i32, i32
  }
  func.func @transform_1(%arg0: i32) -> (i32, i32) {
    %c0_i32 = arith.constant 0 : i32
    %c0_i32_0 = arith.constant 0 : i32
    return %arg0, %c0_i32 : i32, i32
  }
  func.func @transform_2(%arg0: i32) -> (i32, i32) {
    %c0_i32 = arith.constant 0 : i32
    %c0_i32_0 = arith.constant 0 : i32
    return %arg0, %c0_i32 : i32, i32
  }
  func.func @transform_3(%arg0: i32) -> (i32, i32) {
    %c0_i32 = arith.constant 0 : i32
    %c0_i32_0 = arith.constant 0 : i32
    %c0_i32_1 = arith.constant 0 : i32
    return %c0_i32, %c0_i32_0 : i32, i32
  }
  func.func @transform_4(%arg0: i32) -> (i32, i32) {
    %c0_i32 = arith.constant 0 : i32
    %c0_i32_0 = arith.constant 0 : i32
    return %arg0, %c0_i32 : i32, i32
  }
  func.func @transform_5(%arg0: i32) -> (i32, i32) {
    %c0_i32 = arith.constant 0 : i32
    %c0_i32_0 = arith.constant 0 : i32
    %c0_i32_1 = arith.constant 0 : i32
    return %c0_i32, %c0_i32_0 : i32, i32
  }
}

</mosaic_0001>

<sc_bundles>
// kernel: kernel.11.cloned.1.call-start
scs
__scs_entry_jumppad:
0x0: {  	(pc) =	sbr.rel $0x88, $3  }
0x1: {  	(tag) =	ssettag $0x0;
	lr =	simm.s32 $0x1  }
0x2: {  	[smem:$0x3F9A] =	sst lr;
	_ =	strace $0xD0000000  }
0x3: {  	_ = 	snop  }
0x4: {  	_ = 	snop  }
0x5: {  	_ = 	snop  }
0x6: {  	_ = 	snop  }
0x7: {  	_ = 	snop  }
__scs_overlays_trampoline_lowered:
0x8: {  	[smem:$0x3FA9] =	sst s0  }
0x9: {  	[smem:$0x3FAA] =	sst s1  }
0xa: {  	[smem:$0x3FAB] =	sst s2  }
0xb: {  	[smem:$0x3FAC] =	sst s3  }
0xc: {  	[smem:$0x3FAD] =	sst s4  }
0xd: {  	[smem:$0x3FAE] =	sst s5  }
0xe: {  	[smem:$0x3FAF] =	sst s6  }
0xf: {  	[smem:$0x3FB0] =	sst s7  }
0x10: {  	[smem:$0x3FB1] =	sst s8  }
0x11: {  	[smem:$0x3FB2] =	sst s9;
	s0 =	simm.s32 @!p0 $0x0  }
0x12: {  	s1 =	sld [smem:$0x3F98];
	s0 =	simm.s32 @p0 $0x1  }
0x13: {  	[smem:$0x3FB3] =	sst s0;
	s0 =	simm.s32 @!p1 $0x0  }
0x14: {  	s2 =	sld [smem:$0x3F97];
	s0 =	simm.s32 @p1 $0x1  }
0x15: {  	[smem:$0x3FB4] =	sst s0;
	s0 =	simm.s32 @!p2 $0x0  }
0x16: {  	s3 =	sld [smem:$0x3FDB];
	s0 =	simm.s32 @p2 $0x1  }
0x17: {  	s4 =	simm.s32 $0x1BF5;
	[smem:$0x3FB6] =	sst s0  }
0x18: {  	s0 =	sld [smem:$0x3F99];
	_ =	swait.ge [sflag:s4], $0x0  }
0x19: {  	s7 =	sld [smem:$0x3F9A]  }
0x1a: {  	s8 =	sadd.s32 $0xFFFFE003, lr  }
0x1b: {  	s9 =	sadd.s32 $0xFFFFFEF7, lr;
	s5 =	simm.s32 $0xFFFFFFFF;
	p2 =	slt.u32 s8, $0xFFFFF086  }
0x1c: {  	p1 =	slt.u32 s9, $0xF7A;
	s5 =	simm.s32 @!p2 $0x0  }
0x1d: {  	s5 =	simm.s32 @p1 $0x1;
	p0 =	seq.s32 s7, s2  }
0x1e: {  	s7 =	smul.u32 @!p0 $0xF7A, s2;
	p2 =	seq.s32 @!p0 s5, $0x0  }
0x1f: {  	s9 =	smul.u32 $0xF7A, s1;
	s8 =	simm.s32 @!p0 $0x1BF5;
	p2 =	por !p2, p0  }
0x20: {  	[sflag:s8] =	ssyncset.s32 @!p0 $0xFFFFF086;
	s6 =	sadd.s32 @!p0 s3, s7;
	s7 =	simm.s32 @!p0 $0x108  }
0x21: {  	s3 =	sadd.s32 s3, s9;
	s6 =	sadd.s32 @!p0 $0x88, s6;
	s7 =	simm.s32 @p2 $0x1082  }
0x22: {  	[simem:s7], [sflag:s8] =	dma.local @!p0 [hbm:s6], $0xF7A  }
0x23: {  	s9 =	sor.u32 $0xD0000000, s2;
	s6 =	simm.s32 $0x108;
	_ =	swait.ge @!p0 [sflag:s8], $0x0  }
0x24: {  	s3 =	sadd.s32 $0x88, s3;
	s6 =	simm.s32 @!p1 $0x1082;
	[sflag:s4] =	ssyncset.s32 $0xFFFFF086  }
0x25: {  	[simem:s6], [sflag:s4] =	dma.local [hbm:s3], $0xF7A  }
0x26: {  	[smem:$0x3F9A] =	sst s1;
	(tag) =	ssettag s2;
	_ =	strace s9  }
0x27: {  	s1 =	sld [smem:$0x3FAA]  }
0x28: {  	s2 =	sld [smem:$0x3FAB]  }
0x29: {  	s4 =	sld [smem:$0x3FAD]  }
0x2a: {  	p0 =	seq.s32 s5, $0x0;
	s5 =	sld [smem:$0x3FAE]  }
0x2b: {  	s6 =	sld [smem:$0x3FAF]  }
0x2c: {  	s7 =	sld [smem:$0x3FB0]  }
0x2d: {  	s3 =	simm.s32 $0x108;
	s8 =	sld [smem:$0x3FB1]  }
0x2e: {  	s3 =	simm.s32 @!p0 $0x1082;
	s9 =	sld [smem:$0x3FB2]  }
0x2f: {  	lr =	sadd.s32 s0, s3;
	s0 =	sld [smem:$0x3FA9]  }
0x30: {  	s3 =	sld [smem:$0x3FAC]  }
0x31: {  	[smem:$0x3FB5] =	sst s10  }
0x32: {  	s10 =	sld [smem:$0x3FB3];
	_ =	sdelay $0x3  }
0x33: {  	p0 =	seq.s32 s10, $0x1;
	s10 =	sld [smem:$0x3FB5];
	_ =	sdelay $0x3  }
0x34: {  	[smem:$0x3FB5] =	sst s10  }
0x35: {  	s10 =	sld [smem:$0x3FB4];
	_ =	sdelay $0x3  }
0x36: {  	p1 =	seq.s32 s10, $0x1;
	s10 =	sld [smem:$0x3FB5];
	_ =	sdelay $0x3  }
0x37: {  	[smem:$0x3FB5] =	sst s10  }
0x38: {  	s10 =	sld [smem:$0x3FB6]  }
0x39: {  	_ = 	snop;
	(pc) =	sbr.ind lr, $3  }
0x3a: {  	_ = 	snop  }
0x3b: {  	_ = 	snop  }
0x3c: {  	p2 =	seq.s32 s10, $0x1;
	s10 =	sld [smem:$0x3FB5]  }
0x3d: {  	_ =	shalt  }
0x3e: {  	_ =	shalt  }
0x3f: {  	_ =	shalt  }
0x40: {  	_ =	shalt  }
0x41: {  	_ =	shalt  }
0x42: {  	_ =	shalt  }
0x43: {  	_ =	shalt  }
0x44: {  	_ =	shalt  }
0x45: {  	_ =	shalt  }
0x46: {  	_ =	shalt  }
0x47: {  	_ =	shalt  }
0x48: {  	_ =	shalt  }
0x49: {  	_ =	shalt  }
0x4a: {  	_ =	shalt  }
0x4b: {  	_ =	shalt  }
0x4c: {  	_ =	shalt  }
0x4d: {  	_ =	shalt  }
0x4e: {  	_ =	shalt  }
0x4f: {  	_ =	shalt  }
0x50: {  	_ =	shalt  }
0x51: {  	_ =	shalt  }
0x52: {  	_ =	shalt  }
0x53: {  	_ =	shalt  }
0x54: {  	_ =	shalt  }
0x55: {  	_ =	shalt  }
0x56: {  	_ =	shalt  }
0x57: {  	_ =	shalt  }
0x58: {  	_ =	shalt  }
0x59: {  	_ =	shalt  }
0x5a: {  	_ =	shalt  }
0x5b: {  	_ =	shalt  }
0x5c: {  	_ =	shalt  }
0x5d: {  	_ =	shalt  }
0x5e: {  	_ =	shalt  }
0x5f: {  	_ =	shalt  }
0x60: {  	_ =	shalt  }
0x61: {  	_ =	shalt  }
0x62: {  	_ =	shalt  }
0x63: {  	_ =	shalt  }
0x64: {  	_ =	shalt  }
0x65: {  	_ =	shalt  }
0x66: {  	_ =	shalt  }
0x67: {  	_ =	shalt  }
0x68: {  	_ =	shalt  }
0x69: {  	_ =	shalt  }
0x6a: {  	_ =	shalt  }
0x6b: {  	_ =	shalt  }
0x6c: {  	_ =	shalt  }
0x6d: {  	_ =	shalt  }
0x6e: {  	_ =	shalt  }
0x6f: {  	_ =	shalt  }
0x70: {  	_ =	shalt  }
0x71: {  	_ =	shalt  }
0x72: {  	_ =	shalt  }
0x73: {  	_ =	shalt  }
0x74: {  	_ =	shalt  }
0x75: {  	_ =	shalt  }
0x76: {  	_ =	shalt  }
0x77: {  	_ =	shalt  }
0x78: {  	_ =	shalt  }
0x79: {  	_ =	shalt  }
0x7a: {  	_ =	shalt  }
0x7b: {  	_ =	shalt  }
0x7c: {  	_ =	shalt  }
0x7d: {  	_ =	shalt  }
0x7e: {  	_ =	shalt  }
0x7f: {  	_ =	shalt  }
0x80: {  	_ =	shalt  }
0x81: {  	_ =	shalt  }
0x82: {  	_ =	shalt  }
0x83: {  	_ =	shalt  }
0x84: {  	_ =	shalt  }
0x85: {  	_ =	shalt  }
0x86: {  	_ =	shalt  }
0x87: {  	_ =	shalt  }
.Lfunc_end0:
.L_simem_size_0:
called_computation.1_lowered:
.L_overlay_start_0:
0x88: {  	s2 =	sld [smem:$0x3FD9]  }
0x89: {  	s3 =	sld [smem:$0x3FFE];
	_ =	sdelay $0x1  }
0x8a: {  	s1 =	srdreg.scid  }
0x8b: {  	s0 =	sand.u32 $0x1, s1  }
0x8c: {  	s16 =	sshll.u32 s0, $0xA;
	s2 =	sadd.s32 s3, s2  }
0x8d: {  	s2 =	sadd.s32 s2, s16  }
0x8e: {  	[smem:$0x3FC1] =	sst s2  }
0x8f: {  	_ = 	snop  }
0x90: {  	(tm) =	ssettm $0x1  }
0x91: {  	s17 =	sld [smem:$0x3FFB];
	_ =	sdelay $0x3  }
0x92: {  	_ =	strace s17  }
0x93: {  	s2 =	sld [smem:$0x3FFC];
	_ =	sdelay $0x3  }
0x94: {  	_ =	strace s2  }
0x95: {  	s2 =	sld [smem:$0x3FFD];
	_ =	sdelay $0x3  }
0x96: {  	_ =	strace s2  }
0x97: {  	_ =	strace $0x8FFFFFFF  }
0x98: {  	s18 =	sld [smem:$0x3FDB];
	_ =	sdelay $0x1  }
0x99: {  	s19 =	simm.s32 $_scs_section_size  }
0x9a: {  	s4 =	simm.s32 $_size__tile_overlayer_lowered;
	s5 =	simm.s32 $_tile_overlayer_lowered  }
0x9b: {  	s22 =	simm.s32 $0x1BFF;
	s21 =	sshll.u32 s5, $0x1;
	s2 =	sadd.s32 s19, s18  }
0x9c: {  	s6 =	simm.s32 $0x0;
	s20 =	sshll.u32 s4, $0x1;
	s4 =	sadd.s32 s21, s2  }
0x9d: {  	[timem:s6], [sflag:s22] =	dma.local [hbm:s4], s20  }
0x9e: {  	_ =	swait.ge [sflag:s22], s20  }
0x9f: {  	s3 =	ssub.s32 $0x0, s20;
	[sflag:s22] =	ssyncset.done $0x0  }
0xa0: {  	[sflag:s22] =	ssyncadd.s32 s3;
	_ =	sdelay $0x1  }
0xa1: {  	s23 =	simm.s32 $0x1B8B  }
0xa2: {  	_ =	swait.ge [sflag:s23], $0x1  }
0xa3: {  	[sflag:s23] =	ssyncset.done $0x0  }
0xa4: {  	s25 =	simm.s32 $0x1B8E;
	s24 =	sld [smem:$0x3FFE];
	[sflag:s23] =	ssyncadd.s32 $0xFFFFFFFF  }
0xa5: {  	s26 =	simm.s32 $execute0_lowered;
	[smem:$0x3FD2] =	sst s25  }
0xa6: {  	s4 =	sshll.u32 s26, $0x1;
	_ =	strace $0x80000049;
	[dreg:$0x1] =	wrdreg $0xFFFFFFFF  }
0xa7: {  	s28 =	simm.s32 $_size_execute0_lowered;
	s2 =	sadd.s32 s2, s4;
	[dreg:$0x0] =	wrdreg $0x0  }
0xa8: {  	s4 =	sshll.u32 s28, $0x1;
	[dreg:$0x2] =	wrdreg s2  }
0xa9: {  	[dreg:$0x3] =	wrdreg s4  }
0xaa: {  	[dreg:$0x4] =	wrdreg $0xC0  }
0xab: {  	_ =	task [dreg:s6], $0x5FFFF  }
0xac: {  	[dreg:$0x1] =	wrdreg $0xFFFFFFFF  }
0xad: {  	[dreg:$0x0] =	wrdreg $0x60  }
0xae: {  	[dreg:$0x2] =	wrdreg s24  }
0xaf: {  	[dreg:$0x3] =	wrdreg $0x110000  }
0xb0: {  	[dreg:$0x4] =	wrdreg $0x9  }
0xb1: {  	_ =	task.clear_ibuf [dreg:s6], $0x5FFFF;
	_ =	strace $0x90000049  }
0xb2: {  	s29 =	simm.s32 $0x9;
	_ =	strace $0x8000004B  }
0xb3: {  	_ =	swait.ge [sflag:s29], $0x1  }
0xb4: {  	[sflag:s29] =	ssyncadd.s32 $0xFFFFFFFF  }
0xb5: {  	_ =	strace $0x9000004B  }
0xb6: {  	_ =	sfence  }
0xb7: {  	s30 =	sld [smem:$0x0];
	_ =	sdelay $0x2  }
0xb8: {  	s31 =	sshll.u32 s1, $0xD;
	s1 =	sshrl.u32 s1, $0x2  }
0xb9: {  	s3 =	sand.u32 $0x4000, s31;
	s1 =	sadd.s32 s1, s30  }
0xba: {  	s0 =	sor.u32 s3, s0;
	s1 =	sshll.u32 s1, $0x11  }
0xbb: {  	s0 =	sor.u32 s1, s0  }
0xbc: {  	s0 =	sadd.s32 $0x8F2B, s0  }
0xbd: {  	[sflag:s0] =	ssyncadd.remote.s32 $0x1  }
0xbe: {  	_ =	sfence.sel $0xFFFF  }
0xbf: {  	[dreg:$0x0] =	wrdreg $0xFFFFFFFF;
	(pc) =	sbr.abs _section_cstart, $3  }
0xc0: {  	[dreg:$0x1] =	wrdreg $0xFFFFFFFF  }
0xc1: {  	_ =	task.clear_ibuf [dreg:s6], $0x2FFFF;
	_ =	strace $0x9FFFFFFF  }
0xc2: {  	(tm) =	ssettm $0x7FFFFFFF  }
0xc3: {  	_ =	shalt  }
tec
execute0_lowered:
.L_overlay_start_1:
0x0: {  	(tag) =	ssettag $0x1  }
0x1: {  	s0 =	rddreg [dreg:$0x0]  }
0x2: {  	s1 =	srdreg.scid;
	s2 =	rddreg [dreg:$0x1]  }
0x3: {  	s8 =	stileid.u32;
	s3 =	simm.s32 $0x0;
	s14 =	simm.s32 $0xF000  }
0x4: {  	s15 =	simm.s32 $0xB;
	s17 =	simm.s32 $0x80;
	s18 =	simm.s32 $0x5000  }
0x5: {  	s19 =	simm.s32 $0x7000;
	s21 =	simm.s32 $0x9000;
	s28 =	simm.s32 $0x2  }
0x6: {  	s29 =	simm.s32 $0x3;
	s30 =	simm.s32 $0x4;
	s5 =	smul.u32 $0x2800, s8  }
0x7: {  	s31 =	simm.s32 $0x5;
	s16 =	simm.s32 $0x7;
	s6 =	smul.u32 $0xA000, s8  }
0x8: {  	s20 =	simm.s32 $0x9;
	s1 =	sand.u32 $0x1, s1;
	s8 =	smul.u32 $0x28000, s8  }
0x9: {  	s22 =	simm.s32 $0xA;
	[smem:$0x7FF] =	sst s3;
	s4 =	smul.u32 $0x28000, s1  }
0xa: {  	_ =	strace $0x8000004A;
	s7 =	smul.u32 $0xA0000, s1;
	s1 =	ssub.s32 $0x2, s1  }
0xb: {  	s24 =	sshrl.u32 s1, $0x1;
	s8 =	sshrl.u32 s8, $0x2;
	s5 =	sadd.s32 s5, s4  }
0xc: {  	s4 =	sadd.s32 $0x15A00, s0;
	s23 =	sadd.s32 s6, s7;
	s9 =	sadd.s32 s8, s2  }
0xd: {  	s1 =	ssub.s32 s1, s24;
	s5 =	sshrl.u32 s5, $0x3;
	s25 =	sadd.s32 $0x2000, s9  }
0xe: {  	s26 =	sadd.s32 $0x4000, s9;
	s8 =	sadd.s32 $0x6000, s9;
	s9 =	sadd.s32 $0x8000, s9  }
0xf: {  	s13 =	smax.u32 s1, $0x1;
	s1 =	simm.s32 $0x8;
	[dreg:$0x3] =	wrdreg s25  }
0x10: {  	s11 =	sadd.s32 s5, s0;
	s5 =	sshrl.u32 s23, $0x3;
	[dreg:$0x4] =	wrdreg s26  }
0x11: {  	s23 =	simm.s32 $0xB000;
	s25 =	simm.s32 $0xD000;
	s26 =	simm.s32 $0x1  }
0x12: {  	s0 =	sadd.s32 s5, s0;
	s5 =	sadd.s32 s6, s2;
	s10 =	sadd.s32 $0x1A00, s11  }
0x13: {  	v0 =	vimm.f32 $0.0e+00;
	s11 =	sadd.s32 $0xBA00, s11;
	s12 =	sadd.s32 $0x29A00, s0;
	s0 =	simm.s32 $0x6  }
.LBB2_1:
0x14: {  	s24 =	simm.s32 $0x100;
	s6 =	simm.s32 $0x0  }
.LBB2_2:
0x15: {  	p0 =	sne.s32 s24, $0x7F00;
	[tilespmem:s6+$0xF030] =	vst v0;
	s7 =	smov.u32 s24;
	s24 =	sadd.s32 $0x100, s24  }
.Ltmp0:
0x16: {  	[tilespmem:s6+$0xF020] =	vst v0;
	(pc) =	sbr.rel @p0 .LBB2_2-.Ltmp0, $3  }
0x17: {  	[tilespmem:s6+$0xF000] =	vst v0  }
0x18: {  	[tilespmem:s6+$0xF010] =	vst v0;
	_ =	sdelay $0x1  }
0x19: {  	s6 =	sshra.s32 s7, $0x2  }
0x1a: {  	[tilespmem:s6+$0xF030] =	vst v0  }
0x1b: {  	[tilespmem:s6+$0xF020] =	vst v0  }
0x1c: {  	[tilespmem:s6+$0xF000] =	vst v0  }
0x1d: {  	[tilespmem:s6+$0xF010] =	vst v0  }
0x1e: {  	[spmem:s5] =	stream.linear.scatter [tilespmem:s14], [sflag:$0xB], $0x2000, $0x38;
	[tilespmem:$0x1B000] =	vst v63  }
0x1f: {  	_ =	swait.ge [sflag:s15], $0x2000  }
0x20: {  	[sflag:s15] =	ssyncset.done $0x0  }
0x21: {  	s24 =	rddreg [dreg:$0x3];
	[sflag:s15] =	ssyncadd.s32 $0xFFFFE000  }
0x22: {  	[spmem:s24] =	stream.linear.scatter [tilespmem:s14], [sflag:$0xB], $0x2000, $0x38;
	[tilespmem:$0x1B000] =	vst v63  }
0x23: {  	_ =	swait.ge [sflag:s15], $0x2000  }
0x24: {  	[sflag:s15] =	ssyncset.done $0x0  }
0x25: {  	s7 =	rddreg [dreg:$0x4];
	[sflag:s15] =	ssyncadd.s32 $0xFFFFE000  }
0x26: {  	[spmem:s7] =	stream.linear.scatter [tilespmem:s14], [sflag:$0xB], $0x2000, $0x38;
	[tilespmem:$0x1B000] =	vst v63  }
0x27: {  	_ =	swait.ge [sflag:s15], $0x2000  }
0x28: {  	[sflag:s15] =	ssyncset.done $0x0  }
0x29: {  	[sflag:s15] =	ssyncadd.s32 $0xFFFFE000  }
0x2a: {  	[spmem:s8] =	stream.linear.scatter [tilespmem:s14], [sflag:$0xB], $0x2000, $0x38;
	[tilespmem:$0x1B000] =	vst v63  }
0x2b: {  	_ =	swait.ge [sflag:s15], $0x2000  }
0x2c: {  	[sflag:s15] =	ssyncset.done $0x0  }
0x2d: {  	[sflag:s15] =	ssyncadd.s32 $0xFFFFE000  }
0x2e: {  	[spmem:s9] =	stream.linear.scatter [tilespmem:s14], [sflag:$0xB], $0x2000, $0x38;
	[tilespmem:$0x1B000] =	vst v63  }
0x2f: {  	_ =	swait.ge [sflag:s15], $0x2000  }
0x30: {  	[sflag:s15] =	ssyncset.done $0x0  }
0x31: {  	s24 =	simm.s32 $0x0;
	[sflag:s15] =	ssyncadd.s32 $0xFFFFE000  }
0x32: {  	[tilespmem:s24], [sflag:$0xB] =	stream.linear.gather [hbm4b:s10+s24], $0x2800, $0x38;
	[tilespmem:$0x1B000] =	vst v63  }
0x33: {  	_ =	swait.ge [sflag:s15], $0x2800  }
0x34: {  	[sflag:s15] =	ssyncset.done $0x0  }
0x35: {  	s7 =	simm.s32 $0x2800;
	[sflag:s15] =	ssyncadd.s32 $0xFFFFD800  }
0x36: {  	[tilespmem:s7], [sflag:$0xB] =	stream.linear.gather [hbm4b:s11+s24], $0x2800, $0x38;
	[tilespmem:$0x1B000] =	vst v63  }
0x37: {  	_ =	swait.ge [sflag:s15], $0x2800  }
0x38: {  	[sflag:s15] =	ssyncset.done $0x0  }
0x39: {  	[sflag:s15] =	ssyncadd.s32 $0xFFFFD800  }
0x3a: {  	[bflag:$0x0] =	sbarrier.arrive $0xFFFF  }
0x3b: {  	[tilespmem:s18], [sflag:$0x1] =	stream.indirect.gather [hbm4b:s4+s17], $0x40, s24, s17, $0xb8;
	[tilespmem:$0x1B000] =	vst v63  }
0x3c: {  	_ = 	snop  }
0x3d: {  	[tilespmem:s19], [sflag:$0x2] =	stream.indirect.gather [hbm4b:s4+s17], $0x40, s17, s17, $0xb8;
	[tilespmem:$0x1B000] =	vst v63  }
0x3e: {  	s7 =	simm.s32 $0x100  }
0x3f: {  	[tilespmem:s21], [sflag:$0x3] =	stream.indirect.gather [hbm4b:s4+s17], $0x40, s7, s17, $0xb8;
	[tilespmem:$0x1B000] =	vst v63  }
0x40: {  	s24 =	simm.s32 $0x180  }
0x41: {  	[tilespmem:s23], [sflag:$0x4] =	stream.indirect.gather [hbm4b:s4+s17], $0x40, s24, s17, $0xb8;
	[tilespmem:$0x1B000] =	vst v63  }
0x42: {  	s7 =	simm.s32 $0x200  }
0x43: {  	[tilespmem:s25], [sflag:$0x5] =	stream.indirect.gather [hbm4b:s4+s17], $0x40, s7, s17, $0xb8;
	[tilespmem:$0x1B000] =	vst v63  }
0x44: {  	_ =	swait.ge [sflag:s26], $0x2000  }
0x45: {  	[sflag:s26] =	ssyncset.done $0x0  }
0x46: {  	s24 =	simm.s32 $0x2800;
	[sflag:s26] =	ssyncadd.s32 $0xFFFFE000  }
0x47: {  	[spmem:s2] =	stream.indirect.scatter.add.f32 [tilespmem:s18], [sflag:$0x6], $0x40, s24, s17, $0xb8;
	[tilespmem:$0x1B000] =	vst v63  }
0x48: {  	_ =	swait.ge [sflag:s28], $0x2000  }
0x49: {  	[sflag:s28] =	ssyncset.done $0x0  }
0x4a: {  	s7 =	simm.s32 $0x2880;
	[sflag:s28] =	ssyncadd.s32 $0xFFFFE000  }
0x4b: {  	[spmem:s2] =	stream.indirect.scatter.add.f32 [tilespmem:s19], [sflag:$0x7], $0x40, s7, s17, $0xb8;
	[tilespmem:$0x1B000] =	vst v63  }
0x4c: {  	_ =	swait.ge [sflag:s29], $0x2000  }
0x4d: {  	[sflag:s29] =	ssyncset.done $0x0  }
0x4e: {  	s24 =	simm.s32 $0x2900;
	[sflag:s29] =	ssyncadd.s32 $0xFFFFE000  }
0x4f: {  	[spmem:s2] =	stream.indirect.scatter.add.f32 [tilespmem:s21], [sflag:$0x8], $0x40, s24, s17, $0xb8;
	[tilespmem:$0x1B000] =	vst v63  }
0x50: {  	_ =	swait.ge [sflag:s30], $0x2000  }
0x51: {  	[sflag:s30] =	ssyncset.done $0x0  }
0x52: {  	s7 =	simm.s32 $0x2980;
	[sflag:s30] =	ssyncadd.s32 $0xFFFFE000  }
0x53: {  	[spmem:s2] =	stream.indirect.scatter.add.f32 [tilespmem:s23], [sflag:$0x9], $0x40, s7, s17, $0xb8;
	[tilespmem:$0x1B000] =	vst v63  }
0x54: {  	_ =	swait.ge [sflag:s31], $0x2000  }
0x55: {  	[sflag:s31] =	ssyncset.done $0x0  }
0x56: {  	s24 =	simm.s32 $0x2A00;
	[sflag:s31] =	ssyncadd.s32 $0xFFFFE000  }
0x57: {  	[spmem:s2] =	stream.indirect.scatter.add.f32 [tilespmem:s25], [sflag:$0xA], $0x40, s24, s17, $0xb8;
	[tilespmem:$0x1B000] =	vst v63  }
0x58: {  	_ =	swait.ge [sflag:s0], $0x2000  }
0x59: {  	[sflag:s0] =	ssyncset.done $0x0  }
0x5a: {  	s7 =	simm.s32 $0x280;
	[sflag:s0] =	ssyncadd.s32 $0xFFFFE000  }
0x5b: {  	[tilespmem:s18], [sflag:$0x1] =	stream.indirect.gather [hbm4b:s4+s17], $0x40, s7, s17, $0xb8;
	[tilespmem:$0x1B000] =	vst v63  }
0x5c: {  	_ =	swait.ge [sflag:s16], $0x2000  }
0x5d: {  	[sflag:s16] =	ssyncset.done $0x0  }
0x5e: {  	s24 =	simm.s32 $0x300;
	[sflag:s16] =	ssyncadd.s32 $0xFFFFE000  }
0x5f: {  	[tilespmem:s19], [sflag:$0x2] =	stream.indirect.gather [hbm4b:s4+s17], $0x40, s24, s17, $0xb8;
	[tilespmem:$0x1B000] =	vst v63  }
0x60: {  	_ =	swait.ge [sflag:s1], $0x2000  }
0x61: {  	[sflag:s1] =	ssyncset.done $0x0  }
0x62: {  	s7 =	simm.s32 $0x380;
	[sflag:s1] =	ssyncadd.s32 $0xFFFFE000  }
0x63: {  	[tilespmem:s21], [sflag:$0x3] =	stream.indirect.gather [hbm4b:s4+s17], $0x40, s7, s17, $0xb8;
	[tilespmem:$0x1B000] =	vst v63  }
0x64: {  	_ =	swait.ge [sflag:s20], $0x2000  }
0x65: {  	[sflag:s20] =	ssyncset.done $0x0  }
0x66: {  	s24 =	simm.s32 $0x400;
	[sflag:s20] =	ssyncadd.s32 $0xFFFFE000  }
0x67: {  	[tilespmem:s23], [sflag:$0x4] =	stream.indirect.gather [hbm4b:s4+s17], $0x40, s24, s17, $0xb8;
	[tilespmem:$0x1B000] =	vst v63  }
0x68: {  	_ =	swait.ge [sflag:s22], $0x2000  }
0x69: {  	[sflag:s22] =	ssyncset.done $0x0  }
0x6a: {  	s6 =	simm.s32 $0x480;
	s24 =	simm.s32 $0xA00;
	[sflag:s22] =	ssyncadd.s32 $0xFFFFE000  }
.LBB2_4:
0x6b: {  	[tilespmem:s25], [sflag:$0x5] =	stream.indirect.gather [hbm4b:s4+s17], $0x40, s6, s17, $0xb8;
	[tilespmem:$0x1B000] =	vst v63  }
0x6c: {  	s6 =	smov.u32 s24  }
0x6d: {  	p0 =	sne.s32 s24, $0x8C00;
	s24 =	sadd.s32 $0xA00, s24;
	_ =	swait.ge [sflag:s26], $0x2000  }
0x6e: {  	s6 =	sshra.s32 s6, $0x2;
	[sflag:s26] =	ssyncset.done $0x0  }
0x6f: {  	s7 =	sadd.s32 $0x2800, s6;
	[sflag:s26] =	ssyncadd.s32 $0xFFFFE000  }
0x70: {  	[spmem:s2] =	stream.indirect.scatter.add.f32 [tilespmem:s18], [sflag:$0x6], $0x40, s7, s17, $0xb8;
	[tilespmem:$0x1B000] =	vst v63  }
0x71: {  	_ =	swait.ge [sflag:s28], $0x2000  }
0x72: {  	[sflag:s28] =	ssyncset.done $0x0  }
0x73: {  	s7 =	sadd.s32 $0x2880, s6;
	[sflag:s28] =	ssyncadd.s32 $0xFFFFE000  }
0x74: {  	[spmem:s2] =	stream.indirect.scatter.add.f32 [tilespmem:s19], [sflag:$0x7], $0x40, s7, s17, $0xb8;
	[tilespmem:$0x1B000] =	vst v63  }
0x75: {  	_ =	swait.ge [sflag:s29], $0x2000  }
0x76: {  	[sflag:s29] =	ssyncset.done $0x0  }
0x77: {  	s7 =	sadd.s32 $0x2900, s6;
	[sflag:s29] =	ssyncadd.s32 $0xFFFFE000  }
0x78: {  	[spmem:s2] =	stream.indirect.scatter.add.f32 [tilespmem:s21], [sflag:$0x8], $0x40, s7, s17, $0xb8;
	[tilespmem:$0x1B000] =	vst v63  }
0x79: {  	_ =	swait.ge [sflag:s30], $0x2000  }
0x7a: {  	[sflag:s30] =	ssyncset.done $0x0  }
0x7b: {  	s7 =	sadd.s32 $0x2980, s6;
	[sflag:s30] =	ssyncadd.s32 $0xFFFFE000  }
0x7c: {  	[spmem:s2] =	stream.indirect.scatter.add.f32 [tilespmem:s23], [sflag:$0x9], $0x40, s7, s17, $0xb8;
	[tilespmem:$0x1B000] =	vst v63  }
0x7d: {  	_ =	swait.ge [sflag:s31], $0x2000  }
0x7e: {  	[sflag:s31] =	ssyncset.done $0x0  }
0x7f: {  	s7 =	sadd.s32 $0x2A00, s6;
	[sflag:s31] =	ssyncadd.s32 $0xFFFFE000  }
0x80: {  	[spmem:s2] =	stream.indirect.scatter.add.f32 [tilespmem:s25], [sflag:$0xA], $0x40, s7, s17, $0xb8;
	[tilespmem:$0x1B000] =	vst v63  }
0x81: {  	_ =	swait.ge [sflag:s0], $0x2000  }
0x82: {  	[sflag:s0] =	ssyncset.done $0x0  }
0x83: {  	s7 =	sadd.s32 $0x280, s6;
	[sflag:s0] =	ssyncadd.s32 $0xFFFFE000  }
0x84: {  	[tilespmem:s18], [sflag:$0x1] =	stream.indirect.gather [hbm4b:s4+s17], $0x40, s7, s17, $0xb8;
	[tilespmem:$0x1B000] =	vst v63  }
0x85: {  	_ =	swait.ge [sflag:s16], $0x2000  }
0x86: {  	[sflag:s16] =	ssyncset.done $0x0  }
0x87: {  	s7 =	sadd.s32 $0x300, s6;
	[sflag:s16] =	ssyncadd.s32 $0xFFFFE000  }
0x88: {  	[tilespmem:s19], [sflag:$0x2] =	stream.indirect.gather [hbm4b:s4+s17], $0x40, s7, s17, $0xb8;
	[tilespmem:$0x1B000] =	vst v63  }
0x89: {  	_ =	swait.ge [sflag:s1], $0x2000  }
0x8a: {  	[sflag:s1] =	ssyncset.done $0x0  }
0x8b: {  	s7 =	sadd.s32 $0x380, s6;
	[sflag:s1] =	ssyncadd.s32 $0xFFFFE000  }
0x8c: {  	[tilespmem:s21], [sflag:$0x3] =	stream.indirect.gather [hbm4b:s4+s17], $0x40, s7, s17, $0xb8;
	[tilespmem:$0x1B000] =	vst v63  }
0x8d: {  	_ =	swait.ge [sflag:s20], $0x2000  }
0x8e: {  	[sflag:s20] =	ssyncset.done $0x0  }
.Ltmp1:
0x8f: {  	s7 =	sadd.s32 $0x400, s6;
	[sflag:s20] =	ssyncadd.s32 $0xFFFFE000;
	(pc) =	sbr.rel @p0 .LBB2_4-.Ltmp1, $4  }
0x90: {  	[tilespmem:s23], [sflag:$0x4] =	stream.indirect.gather [hbm4b:s4+s17], $0x40, s7, s17, $0xb8;
	[tilespmem:$0x1B000] =	vst v63  }
0x91: {  	_ =	swait.ge [sflag:s22], $0x2000  }
0x92: {  	[sflag:s22] =	ssyncset.done $0x0  }
0x93: {  	s6 =	sadd.s32 $0x480, s6;
	[sflag:s22] =	ssyncadd.s32 $0xFFFFE000  }
0x94: {  	[tilespmem:s25], [sflag:$0x5] =	stream.indirect.gather [hbm4b:s4+s17], $0x40, s6, s17, $0xb8;
	[tilespmem:$0x1B000] =	vst v63  }
0x95: {  	_ =	swait.ge [sflag:s26], $0x2000  }
0x96: {  	[sflag:s26] =	ssyncset.done $0x0  }
0x97: {  	s7 =	simm.s32 $0x4D80;
	[sflag:s26] =	ssyncadd.s32 $0xFFFFE000  }
0x98: {  	[spmem:s2] =	stream.indirect.scatter.add.f32 [tilespmem:s18], [sflag:$0x6], $0x40, s7, s17, $0xb8;
	[tilespmem:$0x1B000] =	vst v63  }
0x99: {  	_ =	swait.ge [sflag:s28], $0x2000  }
0x9a: {  	[sflag:s28] =	ssyncset.done $0x0  }
0x9b: {  	s24 =	simm.s32 $0x4E00;
	[sflag:s28] =	ssyncadd.s32 $0xFFFFE000  }
0x9c: {  	[spmem:s2] =	stream.indirect.scatter.add.f32 [tilespmem:s19], [sflag:$0x7], $0x40, s24, s17, $0xb8;
	[tilespmem:$0x1B000] =	vst v63  }
0x9d: {  	_ =	swait.ge [sflag:s29], $0x2000  }
0x9e: {  	[sflag:s29] =	ssyncset.done $0x0  }
0x9f: {  	s7 =	simm.s32 $0x4E80;
	[sflag:s29] =	ssyncadd.s32 $0xFFFFE000  }
0xa0: {  	[spmem:s2] =	stream.indirect.scatter.add.f32 [tilespmem:s21], [sflag:$0x8], $0x40, s7, s17, $0xb8;
	[tilespmem:$0x1B000] =	vst v63  }
0xa1: {  	_ =	swait.ge [sflag:s30], $0x2000  }
0xa2: {  	[sflag:s30] =	ssyncset.done $0x0  }
0xa3: {  	s24 =	simm.s32 $0x4F00;
	[sflag:s30] =	ssyncadd.s32 $0xFFFFE000  }
0xa4: {  	[spmem:s2] =	stream.indirect.scatter.add.f32 [tilespmem:s23], [sflag:$0x9], $0x40, s24, s17, $0xb8;
	[tilespmem:$0x1B000] =	vst v63  }
0xa5: {  	_ =	swait.ge [sflag:s31], $0x2000  }
0xa6: {  	[sflag:s31] =	ssyncset.done $0x0  }
0xa7: {  	s7 =	simm.s32 $0x4F80;
	[sflag:s31] =	ssyncadd.s32 $0xFFFFE000  }
0xa8: {  	[spmem:s2] =	stream.indirect.scatter.add.f32 [tilespmem:s25], [sflag:$0xA], $0x40, s7, s17, $0xb8;
	[tilespmem:$0x1B000] =	vst v63  }
0xa9: {  	_ =	swait.ge [sflag:s0], $0x2000  }
0xaa: {  	[sflag:s0] =	ssyncset.done $0x0  }
0xab: {  	[sflag:s0] =	ssyncadd.s32 $0xFFFFE000  }
0xac: {  	_ =	swait.ge [sflag:s16], $0x2000  }
0xad: {  	[sflag:s16] =	ssyncset.done $0x0  }
0xae: {  	[sflag:s16] =	ssyncadd.s32 $0xFFFFE000  }
0xaf: {  	_ =	swait.ge [sflag:s1], $0x2000  }
0xb0: {  	[sflag:s1] =	ssyncset.done $0x0  }
0xb1: {  	[sflag:s1] =	ssyncadd.s32 $0xFFFFE000  }
0xb2: {  	_ =	swait.ge [sflag:s20], $0x2000  }
0xb3: {  	[sflag:s20] =	ssyncset.done $0x0  }
0xb4: {  	[sflag:s20] =	ssyncadd.s32 $0xFFFFE000  }
0xb5: {  	s24 =	stileid.u32;
	_ =	swait.ge [sflag:s22], $0x2000  }
0xb6: {  	s3 =	sadd.s32 $0x1, s3;
	s6 =	sshll.u32 s24, $0x6;
	[sflag:s22] =	ssyncset.done $0x0  }
0xb7: {  	p0 =	sne.s32 s3, s13;
	s6 =	sor.u32 $0x1C0B, s6;
	[sflag:s22] =	ssyncadd.s32 $0xFFFFE000  }
.Ltmp2:
0xb8: {  	s7 =	sshrl.u32 s5, $0x3;
	[bflag:$0x0] =	sbarrier.arrive $0xFFFF;
	(pc) =	sbr.rel @p0 .LBB2_1-.Ltmp2, $4  }
0xb9: {  	[hbm:s12], [sflag:s6] =	dma.local [spmem:s7], $0x1400  }
0xba: {  	_ =	swait.ge [sflag:s15], $0x1400  }
0xbb: {  	[sflag:s15] =	ssyncset.done $0x0  }
0xbc: {  	[sflag:s15] =	ssyncadd.s32 $0xFFFFEC00  }
0xbd: {  	_ =	sfence.sel $0x180000  }
0xbe: {  	[bflag:$0x0] =	sbarrier.arrive $0xFFFF  }
0xbf: {  	_ =	strace $0x9000004A  }
0xc0: {  	s0 =	stileid.u32;
	[bflag:$0x2] =	sbarrier.arrive $0xFFFF  }
0xc1: {  	p0 =	sne.s32 s0, $0x0;
	s0 =	rddreg [dreg:$0x2]  }
0xc2: {  	s0 =	sadd.s32 @!p0 $0x100000, s0  }
0xc3: {  	[sflag:s0] =	ssyncadd.tile.s32 @!p0 $0x1;
	_ =	shalt  }
.Lfunc_end2:
_tile_overlayer_lowered:
.L_overlay_start_2:
0xc4: {  	(tag) =	ssettag $0x2  }
0xc5: {  	s0 =	rddreg [dreg:$0x0];
	s2 =	stileid.u32  }
0xc6: {  	s1 =	rddreg [dreg:$0x1];
	p0 =	sne.s32 s2, $0x0  }
0xc7: {  	s3 =	rddreg [dreg:$0x2];
	[bflag:$0x3] =	sbarrier.arrive $0xFFFF;
	s2 =	simm.s32 @!p0 $0x1C0B  }
0xc8: {  	[timem:s3], [sflag:s2] =	dma.local @!p0 [hbm:s0], s1  }
0xc9: {  	s0 =	simm.s32 @!p0 $0xB  }
0xca: {  	_ =	swait.ge @!p0 [sflag:s0], s1  }
0xcb: {  	s1 =	ssub.s32 @!p0 $0x0, s1;
	[sflag:s0] =	ssyncset.done @!p0 $0x0  }
0xcc: {  	[sflag:s0] =	ssyncadd.s32 @!p0 s1  }
0xcd: {  	[bflag:$0x3] =	sbarrier.arrive $0xFFFF  }
0xce: {  	_ =	shalt  }

// kernel: kernel.14.cloned.1.call-start
scs
__scs_entry_jumppad:
0x0: {  	(pc) =	sbr.rel $0x88, $3  }
0x1: {  	(tag) =	ssettag $0x0;
	lr =	simm.s32 $0x1  }
0x2: {  	[smem:$0x3F9A] =	sst lr;
	_ =	strace $0xD0000000  }
0x3: {  	_ = 	snop  }
0x4: {  	_ = 	snop  }
0x5: {  	_ = 	snop  }
0x6: {  	_ = 	snop  }
0x7: {  	_ = 	snop  }
__scs_overlays_trampoline_lowered:
0x8: {  	[smem:$0x3FA9] =	sst s0  }
0x9: {  	[smem:$0x3FAA] =	sst s1  }
0xa: {  	[smem:$0x3FAB] =	sst s2  }
0xb: {  	[smem:$0x3FAC] =	sst s3  }
0xc: {  	[smem:$0x3FAD] =	sst s4  }
0xd: {  	[smem:$0x3FAE] =	sst s5  }
0xe: {  	[smem:$0x3FAF] =	sst s6  }
0xf: {  	[smem:$0x3FB0] =	sst s7  }
0x10: {  	[smem:$0x3FB1] =	sst s8  }
0x11: {  	[smem:$0x3FB2] =	sst s9;
	s0 =	simm.s32 @!p0 $0x0  }
0x12: {  	s1 =	sld [smem:$0x3F98];
	s0 =	simm.s32 @p0 $0x1  }
0x13: {  	[smem:$0x3FB3] =	sst s0;
	s0 =	simm.s32 @!p1 $0x0  }
0x14: {  	s2 =	sld [smem:$0x3F97];
	s0 =	simm.s32 @p1 $0x1  }
0x15: {  	[smem:$0x3FB4] =	sst s0;
	s0 =	simm.s32 @!p2 $0x0  }
0x16: {  	s3 =	sld [smem:$0x3FDB];
	s0 =	simm.s32 @p2 $0x1  }
0x17: {  	s4 =	simm.s32 $0x1BF5;
	[smem:$0x3FB6] =	sst s0  }
0x18: {  	s0 =	sld [smem:$0x3F99];
	_ =	swait.ge [sflag:s4], $0x0  }
0x19: {  	s7 =	sld [smem:$0x3F9A]  }
0x1a: {  	s8 =	sadd.s32 $0xFFFFE003, lr  }
0x1b: {  	s9 =	sadd.s32 $0xFFFFFEF7, lr;
	s5 =	simm.s32 $0xFFFFFFFF;
	p2 =	slt.u32 s8, $0xFFFFF086  }
0x1c: {  	p1 =	slt.u32 s9, $0xF7A;
	s5 =	simm.s32 @!p2 $0x0  }
0x1d: {  	s5 =	simm.s32 @p1 $0x1;
	p0 =	seq.s32 s7, s2  }
0x1e: {  	s7 =	smul.u32 @!p0 $0xF7A, s2;
	p2 =	seq.s32 @!p0 s5, $0x0  }
0x1f: {  	s9 =	smul.u32 $0xF7A, s1;
	s8 =	simm.s32 @!p0 $0x1BF5;
	p2 =	por !p2, p0  }
0x20: {  	[sflag:s8] =	ssyncset.s32 @!p0 $0xFFFFF086;
	s6 =	sadd.s32 @!p0 s3, s7;
	s7 =	simm.s32 @!p0 $0x108  }
0x21: {  	s3 =	sadd.s32 s3, s9;
	s6 =	sadd.s32 @!p0 $0x88, s6;
	s7 =	simm.s32 @p2 $0x1082  }
0x22: {  	[simem:s7], [sflag:s8] =	dma.local @!p0 [hbm:s6], $0xF7A  }
0x23: {  	s9 =	sor.u32 $0xD0000000, s2;
	s6 =	simm.s32 $0x108;
	_ =	swait.ge @!p0 [sflag:s8], $0x0  }
0x24: {  	s3 =	sadd.s32 $0x88, s3;
	s6 =	simm.s32 @!p1 $0x1082;
	[sflag:s4] =	ssyncset.s32 $0xFFFFF086  }
0x25: {  	[simem:s6], [sflag:s4] =	dma.local [hbm:s3], $0xF7A  }
0x26: {  	[smem:$0x3F9A] =	sst s1;
	(tag) =	ssettag s2;
	_ =	strace s9  }
0x27: {  	s1 =	sld [smem:$0x3FAA]  }
0x28: {  	s2 =	sld [smem:$0x3FAB]  }
0x29: {  	s4 =	sld [smem:$0x3FAD]  }
0x2a: {  	p0 =	seq.s32 s5, $0x0;
	s5 =	sld [smem:$0x3FAE]  }
0x2b: {  	s6 =	sld [smem:$0x3FAF]  }
0x2c: {  	s7 =	sld [smem:$0x3FB0]  }
0x2d: {  	s3 =	simm.s32 $0x108;
	s8 =	sld [smem:$0x3FB1]  }
0x2e: {  	s3 =	simm.s32 @!p0 $0x1082;
	s9 =	sld [smem:$0x3FB2]  }
0x2f: {  	lr =	sadd.s32 s0, s3;
	s0 =	sld [smem:$0x3FA9]  }
0x30: {  	s3 =	sld [smem:$0x3FAC]  }
0x31: {  	[smem:$0x3FB5] =	sst s10  }
0x32: {  	s10 =	sld [smem:$0x3FB3];
	_ =	sdelay $0x3  }
0x33: {  	p0 =	seq.s32 s10, $0x1;
	s10 =	sld [smem:$0x3FB5];
	_ =	sdelay $0x3  }
0x34: {  	[smem:$0x3FB5] =	sst s10  }
0x35: {  	s10 =	sld [smem:$0x3FB4];
	_ =	sdelay $0x3  }
0x36: {  	p1 =	seq.s32 s10, $0x1;
	s10 =	sld [smem:$0x3FB5];
	_ =	sdelay $0x3  }
0x37: {  	[smem:$0x3FB5] =	sst s10  }
0x38: {  	s10 =	sld [smem:$0x3FB6]  }
0x39: {  	_ = 	snop;
	(pc) =	sbr.ind lr, $3  }
0x3a: {  	_ = 	snop  }
0x3b: {  	_ = 	snop  }
0x3c: {  	p2 =	seq.s32 s10, $0x1;
	s10 =	sld [smem:$0x3FB5]  }
0x3d: {  	_ =	shalt  }
0x3e: {  	_ =	shalt  }
0x3f: {  	_ =	shalt  }
0x40: {  	_ =	shalt  }
0x41: {  	_ =	shalt  }
0x42: {  	_ =	shalt  }
0x43: {  	_ =	shalt  }
0x44: {  	_ =	shalt  }
0x45: {  	_ =	shalt  }
0x46: {  	_ =	shalt  }
0x47: {  	_ =	shalt  }
0x48: {  	_ =	shalt  }
0x49: {  	_ =	shalt  }
0x4a: {  	_ =	shalt  }
0x4b: {  	_ =	shalt  }
0x4c: {  	_ =	shalt  }
0x4d: {  	_ =	shalt  }
0x4e: {  	_ =	shalt  }
0x4f: {  	_ =	shalt  }
0x50: {  	_ =	shalt  }
0x51: {  	_ =	shalt  }
0x52: {  	_ =	shalt  }
0x53: {  	_ =	shalt  }
0x54: {  	_ =	shalt  }
0x55: {  	_ =	shalt  }
0x56: {  	_ =	shalt  }
0x57: {  	_ =	shalt  }
0x58: {  	_ =	shalt  }
0x59: {  	_ =	shalt  }
0x5a: {  	_ =	shalt  }
0x5b: {  	_ =	shalt  }
0x5c: {  	_ =	shalt  }
0x5d: {  	_ =	shalt  }
0x5e: {  	_ =	shalt  }
0x5f: {  	_ =	shalt  }
0x60: {  	_ =	shalt  }
0x61: {  	_ =	shalt  }
0x62: {  	_ =	shalt  }
0x63: {  	_ =	shalt  }
0x64: {  	_ =	shalt  }
0x65: {  	_ =	shalt  }
0x66: {  	_ =	shalt  }
0x67: {  	_ =	shalt  }
0x68: {  	_ =	shalt  }
0x69: {  	_ =	shalt  }
0x6a: {  	_ =	shalt  }
0x6b: {  	_ =	shalt  }
0x6c: {  	_ =	shalt  }
0x6d: {  	_ =	shalt  }
0x6e: {  	_ =	shalt  }
0x6f: {  	_ =	shalt  }
0x70: {  	_ =	shalt  }
0x71: {  	_ =	shalt  }
0x72: {  	_ =	shalt  }
0x73: {  	_ =	shalt  }
0x74: {  	_ =	shalt  }
0x75: {  	_ =	shalt  }
0x76: {  	_ =	shalt  }
0x77: {  	_ =	shalt  }
0x78: {  	_ =	shalt  }
0x79: {  	_ =	shalt  }
0x7a: {  	_ =	shalt  }
0x7b: {  	_ =	shalt  }
0x7c: {  	_ =	shalt  }
0x7d: {  	_ =	shalt  }
0x7e: {  	_ =	shalt  }
0x7f: {  	_ =	shalt  }
0x80: {  	_ =	shalt  }
0x81: {  	_ =	shalt  }
0x82: {  	_ =	shalt  }
0x83: {  	_ =	shalt  }
0x84: {  	_ =	shalt  }
0x85: {  	_ =	shalt  }
0x86: {  	_ =	shalt  }
0x87: {  	_ =	shalt  }
.Lfunc_end0:
.L_simem_size_0:
called_computation.2_lowered:
.L_overlay_start_0:
0x88: {  	s2 =	sld [smem:$0x3FD9]  }
0x89: {  	s3 =	sld [smem:$0x3FFE];
	_ =	sdelay $0x1  }
0x8a: {  	s1 =	srdreg.scid  }
0x8b: {  	s0 =	sand.u32 $0x1, s1  }
0x8c: {  	s16 =	sshll.u32 s0, $0xA;
	s2 =	sadd.s32 s3, s2  }
0x8d: {  	s2 =	sadd.s32 s2, s16  }
0x8e: {  	[smem:$0x3FC1] =	sst s2  }
0x8f: {  	_ = 	snop  }
0x90: {  	(tm) =	ssettm $0x1  }
0x91: {  	s17 =	sld [smem:$0x3FFB];
	_ =	sdelay $0x3  }
0x92: {  	_ =	strace s17  }
0x93: {  	s2 =	sld [smem:$0x3FFC];
	_ =	sdelay $0x3  }
0x94: {  	_ =	strace s2  }
0x95: {  	s2 =	sld [smem:$0x3FFD];
	_ =	sdelay $0x3  }
0x96: {  	_ =	strace s2  }
0x97: {  	_ =	strace $0x8FFFFFFF  }
0x98: {  	s18 =	sld [smem:$0x3FDB];
	_ =	sdelay $0x1  }
0x99: {  	s19 =	simm.s32 $_scs_section_size  }
0x9a: {  	s4 =	simm.s32 $_size__tile_overlayer_lowered;
	s5 =	simm.s32 $_tile_overlayer_lowered  }
0x9b: {  	s22 =	simm.s32 $0x1BFF;
	s21 =	sshll.u32 s5, $0x1;
	s2 =	sadd.s32 s19, s18  }
0x9c: {  	s6 =	simm.s32 $0x0;
	s20 =	sshll.u32 s4, $0x1;
	s4 =	sadd.s32 s21, s2  }
0x9d: {  	[timem:s6], [sflag:s22] =	dma.local [hbm:s4], s20  }
0x9e: {  	_ =	swait.ge [sflag:s22], s20  }
0x9f: {  	s3 =	ssub.s32 $0x0, s20;
	[sflag:s22] =	ssyncset.done $0x0  }
0xa0: {  	[sflag:s22] =	ssyncadd.s32 s3;
	_ =	sdelay $0x1  }
0xa1: {  	s23 =	simm.s32 $0x1B8B  }
0xa2: {  	_ =	swait.ge [sflag:s23], $0x1  }
0xa3: {  	[sflag:s23] =	ssyncset.done $0x0  }
0xa4: {  	s25 =	simm.s32 $0x1B8E;
	s24 =	sld [smem:$0x3FFE];
	[sflag:s23] =	ssyncadd.s32 $0xFFFFFFFF  }
0xa5: {  	s26 =	simm.s32 $execute0_lowered;
	[smem:$0x3FD2] =	sst s25  }
0xa6: {  	s4 =	sshll.u32 s26, $0x1;
	_ =	strace $0x8000004C;
	[dreg:$0x1] =	wrdreg $0xFFFFFFFF  }
0xa7: {  	s28 =	simm.s32 $_size_execute0_lowered;
	s2 =	sadd.s32 s2, s4;
	[dreg:$0x0] =	wrdreg $0x0  }
0xa8: {  	s4 =	sshll.u32 s28, $0x1;
	[dreg:$0x2] =	wrdreg s2  }
0xa9: {  	[dreg:$0x3] =	wrdreg s4  }
0xaa: {  	[dreg:$0x4] =	wrdreg $0xC0  }
0xab: {  	_ =	task [dreg:s6], $0x5FFFF  }
0xac: {  	[dreg:$0x1] =	wrdreg $0xFFFFFFFF  }
0xad: {  	[dreg:$0x0] =	wrdreg $0x60  }
0xae: {  	[dreg:$0x2] =	wrdreg s24  }
0xaf: {  	[dreg:$0x3] =	wrdreg $0xE0000  }
0xb0: {  	[dreg:$0x4] =	wrdreg $0x9  }
0xb1: {  	_ =	task.clear_ibuf [dreg:s6], $0x5FFFF;
	_ =	strace $0x9000004C  }
0xb2: {  	s29 =	simm.s32 $0x9;
	_ =	strace $0x8000004E  }
0xb3: {  	_ =	swait.ge [sflag:s29], $0x1  }
0xb4: {  	[sflag:s29] =	ssyncadd.s32 $0xFFFFFFFF  }
0xb5: {  	_ =	strace $0x9000004E  }
0xb6: {  	_ =	sfence  }
0xb7: {  	s30 =	sld [smem:$0x0];
	_ =	sdelay $0x2  }
0xb8: {  	s31 =	sshll.u32 s1, $0xD;
	s1 =	sshrl.u32 s1, $0x2  }
0xb9: {  	s3 =	sand.u32 $0x4000, s31;
	s1 =	sadd.s32 s1, s30  }
0xba: {  	s0 =	sor.u32 s3, s0;
	s1 =	sshll.u32 s1, $0x11  }
0xbb: {  	s0 =	sor.u32 s1, s0  }
0xbc: {  	s0 =	sadd.s32 $0x8F2B, s0  }
0xbd: {  	[sflag:s0] =	ssyncadd.remote.s32 $0x1  }
0xbe: {  	_ =	sfence.sel $0xFFFF  }
0xbf: {  	[dreg:$0x0] =	wrdreg $0xFFFFFFFF;
	(pc) =	sbr.abs _section_cstart, $3  }
0xc0: {  	[dreg:$0x1] =	wrdreg $0xFFFFFFFF  }
0xc1: {  	_ =	task.clear_ibuf [dreg:s6], $0x2FFFF;
	_ =	strace $0x9FFFFFFF  }
0xc2: {  	(tm) =	ssettm $0x7FFFFFFF  }
0xc3: {  	_ =	shalt  }
tec
execute0_lowered:
.L_overlay_start_1:
0x0: {  	(tag) =	ssettag $0x1  }
0x1: {  	s0 =	srdreg.scid;
	s1 =	rddreg [dreg:$0x0]  }
0x2: {  	s3 =	stileid.u32;
	s2 =	rddreg [dreg:$0x1]  }
0x3: {  	s14 =	simm.s32 $0x0;
	s15 =	simm.s32 $0x11;
	s28 =	simm.s32 $0xA000  }
0x4: {  	s30 =	simm.s32 $0xB000;
	s29 =	simm.s32 $0x7;
	s31 =	simm.s32 $0x8  }
0x5: {  	s9 =	simm.s32 $0xC;
	s10 =	simm.s32 $0xD;
	s6 =	smul.u32 $0x2800, s3  }
0x6: {  	s11 =	simm.s32 $0xE;
	s12 =	simm.s32 $0xF;
	s7 =	smul.u32 $0x5000, s3  }
0x7: {  	s13 =	simm.s32 $0x10;
	s0 =	sand.u32 $0x1, s0;
	s17 =	smul.u32 $0x14000, s3  }
0x8: {  	[smem:$0x7FF] =	sst s14;
	s4 =	sadd.s32 $0x15A00, s1;
	s5 =	smul.u32 $0x28000, s0  }
0x9: {  	s8 =	smul.u32 $0x50000, s0;
	_ =	strace $0x8000004D;
	s0 =	ssub.s32 $0x2, s0  }
0xa: {  	s18 =	sshrl.u32 s0, $0x1;
	s19 =	sadd.s32 s7, s2;
	s5 =	sadd.s32 s6, s5  }
0xb: {  	s16 =	sadd.s32 s7, s8;
	s8 =	sshrl.u32 s17, $0x2;
	s0 =	ssub.s32 s0, s18  }
0xc: {  	[dreg:$0x4] =	wrdreg s19;
	s17 =	simm.s32 $0x80;
	s18 =	simm.s32 $0x5000  }
0xd: {  	s19 =	simm.s32 $0x6000;
	s7 =	simm.s32 $0xA;
	s5 =	sshrl.u32 s5, $0x3  }
0xe: {  	s6 =	sshrl.u32 s16, $0x3;
	s20 =	sadd.s32 s8, s2;
	s0 =	smax.u32 s0, $0x1  }
0xf: {  	s16 =	simm.s32 $0x2;
	s8 =	simm.s32 $0xB;
	s5 =	sadd.s32 s5, s1  }
0x10: {  	s1 =	sadd.s32 s6, s1;
	s21 =	sadd.s32 $0x1000, s20;
	[dreg:$0xc] =	wrdreg s0  }
0x11: {  	s22 =	sadd.s32 $0x2000, s20;
	s23 =	sadd.s32 $0x3000, s20;
	[dreg:$0x5] =	wrdreg s21  }
0x12: {  	s24 =	sadd.s32 $0x4000, s20;
	s0 =	simm.s32 $0x1;
	[dreg:$0x6] =	wrdreg s22  }
0x13: {  	s20 =	simm.s32 $0x3;
	s6 =	simm.s32 $0x9;
	[dreg:$0x7] =	wrdreg s23  }
.Ltmp0:
0x14: {  	[dreg:$0x8] =	wrdreg s24;
	s25 =	sadd.s32 $0x1A00, s5;
	(pc) =	sbr.rel .LBB2_1-.Ltmp0, $4  }
0x15: {  	s26 =	sadd.s32 $0xBA00, s5;
	s1 =	sadd.s32 $0x1FA00, s1;
	[dreg:$0x9] =	wrdreg s25  }
0x16: {  	s21 =	simm.s32 $0x7000;
	s23 =	simm.s32 $0x8000;
	[dreg:$0xa] =	wrdreg s26  }
0x17: {  	s22 =	simm.s32 $0x4;
	s24 =	simm.s32 $0x5;
	[dreg:$0xb] =	wrdreg s1  }
0x18: {  	v0 =	vimm.f32 $0.0e+00;
	s25 =	simm.s32 $0x9000;
	s1 =	simm.s32 $0xC000;
	s26 =	simm.s32 $0x6  }
.LBB2_6:
0x19: {  	_ =	swait.ge [sflag:s7], $0x1000  }
0x1a: {  	[sflag:s7] =	ssyncset.done $0x0  }
0x1b: {  	[sflag:s7] =	ssyncadd.s32 $0xFFFFF000  }
0x1c: {  	_ =	swait.ge [sflag:s8], $0x1000  }
0x1d: {  	[sflag:s8] =	ssyncset.done $0x0  }
0x1e: {  	[sflag:s8] =	ssyncadd.s32 $0xFFFFF000  }
0x1f: {  	_ =	swait.ge [sflag:s9], $0x1000  }
0x20: {  	[sflag:s9] =	ssyncset.done $0x0  }
0x21: {  	[sflag:s9] =	ssyncadd.s32 $0xFFFFF000  }
0x22: {  	_ =	swait.ge [sflag:s10], $0x1000  }
0x23: {  	[sflag:s10] =	ssyncset.done $0x0  }
0x24: {  	[sflag:s10] =	ssyncadd.s32 $0xFFFFF000  }
0x25: {  	_ =	swait.ge [sflag:s11], $0x1000  }
0x26: {  	[sflag:s11] =	ssyncset.done $0x0  }
0x27: {  	[sflag:s11] =	ssyncadd.s32 $0xFFFFF000  }
0x28: {  	_ =	swait.ge [sflag:s12], $0x1000  }
0x29: {  	[sflag:s12] =	ssyncset.done $0x0  }
0x2a: {  	[sflag:s12] =	ssyncadd.s32 $0xFFFFF000  }
0x2b: {  	_ =	swait.ge [sflag:s13], $0x1000  }
0x2c: {  	[sflag:s13] =	ssyncset.done $0x0  }
0x2d: {  	[sflag:s13] =	ssyncadd.s32 $0xFFFFF000  }
0x2e: {  	s3 =	stileid.u32;
	[bflag:$0x0] =	sbarrier.arrive $0xFFFF  }
0x2f: {  	s3 =	sshll.u32 s3, $0x6;
	s5 =	rddreg [dreg:$0x4]  }
0x30: {  	s3 =	sor.u32 $0x1C11, s3;
	s14 =	rddreg [dreg:$0xb];
	s5 =	sshrl.u32 s5, $0x3  }
0x31: {  	[hbm:s14], [sflag:s3] =	dma.local [spmem:s5], $0xA00  }
0x32: {  	_ =	swait.ge [sflag:s15], $0xA00  }
0x33: {  	s3 =	rddreg [dreg:$0x3]  }
0x34: {  	s5 =	rddreg [dreg:$0xc];
	s14 =	sadd.s32 $0x1, s3  }
0x35: {  	p0 =	sne.s32 s14, s5  }
.Ltmp1:
0x36: {  	_ = 	snop;
	(pc) =	sbr.rel @!p0 .LBB2_7-.Ltmp1, $3  }
0x37: {  	_ =	sdelay $0x1  }
0x38: {  	[sflag:s15] =	ssyncset.done $0x0  }
0x39: {  	[sflag:s15] =	ssyncadd.s32 $0xFFFFF600  }
.LBB2_1:
0x3a: {  	[dreg:$0x3] =	wrdreg s14;
	s5 =	simm.s32 $0x80;
	s14 =	simm.s32 $0x0  }
.LBB2_2:
0x3b: {  	p0 =	sne.s32 s5, $0x3F80;
	[tilespmem:s14+$0xD000] =	vst v0;
	s3 =	smov.u32 s5;
	s5 =	sadd.s32 $0x80, s5  }
.Ltmp2:
0x3c: {  	[tilespmem:s14+$0xD010] =	vst v0;
	(pc) =	sbr.rel @p0 .LBB2_2-.Ltmp2, $2  }
0x3d: {  	_ =	sdelay $0x2  }
0x3e: {  	s14 =	sshra.s32 s3, $0x2  }
0x3f: {  	[tilespmem:s14+$0xD000] =	vst v0  }
0x40: {  	[tilespmem:s14+$0xD010] =	vst v0;
	s3 =	rddreg [dreg:$0x4];
	s5 =	simm.s32 $0xD000  }
0x41: {  	[spmem:s3] =	stream.linear.scatter [tilespmem:s5], [sflag:$0x11], $0x1000, $0x38;
	[tilespmem:$0x13000] =	vst v63  }
0x42: {  	_ =	swait.ge [sflag:s15], $0x1000  }
0x43: {  	[sflag:s15] =	ssyncset.done $0x0  }
0x44: {  	s14 =	rddreg [dreg:$0x5];
	[sflag:s15] =	ssyncadd.s32 $0xFFFFF000  }
0x45: {  	[spmem:s14] =	stream.linear.scatter [tilespmem:s5], [sflag:$0x11], $0x1000, $0x38;
	[tilespmem:$0x13000] =	vst v63  }
0x46: {  	_ =	swait.ge [sflag:s15], $0x1000  }
0x47: {  	[sflag:s15] =	ssyncset.done $0x0  }
0x48: {  	s14 =	rddreg [dreg:$0x6];
	[sflag:s15] =	ssyncadd.s32 $0xFFFFF000  }
0x49: {  	[spmem:s14] =	stream.linear.scatter [tilespmem:s5], [sflag:$0x11], $0x1000, $0x38;
	[tilespmem:$0x13000] =	vst v63  }
0x4a: {  	_ =	swait.ge [sflag:s15], $0x1000  }
0x4b: {  	[sflag:s15] =	ssyncset.done $0x0  }
0x4c: {  	s14 =	rddreg [dreg:$0x7];
	[sflag:s15] =	ssyncadd.s32 $0xFFFFF000  }
0x4d: {  	[spmem:s14] =	stream.linear.scatter [tilespmem:s5], [sflag:$0x11], $0x1000, $0x38;
	[tilespmem:$0x13000] =	vst v63  }
0x4e: {  	_ =	swait.ge [sflag:s15], $0x1000  }
0x4f: {  	[sflag:s15] =	ssyncset.done $0x0  }
0x50: {  	s14 =	rddreg [dreg:$0x8];
	[sflag:s15] =	ssyncadd.s32 $0xFFFFF000  }
0x51: {  	[spmem:s14] =	stream.linear.scatter [tilespmem:s5], [sflag:$0x11], $0x1000, $0x38;
	[tilespmem:$0x13000] =	vst v63  }
0x52: {  	_ =	swait.ge [sflag:s15], $0x1000  }
0x53: {  	[sflag:s15] =	ssyncset.done $0x0  }
0x54: {  	s5 =	simm.s32 $0x0;
	s14 =	rddreg [dreg:$0x9];
	[sflag:s15] =	ssyncadd.s32 $0xFFFFF000  }
0x55: {  	[tilespmem:s5], [sflag:$0x11] =	stream.linear.gather [hbm4b:s14+s5], $0x2800, $0x38;
	[tilespmem:$0x13000] =	vst v63  }
0x56: {  	_ =	swait.ge [sflag:s15], $0x2800  }
0x57: {  	[sflag:s15] =	ssyncset.done $0x0  }
0x58: {  	s14 =	simm.s32 $0x2800;
	s3 =	rddreg [dreg:$0xa];
	[sflag:s15] =	ssyncadd.s32 $0xFFFFD800  }
0x59: {  	[tilespmem:s14], [sflag:$0x11] =	stream.linear.gather [hbm4b:s3+s5], $0x2800, $0x38;
	[tilespmem:$0x13000] =	vst v63  }
0x5a: {  	_ =	swait.ge [sflag:s15], $0x2800  }
0x5b: {  	[sflag:s15] =	ssyncset.done $0x0  }
0x5c: {  	[sflag:s15] =	ssyncadd.s32 $0xFFFFD800  }
0x5d: {  	[bflag:$0x0] =	sbarrier.arrive $0xFFFF  }
0x5e: {  	[tilespmem:s18], [sflag:$0x1] =	stream.indirect.gather [hbm4b:s4+s17], $0x20, s5, s17, $0xb8;
	[tilespmem:$0x13000] =	vst v63  }
0x5f: {  	_ = 	snop  }
0x60: {  	[tilespmem:s19], [sflag:$0x2] =	stream.indirect.gather [hbm4b:s4+s17], $0x20, s17, s17, $0xb8;
	[tilespmem:$0x13000] =	vst v63  }
0x61: {  	s14 =	simm.s32 $0x100  }
0x62: {  	[tilespmem:s21], [sflag:$0x3] =	stream.indirect.gather [hbm4b:s4+s17], $0x20, s14, s17, $0xb8;
	[tilespmem:$0x13000] =	vst v63  }
0x63: {  	s14 =	simm.s32 $0x180  }
0x64: {  	[tilespmem:s23], [sflag:$0x4] =	stream.indirect.gather [hbm4b:s4+s17], $0x20, s14, s17, $0xb8;
	[tilespmem:$0x13000] =	vst v63  }
0x65: {  	s14 =	simm.s32 $0x200  }
0x66: {  	[tilespmem:s25], [sflag:$0x5] =	stream.indirect.gather [hbm4b:s4+s17], $0x20, s14, s17, $0xb8;
	[tilespmem:$0x13000] =	vst v63  }
0x67: {  	s14 =	simm.s32 $0x280  }
0x68: {  	[tilespmem:s28], [sflag:$0x6] =	stream.indirect.gather [hbm4b:s4+s17], $0x20, s14, s17, $0xb8;
	[tilespmem:$0x13000] =	vst v63  }
0x69: {  	s14 =	simm.s32 $0x300  }
0x6a: {  	[tilespmem:s30], [sflag:$0x7] =	stream.indirect.gather [hbm4b:s4+s17], $0x20, s14, s17, $0xb8;
	[tilespmem:$0x13000] =	vst v63  }
0x6b: {  	s14 =	simm.s32 $0x380  }
0x6c: {  	[tilespmem:s1], [sflag:$0x8] =	stream.indirect.gather [hbm4b:s4+s17], $0x20, s14, s17, $0xb8;
	[tilespmem:$0x13000] =	vst v63  }
.LBB2_4:
0x6d: {  	_ =	swait.ge [sflag:s0], $0x1000  }
0x6e: {  	s14 =	sshra.s32 s5, $0x2;
	[sflag:s0] =	ssyncset.done $0x0  }
0x6f: {  	s3 =	sadd.s32 $0x2800, s14;
	[sflag:s0] =	ssyncadd.s32 $0xFFFFF000  }
0x70: {  	[spmem:s2] =	stream.indirect.scatter.add.f32 [tilespmem:s18], [sflag:$0x9], $0x20, s3, s17, $0xb8;
	[tilespmem:$0x13000] =	vst v63  }
0x71: {  	_ =	swait.ge [sflag:s16], $0x1000  }
0x72: {  	[sflag:s16] =	ssyncset.done $0x0  }
0x73: {  	s3 =	sadd.s32 $0x2880, s14;
	[sflag:s16] =	ssyncadd.s32 $0xFFFFF000  }
0x74: {  	[spmem:s2] =	stream.indirect.scatter.add.f32 [tilespmem:s19], [sflag:$0xA], $0x20, s3, s17, $0xb8;
	[tilespmem:$0x13000] =	vst v63  }
0x75: {  	_ =	swait.ge [sflag:s20], $0x1000  }
0x76: {  	[sflag:s20] =	ssyncset.done $0x0  }
0x77: {  	s3 =	sadd.s32 $0x2900, s14;
	[sflag:s20] =	ssyncadd.s32 $0xFFFFF000  }
0x78: {  	[spmem:s2] =	stream.indirect.scatter.add.f32 [tilespmem:s21], [sflag:$0xB], $0x20, s3, s17, $0xb8;
	[tilespmem:$0x13000] =	vst v63  }
0x79: {  	_ =	swait.ge [sflag:s22], $0x1000  }
0x7a: {  	[sflag:s22] =	ssyncset.done $0x0  }
0x7b: {  	s3 =	sadd.s32 $0x2980, s14;
	[sflag:s22] =	ssyncadd.s32 $0xFFFFF000  }
0x7c: {  	[spmem:s2] =	stream.indirect.scatter.add.f32 [tilespmem:s23], [sflag:$0xC], $0x20, s3, s17, $0xb8;
	[tilespmem:$0x13000] =	vst v63  }
0x7d: {  	_ =	swait.ge [sflag:s24], $0x1000  }
0x7e: {  	[sflag:s24] =	ssyncset.done $0x0  }
0x7f: {  	s3 =	sadd.s32 $0x2A00, s14;
	[sflag:s24] =	ssyncadd.s32 $0xFFFFF000  }
0x80: {  	[spmem:s2] =	stream.indirect.scatter.add.f32 [tilespmem:s25], [sflag:$0xD], $0x20, s3, s17, $0xb8;
	[tilespmem:$0x13000] =	vst v63  }
0x81: {  	_ =	swait.ge [sflag:s26], $0x1000  }
0x82: {  	[sflag:s26] =	ssyncset.done $0x0  }
0x83: {  	s3 =	sadd.s32 $0x2A80, s14;
	[sflag:s26] =	ssyncadd.s32 $0xFFFFF000  }
0x84: {  	[spmem:s2] =	stream.indirect.scatter.add.f32 [tilespmem:s28], [sflag:$0xE], $0x20, s3, s17, $0xb8;
	[tilespmem:$0x13000] =	vst v63  }
0x85: {  	_ =	swait.ge [sflag:s29], $0x1000  }
0x86: {  	[sflag:s29] =	ssyncset.done $0x0  }
0x87: {  	s3 =	sadd.s32 $0x2B00, s14;
	[sflag:s29] =	ssyncadd.s32 $0xFFFFF000  }
0x88: {  	[spmem:s2] =	stream.indirect.scatter.add.f32 [tilespmem:s30], [sflag:$0xF], $0x20, s3, s17, $0xb8;
	[tilespmem:$0x13000] =	vst v63  }
0x89: {  	_ =	swait.ge [sflag:s31], $0x1000  }
0x8a: {  	p0 =	seq.s32 s5, $0x9000;
	[sflag:s31] =	ssyncset.done $0x0  }
.Ltmp3:
0x8b: {  	s3 =	sadd.s32 $0x2B80, s14;
	[sflag:s31] =	ssyncadd.s32 $0xFFFFF000;
	(pc) =	sbr.rel @p0 .LBB2_6-.Ltmp3, $4  }
0x8c: {  	[spmem:s2] =	stream.indirect.scatter.add.f32 [tilespmem:s1], [sflag:$0x10], $0x20, s3, s17, $0xb8;
	[tilespmem:$0x13000] =	vst v63  }
0x8d: {  	_ =	swait.ge [sflag:s6], $0x1000  }
0x8e: {  	[sflag:s6] =	ssyncset.done $0x0  }
0x8f: {  	[sflag:s6] =	ssyncadd.s32 $0xFFFFF000  }
0x90: {  	s3 =	sadd.s32 $0x400, s14  }
0x91: {  	[tilespmem:s18], [sflag:$0x1] =	stream.indirect.gather [hbm4b:s4+s17], $0x20, s3, s17, $0xb8;
	[tilespmem:$0x13000] =	vst v63  }
0x92: {  	_ =	swait.ge [sflag:s7], $0x1000  }
0x93: {  	[sflag:s7] =	ssyncset.done $0x0  }
0x94: {  	s3 =	sadd.s32 $0x480, s14;
	[sflag:s7] =	ssyncadd.s32 $0xFFFFF000  }
0x95: {  	[tilespmem:s19], [sflag:$0x2] =	stream.indirect.gather [hbm4b:s4+s17], $0x20, s3, s17, $0xb8;
	[tilespmem:$0x13000] =	vst v63  }
0x96: {  	_ =	swait.ge [sflag:s8], $0x1000  }
0x97: {  	[sflag:s8] =	ssyncset.done $0x0  }
0x98: {  	s3 =	sadd.s32 $0x500, s14;
	[sflag:s8] =	ssyncadd.s32 $0xFFFFF000  }
0x99: {  	[tilespmem:s21], [sflag:$0x3] =	stream.indirect.gather [hbm4b:s4+s17], $0x20, s3, s17, $0xb8;
	[tilespmem:$0x13000] =	vst v63  }
0x9a: {  	_ =	swait.ge [sflag:s9], $0x1000  }
0x9b: {  	[sflag:s9] =	ssyncset.done $0x0  }
0x9c: {  	s3 =	sadd.s32 $0x580, s14;
	[sflag:s9] =	ssyncadd.s32 $0xFFFFF000  }
0x9d: {  	[tilespmem:s23], [sflag:$0x4] =	stream.indirect.gather [hbm4b:s4+s17], $0x20, s3, s17, $0xb8;
	[tilespmem:$0x13000] =	vst v63  }
0x9e: {  	_ =	swait.ge [sflag:s10], $0x1000  }
0x9f: {  	[sflag:s10] =	ssyncset.done $0x0  }
0xa0: {  	s3 =	sadd.s32 $0x600, s14;
	[sflag:s10] =	ssyncadd.s32 $0xFFFFF000  }
0xa1: {  	[tilespmem:s25], [sflag:$0x5] =	stream.indirect.gather [hbm4b:s4+s17], $0x20, s3, s17, $0xb8;
	[tilespmem:$0x13000] =	vst v63  }
0xa2: {  	_ =	swait.ge [sflag:s11], $0x1000  }
0xa3: {  	[sflag:s11] =	ssyncset.done $0x0  }
0xa4: {  	s3 =	sadd.s32 $0x680, s14;
	[sflag:s11] =	ssyncadd.s32 $0xFFFFF000  }
0xa5: {  	[tilespmem:s28], [sflag:$0x6] =	stream.indirect.gather [hbm4b:s4+s17], $0x20, s3, s17, $0xb8;
	[tilespmem:$0x13000] =	vst v63  }
0xa6: {  	_ =	swait.ge [sflag:s12], $0x1000  }
0xa7: {  	[sflag:s12] =	ssyncset.done $0x0  }
0xa8: {  	s3 =	sadd.s32 $0x700, s14;
	[sflag:s12] =	ssyncadd.s32 $0xFFFFF000  }
0xa9: {  	[tilespmem:s30], [sflag:$0x7] =	stream.indirect.gather [hbm4b:s4+s17], $0x20, s3, s17, $0xb8;
	[tilespmem:$0x13000] =	vst v63  }
.Ltmp4:
0xaa: {  	_ = 	snop;
	(pc) =	sbr.rel .LBB2_4-.Ltmp4, $4  }
0xab: {  	_ =	swait.ge [sflag:s13], $0x1000  }
0xac: {  	[sflag:s13] =	ssyncset.done $0x0  }
0xad: {  	s5 =	sadd.s32 $0x1000, s5;
	s14 =	sadd.s32 $0x780, s14;
	[sflag:s13] =	ssyncadd.s32 $0xFFFFF000  }
0xae: {  	[tilespmem:s1], [sflag:$0x8] =	stream.indirect.gather [hbm4b:s4+s17], $0x20, s14, s17, $0xb8;
	[tilespmem:$0x13000] =	vst v63  }
.LBB2_7:
0xaf: {  	_ =	sfence.sel $0x180000  }
0xb0: {  	[bflag:$0x0] =	sbarrier.arrive $0xFFFF  }
0xb1: {  	_ =	strace $0x9000004D  }
0xb2: {  	s0 =	stileid.u32;
	[bflag:$0x2] =	sbarrier.arrive $0xFFFF  }
0xb3: {  	p0 =	sne.s32 s0, $0x0;
	s0 =	rddreg [dreg:$0x2]  }
0xb4: {  	s0 =	sadd.s32 @!p0 $0x100000, s0  }
0xb5: {  	[sflag:s0] =	ssyncadd.tile.s32 @!p0 $0x1;
	_ =	shalt  }
.Lfunc_end2:
_tile_overlayer_lowered:
.L_overlay_start_2:
0xb6: {  	(tag) =	ssettag $0x2  }
0xb7: {  	s0 =	rddreg [dreg:$0x0];
	s2 =	stileid.u32  }
0xb8: {  	s1 =	rddreg [dreg:$0x1];
	p0 =	sne.s32 s2, $0x0  }
0xb9: {  	s3 =	rddreg [dreg:$0x2];
	[bflag:$0x3] =	sbarrier.arrive $0xFFFF;
	s2 =	simm.s32 @!p0 $0x1C11  }
0xba: {  	[timem:s3], [sflag:s2] =	dma.local @!p0 [hbm:s0], s1  }
0xbb: {  	s0 =	simm.s32 @!p0 $0x11  }
0xbc: {  	_ =	swait.ge @!p0 [sflag:s0], s1  }
0xbd: {  	s1 =	ssub.s32 @!p0 $0x0, s1;
	[sflag:s0] =	ssyncset.done @!p0 $0x0  }
0xbe: {  	[sflag:s0] =	ssyncadd.s32 @!p0 s1  }
0xbf: {  	[bflag:$0x3] =	sbarrier.arrive $0xFFFF  }
0xc0: {  	_ =	shalt  }

// kernel: kernel.8.cloned.1.call-start
scs
__scs_entry_jumppad:
0x0: {  	(pc) =	sbr.rel $0x88, $3  }
0x1: {  	(tag) =	ssettag $0x0;
	lr =	simm.s32 $0x1  }
0x2: {  	[smem:$0x3F9A] =	sst lr;
	_ =	strace $0xD0000000  }
0x3: {  	_ = 	snop  }
0x4: {  	_ = 	snop  }
0x5: {  	_ = 	snop  }
0x6: {  	_ = 	snop  }
0x7: {  	_ = 	snop  }
__scs_overlays_trampoline_lowered:
0x8: {  	[smem:$0x3FA9] =	sst s0  }
0x9: {  	[smem:$0x3FAA] =	sst s1  }
0xa: {  	[smem:$0x3FAB] =	sst s2  }
0xb: {  	[smem:$0x3FAC] =	sst s3  }
0xc: {  	[smem:$0x3FAD] =	sst s4  }
0xd: {  	[smem:$0x3FAE] =	sst s5  }
0xe: {  	[smem:$0x3FAF] =	sst s6  }
0xf: {  	[smem:$0x3FB0] =	sst s7  }
0x10: {  	[smem:$0x3FB1] =	sst s8  }
0x11: {  	[smem:$0x3FB2] =	sst s9;
	s0 =	simm.s32 @!p0 $0x0  }
0x12: {  	s1 =	sld [smem:$0x3F98];
	s0 =	simm.s32 @p0 $0x1  }
0x13: {  	[smem:$0x3FB3] =	sst s0;
	s0 =	simm.s32 @!p1 $0x0  }
0x14: {  	s2 =	sld [smem:$0x3F97];
	s0 =	simm.s32 @p1 $0x1  }
0x15: {  	[smem:$0x3FB4] =	sst s0;
	s0 =	simm.s32 @!p2 $0x0  }
0x16: {  	s3 =	sld [smem:$0x3FDB];
	s0 =	simm.s32 @p2 $0x1  }
0x17: {  	s4 =	simm.s32 $0x1BF5;
	[smem:$0x3FB6] =	sst s0  }
0x18: {  	s0 =	sld [smem:$0x3F99];
	_ =	swait.ge [sflag:s4], $0x0  }
0x19: {  	s7 =	sld [smem:$0x3F9A]  }
0x1a: {  	s8 =	sadd.s32 $0xFFFFE003, lr  }
0x1b: {  	s9 =	sadd.s32 $0xFFFFFEF7, lr;
	s5 =	simm.s32 $0xFFFFFFFF;
	p2 =	slt.u32 s8, $0xFFFFF086  }
0x1c: {  	p1 =	slt.u32 s9, $0xF7A;
	s5 =	simm.s32 @!p2 $0x0  }
0x1d: {  	s5 =	simm.s32 @p1 $0x1;
	p0 =	seq.s32 s7, s2  }
0x1e: {  	s7 =	smul.u32 @!p0 $0xF7A, s2;
	p2 =	seq.s32 @!p0 s5, $0x0  }
0x1f: {  	s9 =	smul.u32 $0xF7A, s1;
	s8 =	simm.s32 @!p0 $0x1BF5;
	p2 =	por !p2, p0  }
0x20: {  	[sflag:s8] =	ssyncset.s32 @!p0 $0xFFFFF086;
	s6 =	sadd.s32 @!p0 s3, s7;
	s7 =	simm.s32 @!p0 $0x108  }
0x21: {  	s3 =	sadd.s32 s3, s9;
	s6 =	sadd.s32 @!p0 $0x88, s6;
	s7 =	simm.s32 @p2 $0x1082  }
0x22: {  	[simem:s7], [sflag:s8] =	dma.local @!p0 [hbm:s6], $0xF7A  }
0x23: {  	s9 =	sor.u32 $0xD0000000, s2;
	s6 =	simm.s32 $0x108;
	_ =	swait.ge @!p0 [sflag:s8], $0x0  }
0x24: {  	s3 =	sadd.s32 $0x88, s3;
	s6 =	simm.s32 @!p1 $0x1082;
	[sflag:s4] =	ssyncset.s32 $0xFFFFF086  }
0x25: {  	[simem:s6], [sflag:s4] =	dma.local [hbm:s3], $0xF7A  }
0x26: {  	[smem:$0x3F9A] =	sst s1;
	(tag) =	ssettag s2;
	_ =	strace s9  }
0x27: {  	s1 =	sld [smem:$0x3FAA]  }
0x28: {  	s2 =	sld [smem:$0x3FAB]  }
0x29: {  	s4 =	sld [smem:$0x3FAD]  }
0x2a: {  	p0 =	seq.s32 s5, $0x0;
	s5 =	sld [smem:$0x3FAE]  }
0x2b: {  	s6 =	sld [smem:$0x3FAF]  }
0x2c: {  	s7 =	sld [smem:$0x3FB0]  }
0x2d: {  	s3 =	simm.s32 $0x108;
	s8 =	sld [smem:$0x3FB1]  }
0x2e: {  	s3 =	simm.s32 @!p0 $0x1082;
	s9 =	sld [smem:$0x3FB2]  }
0x2f: {  	lr =	sadd.s32 s0, s3;
	s0 =	sld [smem:$0x3FA9]  }
0x30: {  	s3 =	sld [smem:$0x3FAC]  }
0x31: {  	[smem:$0x3FB5] =	sst s10  }
0x32: {  	s10 =	sld [smem:$0x3FB3];
	_ =	sdelay $0x3  }
0x33: {  	p0 =	seq.s32 s10, $0x1;
	s10 =	sld [smem:$0x3FB5];
	_ =	sdelay $0x3  }
0x34: {  	[smem:$0x3FB5] =	sst s10  }
0x35: {  	s10 =	sld [smem:$0x3FB4];
	_ =	sdelay $0x3  }
0x36: {  	p1 =	seq.s32 s10, $0x1;
	s10 =	sld [smem:$0x3FB5];
	_ =	sdelay $0x3  }
0x37: {  	[smem:$0x3FB5] =	sst s10  }
0x38: {  	s10 =	sld [smem:$0x3FB6]  }
0x39: {  	_ = 	snop;
	(pc) =	sbr.ind lr, $3  }
0x3a: {  	_ = 	snop  }
0x3b: {  	_ = 	snop  }
0x3c: {  	p2 =	seq.s32 s10, $0x1;
	s10 =	sld [smem:$0x3FB5]  }
0x3d: {  	_ =	shalt  }
0x3e: {  	_ =	shalt  }
0x3f: {  	_ =	shalt  }
0x40: {  	_ =	shalt  }
0x41: {  	_ =	shalt  }
0x42: {  	_ =	shalt  }
0x43: {  	_ =	shalt  }
0x44: {  	_ =	shalt  }
0x45: {  	_ =	shalt  }
0x46: {  	_ =	shalt  }
0x47: {  	_ =	shalt  }
0x48: {  	_ =	shalt  }
0x49: {  	_ =	shalt  }
0x4a: {  	_ =	shalt  }
0x4b: {  	_ =	shalt  }
0x4c: {  	_ =	shalt  }
0x4d: {  	_ =	shalt  }
0x4e: {  	_ =	shalt  }
0x4f: {  	_ =	shalt  }
0x50: {  	_ =	shalt  }
0x51: {  	_ =	shalt  }
0x52: {  	_ =	shalt  }
0x53: {  	_ =	shalt  }
0x54: {  	_ =	shalt  }
0x55: {  	_ =	shalt  }
0x56: {  	_ =	shalt  }
0x57: {  	_ =	shalt  }
0x58: {  	_ =	shalt  }
0x59: {  	_ =	shalt  }
0x5a: {  	_ =	shalt  }
0x5b: {  	_ =	shalt  }
0x5c: {  	_ =	shalt  }
0x5d: {  	_ =	shalt  }
0x5e: {  	_ =	shalt  }
0x5f: {  	_ =	shalt  }
0x60: {  	_ =	shalt  }
0x61: {  	_ =	shalt  }
0x62: {  	_ =	shalt  }
0x63: {  	_ =	shalt  }
0x64: {  	_ =	shalt  }
0x65: {  	_ =	shalt  }
0x66: {  	_ =	shalt  }
0x67: {  	_ =	shalt  }
0x68: {  	_ =	shalt  }
0x69: {  	_ =	shalt  }
0x6a: {  	_ =	shalt  }
0x6b: {  	_ =	shalt  }
0x6c: {  	_ =	shalt  }
0x6d: {  	_ =	shalt  }
0x6e: {  	_ =	shalt  }
0x6f: {  	_ =	shalt  }
0x70: {  	_ =	shalt  }
0x71: {  	_ =	shalt  }
0x72: {  	_ =	shalt  }
0x73: {  	_ =	shalt  }
0x74: {  	_ =	shalt  }
0x75: {  	_ =	shalt  }
0x76: {  	_ =	shalt  }
0x77: {  	_ =	shalt  }
0x78: {  	_ =	shalt  }
0x79: {  	_ =	shalt  }
0x7a: {  	_ =	shalt  }
0x7b: {  	_ =	shalt  }
0x7c: {  	_ =	shalt  }
0x7d: {  	_ =	shalt  }
0x7e: {  	_ =	shalt  }
0x7f: {  	_ =	shalt  }
0x80: {  	_ =	shalt  }
0x81: {  	_ =	shalt  }
0x82: {  	_ =	shalt  }
0x83: {  	_ =	shalt  }
0x84: {  	_ =	shalt  }
0x85: {  	_ =	shalt  }
0x86: {  	_ =	shalt  }
0x87: {  	_ =	shalt  }
.Lfunc_end0:
.L_simem_size_0:
called_computation_lowered:
.L_overlay_start_0:
0x88: {  	s2 =	sld [smem:$0x3FD9]  }
0x89: {  	s3 =	sld [smem:$0x3FFE];
	_ =	sdelay $0x1  }
0x8a: {  	s1 =	srdreg.scid  }
0x8b: {  	s0 =	sand.u32 $0x1, s1  }
0x8c: {  	s16 =	sshll.u32 s0, $0xA;
	s2 =	sadd.s32 s3, s2  }
0x8d: {  	s2 =	sadd.s32 s2, s16  }
0x8e: {  	[smem:$0x3FC1] =	sst s2  }
0x8f: {  	_ = 	snop  }
0x90: {  	(tm) =	ssettm $0x1  }
0x91: {  	s17 =	sld [smem:$0x3FFB];
	_ =	sdelay $0x3  }
0x92: {  	_ =	strace s17  }
0x93: {  	s2 =	sld [smem:$0x3FFC];
	_ =	sdelay $0x3  }
0x94: {  	_ =	strace s2  }
0x95: {  	s2 =	sld [smem:$0x3FFD];
	_ =	sdelay $0x3  }
0x96: {  	_ =	strace s2  }
0x97: {  	_ =	strace $0x8FFFFFFF  }
0x98: {  	s18 =	sld [smem:$0x3FDB];
	_ =	sdelay $0x1  }
0x99: {  	s19 =	simm.s32 $_scs_section_size  }
0x9a: {  	s4 =	simm.s32 $_size__tile_overlayer_lowered;
	s5 =	simm.s32 $_tile_overlayer_lowered  }
0x9b: {  	s22 =	simm.s32 $0x1BFF;
	s21 =	sshll.u32 s5, $0x1;
	s2 =	sadd.s32 s19, s18  }
0x9c: {  	s6 =	simm.s32 $0x0;
	s20 =	sshll.u32 s4, $0x1;
	s4 =	sadd.s32 s21, s2  }
0x9d: {  	[timem:s6], [sflag:s22] =	dma.local [hbm:s4], s20  }
0x9e: {  	_ =	swait.ge [sflag:s22], s20  }
0x9f: {  	s3 =	ssub.s32 $0x0, s20;
	[sflag:s22] =	ssyncset.done $0x0  }
0xa0: {  	[sflag:s22] =	ssyncadd.s32 s3;
	_ =	sdelay $0x1  }
0xa1: {  	s23 =	simm.s32 $0x1B8B  }
0xa2: {  	_ =	swait.ge [sflag:s23], $0x1  }
0xa3: {  	[sflag:s23] =	ssyncset.done $0x0  }
0xa4: {  	s25 =	simm.s32 $0x1B8E;
	s24 =	sld [smem:$0x3FFE];
	[sflag:s23] =	ssyncadd.s32 $0xFFFFFFFF  }
0xa5: {  	s26 =	simm.s32 $execute0_lowered;
	[smem:$0x3FD2] =	sst s25  }
0xa6: {  	s4 =	sshll.u32 s26, $0x1;
	_ =	strace $0x80000046;
	[dreg:$0x1] =	wrdreg $0xFFFFFFFF  }
0xa7: {  	s28 =	simm.s32 $_size_execute0_lowered;
	s2 =	sadd.s32 s2, s4;
	[dreg:$0x0] =	wrdreg $0x0  }
0xa8: {  	s4 =	sshll.u32 s28, $0x1;
	[dreg:$0x2] =	wrdreg s2  }
0xa9: {  	[dreg:$0x3] =	wrdreg s4  }
0xaa: {  	[dreg:$0x4] =	wrdreg $0xC0  }
0xab: {  	_ =	task [dreg:s6], $0x5FFFF  }
0xac: {  	[dreg:$0x1] =	wrdreg $0xFFFFFFFF  }
0xad: {  	[dreg:$0x0] =	wrdreg $0x60  }
0xae: {  	[dreg:$0x2] =	wrdreg s24  }
0xaf: {  	[dreg:$0x3] =	wrdreg $0x2B000  }
0xb0: {  	[dreg:$0x4] =	wrdreg $0x9  }
0xb1: {  	_ =	task.clear_ibuf [dreg:s6], $0x5FFFF;
	_ =	strace $0x90000046  }
0xb2: {  	s29 =	simm.s32 $0x9;
	_ =	strace $0x80000048  }
0xb3: {  	_ =	swait.ge [sflag:s29], $0x1  }
0xb4: {  	[sflag:s29] =	ssyncadd.s32 $0xFFFFFFFF  }
0xb5: {  	_ =	strace $0x90000048  }
0xb6: {  	_ =	sfence  }
0xb7: {  	s30 =	sld [smem:$0x0];
	_ =	sdelay $0x2  }
0xb8: {  	s31 =	sshll.u32 s1, $0xD;
	s1 =	sshrl.u32 s1, $0x2  }
0xb9: {  	s3 =	sand.u32 $0x4000, s31;
	s1 =	sadd.s32 s1, s30  }
0xba: {  	s0 =	sor.u32 s3, s0;
	s1 =	sshll.u32 s1, $0x11  }
0xbb: {  	s0 =	sor.u32 s1, s0  }
0xbc: {  	s0 =	sadd.s32 $0x8F2B, s0  }
0xbd: {  	[sflag:s0] =	ssyncadd.remote.s32 $0x1  }
0xbe: {  	_ =	sfence.sel $0xFFFF  }
0xbf: {  	[dreg:$0x0] =	wrdreg $0xFFFFFFFF;
	(pc) =	sbr.abs _section_cstart, $3  }
0xc0: {  	[dreg:$0x1] =	wrdreg $0xFFFFFFFF  }
0xc1: {  	_ =	task.clear_ibuf [dreg:s6], $0x2FFFF;
	_ =	strace $0x9FFFFFFF  }
0xc2: {  	(tm) =	ssettm $0x7FFFFFFF  }
0xc3: {  	_ =	shalt  }
tec
execute0_lowered:
.L_overlay_start_1:
0x0: {  	(tag) =	ssettag $0x1  }
0x1: {  	s4 =	rddreg [dreg:$0x0];
	s0 =	srdreg.scid  }
0x2: {  	s2 =	rddreg [dreg:$0x1];
	s1 =	stileid.u32;
	s3 =	simm.s32 $0x0  }
0x3: {  	s10 =	simm.s32 $0x80;
	s11 =	simm.s32 $0x2800;
	s14 =	simm.s32 $0x20  }
0x4: {  	s15 =	simm.s32 $0x10;
	s16 =	simm.s32 $0x0;
	s7 =	smul.u32 $0x2800, s1  }
0x5: {  	s5 =	sand.u32 $0x1, s0;
	s0 =	rddreg [dreg:$0x2];
	s8 =	smul.u32 $0x500, s1  }
0x6: {  	[smem:$0x7FF] =	sst s3;
	s30 =	smul.u32 $0xA00, s1;
	s12 =	sshll.u32 s1, $0x6  }
0x7: {  	s6 =	smul.u32 $0x28000, s5;
	s29 =	sshll.u32 s5, $0x7;
	s5 =	ssub.s32 $0x2, s5  }
0x8: {  	_ =	strace $0x80000047;
	s12 =	sor.u32 $0x1C01, s12;
	s31 =	sshrl.u32 s5, $0x1  }
0x9: {  	s6 =	sadd.s32 s7, s6;
	s7 =	sor.u32 s29, s8;
	s8 =	sshrl.u32 s30, $0x2  }
0xa: {  	s9 =	ssub.s32 s5, s31;
	s6 =	sshrl.u32 s6, $0x3;
	s7 =	sshrl.u32 s7, $0x3  }
0xb: {  	s6 =	sadd.s32 s6, s4;
	s7 =	sadd.s32 s7, s4;
	s4 =	sadd.s32 s8, s2  }
0xc: {  	s8 =	simm.s32 $0x2880;
	s5 =	sadd.s32 $0xBA00, s6;
	s6 =	sadd.s32 $0x15A00, s7  }
0xd: {  	v0 =	vimm.f32 $1.000000000e+00;
	v1 =	vimm.f32 $0.0e+00;
	s7 =	smax.u32 s9, $0x1;
	s9 =	simm.s32 $0x1;
	s13 =	sshrl.u32 s4, $0x3  }
.LBB2_1:
0xe: {  	[tilespmem:$0x2800] =	vst v0  }
0xf: {  	[tilespmem:$0x2810] =	vst v0  }
0x10: {  	[tilespmem:$0x2820] =	vst v0  }
0x11: {  	[tilespmem:$0x2830] =	vst v0  }
0x12: {  	[tilespmem:$0x2840] =	vst v0  }
0x13: {  	[tilespmem:$0x2850] =	vst v0  }
0x14: {  	[tilespmem:$0x2860] =	vst v0  }
0x15: {  	[tilespmem:$0x2870] =	vst v0  }
0x16: {  	[tilespmem:$0x2880] =	vst v1  }
0x17: {  	[tilespmem:$0x2890] =	vst v1  }
0x18: {  	[tilespmem:$0x28A0] =	vst v1  }
0x19: {  	[tilespmem:$0x28B0] =	vst v1  }
0x1a: {  	[tilespmem:$0x28C0] =	vst v1  }
0x1b: {  	[tilespmem:$0x28D0] =	vst v1  }
0x1c: {  	[tilespmem:$0x28E0] =	vst v1  }
0x1d: {  	[tilespmem:$0x28F0] =	vst v1  }
0x1e: {  	[tilespmem:$0x2900] =	vst v1  }
0x1f: {  	[tilespmem:$0x2910] =	vst v1  }
0x20: {  	[tilespmem:$0x2920] =	vst v1  }
0x21: {  	[tilespmem:$0x2930] =	vst v1  }
0x22: {  	[tilespmem:$0x2940] =	vst v1  }
0x23: {  	[tilespmem:$0x2950] =	vst v1  }
0x24: {  	[tilespmem:$0x2960] =	vst v1  }
0x25: {  	[tilespmem:$0x2970] =	vst v1  }
0x26: {  	[tilespmem:$0x2980] =	vst v1  }
0x27: {  	[tilespmem:$0x2990] =	vst v1  }
0x28: {  	[tilespmem:$0x29A0] =	vst v1  }
0x29: {  	[tilespmem:$0x29B0] =	vst v1  }
0x2a: {  	[tilespmem:$0x29C0] =	vst v1  }
0x2b: {  	[tilespmem:$0x29D0] =	vst v1  }
0x2c: {  	[tilespmem:$0x29E0] =	vst v1  }
0x2d: {  	[tilespmem:$0x29F0] =	vst v1  }
0x2e: {  	[tilespmem:$0x2A00] =	vst v1  }
0x2f: {  	[tilespmem:$0x2A10] =	vst v1  }
0x30: {  	[tilespmem:$0x2A20] =	vst v1  }
0x31: {  	[tilespmem:$0x2A30] =	vst v1  }
0x32: {  	[tilespmem:$0x2A40] =	vst v1  }
0x33: {  	[tilespmem:$0x2A50] =	vst v1  }
0x34: {  	[tilespmem:$0x2A60] =	vst v1  }
0x35: {  	[tilespmem:$0x2A70] =	vst v1  }
0x36: {  	[tilespmem:$0x2A80] =	vst v1  }
0x37: {  	[tilespmem:$0x2A90] =	vst v1  }
0x38: {  	[tilespmem:$0x2AA0] =	vst v1  }
0x39: {  	[tilespmem:$0x2AB0] =	vst v1  }
0x3a: {  	[tilespmem:$0x2AC0] =	vst v1  }
0x3b: {  	[tilespmem:$0x2AD0] =	vst v1  }
0x3c: {  	[tilespmem:$0x2AE0] =	vst v1  }
0x3d: {  	[tilespmem:$0x2AF0] =	vst v1  }
0x3e: {  	[spmem:s4] =	stream.linear.scatter [tilespmem:s8], [sflag:$0x1], $0x280, $0x38;
	[tilespmem:$0x2D80] =	vst v63  }
0x3f: {  	_ =	swait.ge [sflag:s9], $0x280  }
0x40: {  	[sflag:s9] =	ssyncset.done $0x0  }
0x41: {  	[sflag:s9] =	ssyncadd.s32 $0xFFFFFD80  }
0x42: {  	[tilespmem:s3], [sflag:$0x1] =	stream.linear.gather [hbm4b:s5+s3], $0x2800, $0x38;
	[tilespmem:$0x2D80] =	vst v63  }
0x43: {  	_ =	swait.ge [sflag:s9], $0x2800  }
0x44: {  	[sflag:s9] =	ssyncset.done $0x0  }
0x45: {  	[sflag:s9] =	ssyncadd.s32 $0xFFFFD800  }
0x46: {  	s17 =	simm.s32 $0x0;
	[bflag:$0x0] =	sbarrier.arrive $0xFFFF  }
0x47: {  	[spmem:s2] =	stream.indirect.scatter.add.f32 [tilespmem:s11], [sflag:$0x1], $0x1, s17, s10, $0xb8;
	[tilespmem:$0x2D80] =	vst v63  }
0x48: {  	_ =	swait.ge [sflag:s9], $0x80  }
0x49: {  	s17 =	simm.s32 $0x200;
	[sflag:s9] =	ssyncset.done $0x0  }
.LBB2_2:
0x4a: {  	s18 =	sshra.s32 s17, $0x2;
	[sflag:s9] =	ssyncadd.s32 $0xFFFFFF80;
	p0 =	sne.s32 s17, $0x9E00  }
0x4b: {  	[spmem:s2] =	stream.indirect.scatter.add.f32 [tilespmem:s11], [sflag:$0x1], $0x1, s18, s10, $0xb8;
	[tilespmem:$0x2D80] =	vst v63  }
.Ltmp0:
0x4c: {  	_ = 	snop;
	(pc) =	sbr.rel @p0 .LBB2_2-.Ltmp0, $4  }
0x4d: {  	_ = 	snop  }
0x4e: {  	s17 =	sadd.s32 $0x200, s17  }
0x4f: {  	_ =	swait.ge [sflag:s9], $0x80  }
0x50: {  	[sflag:s9] =	ssyncset.done $0x0  }
0x51: {  	s16 =	sadd.s32 $0x1, s16  }
0x52: {  	[sflag:s9] =	ssyncadd.s32 $0xFFFFFF80;
	p0 =	sne.s32 s16, s7  }
.Ltmp1:
0x53: {  	[bflag:$0x0] =	sbarrier.arrive $0xFFFF;
	(pc) =	sbr.rel @p0 .LBB2_1-.Ltmp1, $4  }
0x54: {  	[hbm:s6@s14], [sflag:s12] =	dma.strided [spmem:s13@s15], $0x50, s9, $0x10   }
0x55: {  	_ =	swait.ge [sflag:s9], $0x50  }
0x56: {  	[sflag:s9] =	ssyncset.done $0x0  }
0x57: {  	[sflag:s9] =	ssyncadd.s32 $0xFFFFFFB0  }
0x58: {  	_ =	sfence.sel $0x180000  }
0x59: {  	[bflag:$0x0] =	sbarrier.arrive $0xFFFF  }
0x5a: {  	p0 =	sne.s32 s1, $0x0;
	_ =	strace $0x90000047  }
0x5b: {  	s0 =	sadd.s32 @!p0 $0x100000, s0;
	[bflag:$0x2] =	sbarrier.arrive $0xFFFF  }
0x5c: {  	[sflag:s0] =	ssyncadd.tile.s32 @!p0 $0x1;
	_ =	shalt  }
.Lfunc_end2:
_tile_overlayer_lowered:
.L_overlay_start_2:
0x5d: {  	(tag) =	ssettag $0x2  }
0x5e: {  	s0 =	rddreg [dreg:$0x0];
	s2 =	stileid.u32  }
0x5f: {  	s1 =	rddreg [dreg:$0x1];
	p0 =	sne.s32 s2, $0x0  }
0x60: {  	s3 =	rddreg [dreg:$0x2];
	[bflag:$0x3] =	sbarrier.arrive $0xFFFF;
	s2 =	simm.s32 @!p0 $0x1C01  }
0x61: {  	[timem:s3], [sflag:s2] =	dma.local @!p0 [hbm:s0], s1  }
0x62: {  	s0 =	simm.s32 @!p0 $0x1  }
0x63: {  	_ =	swait.ge @!p0 [sflag:s0], s1  }
0x64: {  	s1 =	ssub.s32 @!p0 $0x0, s1;
	[sflag:s0] =	ssyncset.done @!p0 $0x0  }
0x65: {  	[sflag:s0] =	ssyncadd.s32 @!p0 s1  }
0x66: {  	[bflag:$0x3] =	sbarrier.arrive $0xFFFF  }
0x67: {  	_ =	shalt  }

</sc_bundles>
